<compile_context>
chip_gen: v7x
topology: tpu7x:2x2x1
jax: 0.10.2.dev20260603
libtpu: 0.0.44.dev20260713+nightly
codegen_flags: <defaults>
</compile_context>

<pallas_src>
import functools

import jax
import jax.numpy as jnp
from jax import lax
from jax.experimental import pallas as pl
from jax.experimental.pallas import tpu as pltpu, tpu_sc as plsc

N_SPATIAL = 3
N_POL = 8
DT = 0.01

N = 10000
E = 320000
D = 128

NC = 2
NS = 16
NW = NC * NS
EB = 128
CH = 16
NCH = 5
NB = CH * NCH
EPT = NB * EB
EPAD = NW * EPT
ACC_ROWS = 10240
ZROWS = ACC_ROWS // NS
ZFULL = ZROWS // EB
OUT_RPT = 640
OUT_TAIL = N - 15 * OUT_RPT

_RBLK = 2000
_GRID = N // _RBLK


def _tc_pre_body(x_ref, wm_ref, bm_ref, r_ref):
    g = jnp.dot(x_ref[...], wm_ref[...], preferred_element_type=jnp.float32)
    r_ref[...] = jnp.maximum(g + bm_ref[...], 0.0)


def _tc_pre(x, W_msg, b_msg2):
    return pl.pallas_call(
        _tc_pre_body,
        grid=(_GRID,),
        in_specs=[
            pl.BlockSpec((_RBLK, D), lambda i: (i, 0)),
            pl.BlockSpec((D, D), lambda i: (0, 0)),
            pl.BlockSpec((1, D), lambda i: (0, 0)),
        ],
        out_specs=pl.BlockSpec((_RBLK, D), lambda i: (i, 0)),
        out_shape=jax.ShapeDtypeStruct((N, D), jnp.float32),
    )(x, W_msg, b_msg2)


def _tc_update_body(x_ref, m_ref, wo_ref, bo_ref, wm_ref, bm_ref, xo_ref, ro_ref):
    msgs = m_ref[0] + m_ref[1]
    out = jnp.dot(msgs, wo_ref[...], preferred_element_type=jnp.float32) + bo_ref[...]
    xn = x_ref[...] + DT * out
    col = lax.broadcasted_iota(jnp.int32, (_RBLK, D), 1)
    pm = (col >= N_SPATIAL) & (col < N_SPATIAL + 2 * N_POL)
    sq = jnp.where(pm, xn * xn, 0.0)
    nrm = jnp.sqrt(jnp.sum(sq, axis=1, keepdims=True))
    scale = 1.0 / jnp.maximum(nrm, 1e-8)
    xn = jnp.where(pm, xn * scale, xn)
    xo_ref[...] = xn
    g = jnp.dot(xn, wm_ref[...], preferred_element_type=jnp.float32)
    ro_ref[...] = jnp.maximum(g + bm_ref[...], 0.0)


def _tc_update(x, m2, W_out, b_out2, W_msg, b_msg2):
    return pl.pallas_call(
        _tc_update_body,
        grid=(_GRID,),
        in_specs=[
            pl.BlockSpec((_RBLK, D), lambda i: (i, 0)),
            pl.BlockSpec((NC, _RBLK, D), lambda i: (0, i, 0)),
            pl.BlockSpec((D, D), lambda i: (0, 0)),
            pl.BlockSpec((1, D), lambda i: (0, 0)),
            pl.BlockSpec((D, D), lambda i: (0, 0)),
            pl.BlockSpec((1, D), lambda i: (0, 0)),
        ],
        out_specs=[
            pl.BlockSpec((_RBLK, D), lambda i: (i, 0)),
            pl.BlockSpec((_RBLK, D), lambda i: (i, 0)),
        ],
        out_shape=[
            jax.ShapeDtypeStruct((N, D), jnp.float32),
            jax.ShapeDtypeStruct((N, D), jnp.float32),
        ],
    )(x, m2, W_out, b_out2, W_msg, b_msg2)


def _sc_seg_body(r_hbm, src_hbm, dst_hbm, out_hbm, ring_s, ring_d,
                 b0, b1, acc, g0, g1, ssem, dsem):
    bufs = (b0, b1)
    gsems = (g0, g1)
    cid = lax.axis_index("c")
    sid = lax.axis_index("s")
    wid = cid * NS + sid

    def _zrow(i, c):
        def _zcol(j, c2):
            b0[i, pl.ds(j * 16, 16)] = jnp.zeros((16,), jnp.float32)
            return c2
        return lax.fori_loop(0, D // 16, _zcol, c)
    lax.fori_loop(0, EB, _zrow, 0)

    def _zcopy(k, c):
        pltpu.sync_copy(b0, acc.at[pl.ds(sid * ZROWS + k * EB, EB)])
        return c
    lax.fori_loop(0, ZFULL, _zcopy, 0)
    plsc.subcore_barrier()

    def _idx_start(c, slot):
        pltpu.async_copy(src_hbm.at[wid, pl.ds(c * CH, CH)], ring_s.at[slot], ssem)
        pltpu.async_copy(dst_hbm.at[wid, pl.ds(c * CH, CH)], ring_d.at[slot], dsem)

    def _idx_wait(c, slot):
        pltpu.make_async_copy(src_hbm.at[wid, pl.ds(c * CH, CH)], ring_s.at[slot], ssem).wait()
        pltpu.make_async_copy(dst_hbm.at[wid, pl.ds(c * CH, CH)], ring_d.at[slot], dsem).wait()

    def _g_start(slot, i, u):
        pltpu.async_copy(r_hbm.at[ring_s.at[slot, i]], bufs[u], gsems[u])

    def _g_wait(slot, i, u):
        pltpu.make_async_copy(r_hbm.at[ring_s.at[slot, i]], bufs[u], gsems[u]).wait()

    def _finish(slot, i, u):
        _g_wait(slot, i, u)
        pltpu.sync_copy(bufs[u], acc.at[ring_d.at[slot, i]], add=True)

    pltpu.sync_copy(src_hbm.at[wid, pl.ds(0, CH)], ring_s.at[0])
    pltpu.sync_copy(dst_hbm.at[wid, pl.ds(0, CH)], ring_d.at[0])
    _idx_start(1, 1)
    _g_start(0, 0, 0)

    for c in range(NCH):
        sc = c % 2
        def _pair(kk, carry, sc=sc):
            i = 2 * kk
            _g_start(sc, i + 1, 1)
            _finish(sc, i, 0)
            _g_start(sc, i + 2, 0)
            _finish(sc, i + 1, 1)
            return carry
        lax.fori_loop(0, CH // 2 - 1, _pair, 0)
        _g_start(sc, CH - 1, 1)
        _finish(sc, CH - 2, 0)
        if c + 1 < NCH:
            _idx_wait(c + 1, 1 - sc)
            _g_start(1 - sc, 0, 0)
            _finish(sc, CH - 1, 1)
            if c + 2 < NCH:
                _idx_start(c + 2, sc)
        else:
            _finish(sc, CH - 1, 1)
    plsc.subcore_barrier()

    @pl.when(sid < NS - 1)
    def _():
        pltpu.sync_copy(acc.at[pl.ds(sid * OUT_RPT, OUT_RPT)],
                        out_hbm.at[cid, pl.ds(sid * OUT_RPT, OUT_RPT)])

    @pl.when(sid == NS - 1)
    def _():
        pltpu.sync_copy(acc.at[pl.ds((NS - 1) * OUT_RPT, OUT_TAIL)],
                        out_hbm.at[cid, pl.ds((NS - 1) * OUT_RPT, OUT_TAIL)])


@functools.lru_cache(maxsize=1)
def _sc_segsum_call():
    mesh = plsc.VectorSubcoreMesh(core_axis_name="c", subcore_axis_name="s")
    return pl.kernel(
        _sc_seg_body,
        mesh=mesh,
        out_type=jax.ShapeDtypeStruct((NC, N, D), jnp.float32),
        scratch_types=[
            pltpu.VMEM((2, CH, EB), jnp.int32),
            pltpu.VMEM((2, CH, EB), jnp.int32),
            pltpu.VMEM((EB, D), jnp.float32),
            pltpu.VMEM((EB, D), jnp.float32),
            pltpu.VMEM_SHARED((ACC_ROWS, D), jnp.float32),
            pltpu.SemaphoreType.DMA,
            pltpu.SemaphoreType.DMA,
            pltpu.SemaphoreType.DMA,
            pltpu.SemaphoreType.DMA,
        ],
    )


def kernel(x, edge_index, steps, W_msg, b_msg, W_out, b_out):
    src = edge_index[0].astype(jnp.int32)
    dst = edge_index[1].astype(jnp.int32)
    npad = EPAD - E
    src3 = jnp.concatenate([src, jnp.zeros((npad,), jnp.int32)]).reshape(NW, NB, EB)
    dst3 = jnp.concatenate([dst, jnp.full((npad,), N, jnp.int32)]).reshape(NW, NB, EB)
    b_msg2 = b_msg.reshape(1, D)
    b_out2 = b_out.reshape(1, D)

    seg = _sc_segsum_call()
    r0 = _tc_pre(x, W_msg, b_msg2)

    def _step(_, carry):
        xc, rc = carry
        m2 = seg(rc, src3, dst3)
        xn, rn = _tc_update(xc, m2, W_out, b_out2, W_msg, b_msg2)
        return (xn, rn)

    xf, _ = lax.fori_loop(0, steps, _step, (x, r0))
    return xf

# --- scband reference (transcript-rebuilt; emitter-appended) ---
"""Pipeline reference for scband-particle-48275432407152 (READ-ONLY COPY).

The authoritative reference and input builder live on the scoring server;
editing this copy changes nothing except your own understanding.
"""

import jax, jax.numpy as jnp
import numpy as np

N_SPATIAL = 3
N_POL = 8
DT = 0.01
N_NODES = 10000
N_EDGES = 320000
D_FEAT = 128
MSG_OUT = 128
STEPS = 4


def setup_inputs(seed: int = 0) -> dict:
    key = jax.random.key(seed)
    k1, k2, k3, k4 = jax.random.split(key, 4)
    x = jax.random.normal(k1, (N_NODES, D_FEAT), dtype=jnp.float32)
    edge_index = jax.random.randint(k2, (2, N_EDGES), 0, N_NODES)
    # CustomNNConv message MLP params (in_channels -> message_out_channels)
    W_msg = jax.random.normal(k3, (D_FEAT, MSG_OUT), dtype=jnp.float32) * (1.0 / np.sqrt(D_FEAT))
    b_msg = jnp.zeros((MSG_OUT,), dtype=jnp.float32)
    # message_to_output Linear (message_out_channels -> out_dim)
    W_out = jax.random.normal(k4, (MSG_OUT, D_FEAT), dtype=jnp.float32) * (1.0 / np.sqrt(MSG_OUT))
    b_out = jnp.zeros((D_FEAT,), dtype=jnp.float32)
    return {"x": x, "edge_index": edge_index, "steps": STEPS, "W_msg": W_msg, "b_msg": b_msg, "W_out": W_out, "b_out": b_out}


def _normalize(v, eps=1e-08):
    # F.normalize(p=2, dim=1): v / max(||v||_2, eps)
    n = jnp.linalg.norm(v, axis=1, keepdims=True)
    return v / jnp.maximum(n, eps)


def reference(x, edge_index, steps, W_msg, b_msg, W_out, b_out):
    src = edge_index[0]
    dst = edge_index[1]
    n = x.shape[0]

    def _step(_, x):
        # CustomNNConv: per-edge message from source node features, scatter-add to dst
        h = jnp.maximum(jnp.take(x, src, axis=0) @ W_msg + b_msg, 0.0)
        messages = jax.ops.segment_sum(h, dst, num_segments=n)
        # message_to_output
        output = messages @ W_out + b_out
        # update
        x = x + output * DT
        start = N_SPATIAL
        end = start + 2 * N_POL
        pol = _normalize(x[:, start:end])
        x = jnp.concatenate((x[:, :start], pol, x[:, end:]), axis=1)
        return x

    x = jax.lax.fori_loop(0, steps, _step, x)
    return x

if __name__ == "__main__":
    import jax
    _d = setup_inputs()
    print(jax.jit(kernel)(*tuple(_d.values())))

</pallas_src>

<mosaic_0001>
#map = affine_map<(d0, d1) -> (0, 0)>
#map1 = affine_map<(d0, d1) -> (0, 0, 0)>
module attributes {stable_mosaic.version = 14 : i64} {
  func.func @_sc_seg_body(%arg0: i32, %arg1: i32, %arg2: memref<10000x128xf32, #tpu.memory_space<hbm>>, %arg3: memref<32x80x128xi32, #tpu.memory_space<hbm>>, %arg4: memref<32x80x128xi32, #tpu.memory_space<hbm>>, %arg5: memref<2x10000x128xf32, #tpu.memory_space<hbm>>, %arg6: memref<2x16x128xi32, #tpu.memory_space<vmem>>, %arg7: memref<2x16x128xi32, #tpu.memory_space<vmem>>, %arg8: memref<128x128xf32, #tpu.memory_space<vmem>>, %arg9: memref<128x128xf32, #tpu.memory_space<vmem>>, %arg10: memref<10240x128xf32, #tpu.memory_space<vmem_shared>>, %arg11: memref<!tpu.dma_semaphore, #tpu.memory_space<semaphore_mem>>, %arg12: memref<!tpu.dma_semaphore, #tpu.memory_space<semaphore_mem>>, %arg13: memref<!tpu.dma_semaphore, #tpu.memory_space<semaphore_mem>>, %arg14: memref<!tpu.dma_semaphore, #tpu.memory_space<semaphore_mem>>) attributes {dimension_semantics = [#tpu.dimension_semantics<core_parallel>, #tpu.dimension_semantics<subcore_parallel>], iteration_bounds = array<i64: 2, 16>, scalar_prefetch = 0 : i64, scratch_operands = 9 : i64, tpu.core_type = #tpu.core_type<sc_vector_subcore>, window_params = [{transform_indices = #map}, {transform_indices = #map1}, {transform_indices = #map1}, {transform_indices = #map1}]} {
    %mul3A = arith.constant 16 : i32
    %mul3A_0 = arith.muli %arg0, %mul3A : i32
    %add3A = arith.addi %mul3A_0, %arg1 : i32
    %scan3A = arith.constant 0 : i32
    %scan3A_1 = arith.constant 0 : i32
    %scan3A_2 = arith.constant 128 : i32
    %scan3A_3 = arith.addi %scan3A_1, %scan3A_2 : i32
    %scan3A_4 = arith.constant 1 : i32
    scf.for %scan3A_500 = %scan3A_1 to %scan3A_3 step %scan3A_4  : i32 {
      %scan3A_501 = arith.constant 0 : i32
      %scan3A_502 = arith.constant 8 : i32
      %scan3A_503 = arith.addi %scan3A_501, %scan3A_502 : i32
      %scan3A_504 = arith.constant 1 : i32
      scf.for %scan3A_506 = %scan3A_501 to %scan3A_503 step %scan3A_504  : i32 {
        %broadcast_in_dim3A = arith.constant 0.000000e+00 : f32
        %broadcast_in_dim3A_507 = vector.broadcast %broadcast_in_dim3A : f32 to vector<16xf32>
        %mul3A_508 = arith.constant 16 : i32
        %mul3A_509 = arith.muli %scan3A_506, %mul3A_508 : i32
        %swap3A = arith.index_cast %scan3A_500 : i32 to index
        %swap3A_510 = arith.index_cast %mul3A_509 : i32 to index
        %swap3A_511 = tpu.vector_load %arg8[%swap3A, %swap3A_510] {strides = array<i32>} : memref<128x128xf32, #tpu.memory_space<vmem>>, vector<1x16xf32>,
        %swap3A_512 = vector.shape_cast %swap3A_511 : vector<1x16xf32> to vector<16xf32>
        %swap3A_513 = vector.shape_cast %broadcast_in_dim3A_507 : vector<16xf32> to vector<1x16xf32>
        tpu.vector_store %arg8[%swap3A, %swap3A_510], %swap3A_513 {strides = array<i32>} : memref<128x128xf32, #tpu.memory_space<vmem>>, vector<1x16xf32>,
      }
      %scan3A_505 = arith.constant 8 : i32
    }
    %scan3A_5 = arith.constant 128 : i32
    %scan3A_6 = arith.constant 0 : i32
    %scan3A_7 = arith.constant 0 : i32
    %scan3A_8 = arith.constant 5 : i32
    %scan3A_9 = arith.addi %scan3A_7, %scan3A_8 : i32
    %scan3A_10 = arith.constant 1 : i32
    scf.for %scan3A_500 = %scan3A_7 to %scan3A_9 step %scan3A_10  : i32 {
      %mul3A_501 = arith.constant 640 : i32
      %mul3A_502 = arith.muli %arg1, %mul3A_501 : i32
      %mul3A_503 = arith.constant 128 : i32
      %mul3A_504 = arith.muli %scan3A_500, %mul3A_503 : i32
      %add3A_505 = arith.addi %mul3A_502, %mul3A_504 : i32
      "tpu.region"() ({
        %run_scoped3A_506 = tpu.sem_alloc : memref<!tpu.dma_semaphore, #tpu.memory_space<semaphore_mem>>
        %dma_start3A_507 = arith.constant 0 : i32
        %dma_start3A_508 = tpu.memref_slice %arg10[%add3A_505, %dma_start3A_507] : memref<10240x128xf32, #tpu.memory_space<vmem_shared>> -> memref<128x128xf32, #tpu.memory_space<vmem_shared>>
        %dma_start3A_509 = arith.constant 0 : i32
        %dma_start3A_510 = tpu.memref_slice %arg10[%add3A_505, %dma_start3A_509] : memref<10240x128xf32, #tpu.memory_space<vmem_shared>> -> memref<128x128xf32, #tpu.memory_space<vmem_shared>>
        tpu.enqueue_dma source(%arg8 : memref<128x128xf32, #tpu.memory_space<vmem>>) target(%dma_start3A_510 : memref<128x128xf32, #tpu.memory_space<vmem_shared>>) target_semaphore(%run_scoped3A_506 : memref<!tpu.dma_semaphore, #tpu.memory_space<semaphore_mem>>)
        %dma_wait3A_511 = arith.constant 0 : i32
        %dma_wait3A_512 = tpu.memref_slice %arg10[%add3A_505, %dma_wait3A_511] : memref<10240x128xf32, #tpu.memory_space<vmem_shared>> -> memref<128x128xf32, #tpu.memory_space<vmem_shared>>
        %dma_wait3A_513 = arith.constant 0 : i32
        %dma_wait3A_514 = tpu.memref_slice %arg10[%add3A_505, %dma_wait3A_513] : memref<10240x128xf32, #tpu.memory_space<vmem_shared>> -> memref<128x128xf32, #tpu.memory_space<vmem_shared>>
        tpu.wait_dma2 semaphore(%run_scoped3A_506 : memref<!tpu.dma_semaphore, #tpu.memory_space<semaphore_mem>>) src(%arg8 : memref<128x128xf32, #tpu.memory_space<vmem>>) dst(%dma_wait3A_514 : memref<128x128xf32, #tpu.memory_space<vmem_shared>>)
        tpu.yield
      }) : () -> ()
    }
    %scan3A_11 = arith.constant 5 : i32
    %barrier3A = arith.constant 0 : index
    tpu.barrier barrier_id(%barrier3A)
    %run_scoped3A = arith.constant 0 : i32
    "tpu.region"() ({
      %run_scoped3A_500 = tpu.sem_alloc : memref<!tpu.dma_semaphore, #tpu.memory_space<semaphore_mem>>
      %dma_start3A_501 = arith.constant 0 : i32
      %dma_start3A_502 = arith.constant 0 : i32
      %dma_start3A_503 = tpu.memref_slice %arg6[%run_scoped3A, %dma_start3A_501, %dma_start3A_502] : memref<2x16x128xi32, #tpu.memory_space<vmem>> -> memref<1x16x128xi32, #tpu.memory_space<vmem>>
      %dma_start3A_504 = tpu.memref_squeeze %dma_start3A_503 : memref<1x16x128xi32, #tpu.memory_space<vmem>> -> memref<16x128xi32, #tpu.memory_space<vmem>>
      %dma_start3A_505 = arith.constant 0 : i32
      %dma_start3A_506 = arith.constant 0 : i32
      %dma_start3A_507 = tpu.memref_slice %arg3[%add3A, %dma_start3A_505, %dma_start3A_506] : memref<32x80x128xi32, #tpu.memory_space<hbm>> -> memref<1x16x128xi32, #tpu.memory_space<hbm>>
      %dma_start3A_508 = tpu.memref_squeeze %dma_start3A_507 : memref<1x16x128xi32, #tpu.memory_space<hbm>> -> memref<16x128xi32, #tpu.memory_space<hbm>>
      %dma_start3A_509 = arith.constant 0 : i32
      %dma_start3A_510 = arith.constant 0 : i32
      %dma_start3A_511 = tpu.memref_slice %arg6[%run_scoped3A, %dma_start3A_509, %dma_start3A_510] : memref<2x16x128xi32, #tpu.memory_space<vmem>> -> memref<1x16x128xi32, #tpu.memory_space<vmem>>
      %dma_start3A_512 = tpu.memref_squeeze %dma_start3A_511 : memref<1x16x128xi32, #tpu.memory_space<vmem>> -> memref<16x128xi32, #tpu.memory_space<vmem>>
      %dma_start3A_513 = arith.constant 0 : i32
      %dma_start3A_514 = arith.constant 0 : i32
      %dma_start3A_515 = tpu.memref_slice %arg3[%add3A, %dma_start3A_513, %dma_start3A_514] : memref<32x80x128xi32, #tpu.memory_space<hbm>> -> memref<1x16x128xi32, #tpu.memory_space<hbm>>
      %dma_start3A_516 = tpu.memref_squeeze %dma_start3A_515 : memref<1x16x128xi32, #tpu.memory_space<hbm>> -> memref<16x128xi32, #tpu.memory_space<hbm>>
      tpu.enqueue_dma source(%dma_start3A_516 : memref<16x128xi32, #tpu.memory_space<hbm>>) target(%dma_start3A_512 : memref<16x128xi32, #tpu.memory_space<vmem>>) target_semaphore(%run_scoped3A_500 : memref<!tpu.dma_semaphore, #tpu.memory_space<semaphore_mem>>)
      %dma_wait3A_517 = arith.constant 0 : i32
      %dma_wait3A_518 = arith.constant 0 : i32
      %dma_wait3A_519 = tpu.memref_slice %arg6[%run_scoped3A, %dma_wait3A_517, %dma_wait3A_518] : memref<2x16x128xi32, #tpu.memory_space<vmem>> -> memref<1x16x128xi32, #tpu.memory_space<vmem>>
      %dma_wait3A_520 = tpu.memref_squeeze %dma_wait3A_519 : memref<1x16x128xi32, #tpu.memory_space<vmem>> -> memref<16x128xi32, #tpu.memory_space<vmem>>
      %dma_wait3A_521 = arith.constant 0 : i32
      %dma_wait3A_522 = arith.constant 0 : i32
      %dma_wait3A_523 = tpu.memref_slice %arg3[%add3A, %dma_wait3A_521, %dma_wait3A_522] : memref<32x80x128xi32, #tpu.memory_space<hbm>> -> memref<1x16x128xi32, #tpu.memory_space<hbm>>
      %dma_wait3A_524 = tpu.memref_squeeze %dma_wait3A_523 : memref<1x16x128xi32, #tpu.memory_space<hbm>> -> memref<16x128xi32, #tpu.memory_space<hbm>>
      %dma_wait3A_525 = arith.constant 0 : i32
      %dma_wait3A_526 = arith.constant 0 : i32
      %dma_wait3A_527 = tpu.memref_slice %arg6[%run_scoped3A, %dma_wait3A_525, %dma_wait3A_526] : memref<2x16x128xi32, #tpu.memory_space<vmem>> -> memref<1x16x128xi32, #tpu.memory_space<vmem>>
      %dma_wait3A_528 = tpu.memref_squeeze %dma_wait3A_527 : memref<1x16x128xi32, #tpu.memory_space<vmem>> -> memref<16x128xi32, #tpu.memory_space<vmem>>
      %dma_wait3A_529 = arith.constant 0 : i32
      %dma_wait3A_530 = arith.constant 0 : i32
      %dma_wait3A_531 = tpu.memref_slice %arg3[%add3A, %dma_wait3A_529, %dma_wait3A_530] : memref<32x80x128xi32, #tpu.memory_space<hbm>> -> memref<1x16x128xi32, #tpu.memory_space<hbm>>
      %dma_wait3A_532 = tpu.memref_squeeze %dma_wait3A_531 : memref<1x16x128xi32, #tpu.memory_space<hbm>> -> memref<16x128xi32, #tpu.memory_space<hbm>>
      tpu.wait_dma2 semaphore(%run_scoped3A_500 : memref<!tpu.dma_semaphore, #tpu.memory_space<semaphore_mem>>) src(%dma_wait3A_532 : memref<16x128xi32, #tpu.memory_space<hbm>>) dst(%dma_wait3A_528 : memref<16x128xi32, #tpu.memory_space<vmem>>)
      tpu.yield
    }) : () -> ()
    %run_scoped3A_12 = arith.constant 0 : i32
    "tpu.region"() ({
      %run_scoped3A_500 = tpu.sem_alloc : memref<!tpu.dma_semaphore, #tpu.memory_space<semaphore_mem>>
      %dma_start3A_501 = arith.constant 0 : i32
      %dma_start3A_502 = arith.constant 0 : i32
      %dma_start3A_503 = tpu.memref_slice %arg7[%run_scoped3A_12, %dma_start3A_501, %dma_start3A_502] : memref<2x16x128xi32, #tpu.memory_space<vmem>> -> memref<1x16x128xi32, #tpu.memory_space<vmem>>
      %dma_start3A_504 = tpu.memref_squeeze %dma_start3A_503 : memref<1x16x128xi32, #tpu.memory_space<vmem>> -> memref<16x128xi32, #tpu.memory_space<vmem>>
      %dma_start3A_505 = arith.constant 0 : i32
      %dma_start3A_506 = arith.constant 0 : i32
      %dma_start3A_507 = tpu.memref_slice %arg4[%add3A, %dma_start3A_505, %dma_start3A_506] : memref<32x80x128xi32, #tpu.memory_space<hbm>> -> memref<1x16x128xi32, #tpu.memory_space<hbm>>
      %dma_start3A_508 = tpu.memref_squeeze %dma_start3A_507 : memref<1x16x128xi32, #tpu.memory_space<hbm>> -> memref<16x128xi32, #tpu.memory_space<hbm>>
      %dma_start3A_509 = arith.constant 0 : i32
      %dma_start3A_510 = arith.constant 0 : i32
      %dma_start3A_511 = tpu.memref_slice %arg7[%run_scoped3A_12, %dma_start3A_509, %dma_start3A_510] : memref<2x16x128xi32, #tpu.memory_space<vmem>> -> memref<1x16x128xi32, #tpu.memory_space<vmem>>
      %dma_start3A_512 = tpu.memref_squeeze %dma_start3A_511 : memref<1x16x128xi32, #tpu.memory_space<vmem>> -> memref<16x128xi32, #tpu.memory_space<vmem>>
      %dma_start3A_513 = arith.constant 0 : i32
      %dma_start3A_514 = arith.constant 0 : i32
      %dma_start3A_515 = tpu.memref_slice %arg4[%add3A, %dma_start3A_513, %dma_start3A_514] : memref<32x80x128xi32, #tpu.memory_space<hbm>> -> memref<1x16x128xi32, #tpu.memory_space<hbm>>
      %dma_start3A_516 = tpu.memref_squeeze %dma_start3A_515 : memref<1x16x128xi32, #tpu.memory_space<hbm>> -> memref<16x128xi32, #tpu.memory_space<hbm>>
      tpu.enqueue_dma source(%dma_start3A_516 : memref<16x128xi32, #tpu.memory_space<hbm>>) target(%dma_start3A_512 : memref<16x128xi32, #tpu.memory_space<vmem>>) target_semaphore(%run_scoped3A_500 : memref<!tpu.dma_semaphore, #tpu.memory_space<semaphore_mem>>)
      %dma_wait3A_517 = arith.constant 0 : i32
      %dma_wait3A_518 = arith.constant 0 : i32
      %dma_wait3A_519 = tpu.memref_slice %arg7[%run_scoped3A_12, %dma_wait3A_517, %dma_wait3A_518] : memref<2x16x128xi32, #tpu.memory_space<vmem>> -> memref<1x16x128xi32, #tpu.memory_space<vmem>>
      %dma_wait3A_520 = tpu.memref_squeeze %dma_wait3A_519 : memref<1x16x128xi32, #tpu.memory_space<vmem>> -> memref<16x128xi32, #tpu.memory_space<vmem>>
      %dma_wait3A_521 = arith.constant 0 : i32
      %dma_wait3A_522 = arith.constant 0 : i32
      %dma_wait3A_523 = tpu.memref_slice %arg4[%add3A, %dma_wait3A_521, %dma_wait3A_522] : memref<32x80x128xi32, #tpu.memory_space<hbm>> -> memref<1x16x128xi32, #tpu.memory_space<hbm>>
      %dma_wait3A_524 = tpu.memref_squeeze %dma_wait3A_523 : memref<1x16x128xi32, #tpu.memory_space<hbm>> -> memref<16x128xi32, #tpu.memory_space<hbm>>
      %dma_wait3A_525 = arith.constant 0 : i32
      %dma_wait3A_526 = arith.constant 0 : i32
      %dma_wait3A_527 = tpu.memref_slice %arg7[%run_scoped3A_12, %dma_wait3A_525, %dma_wait3A_526] : memref<2x16x128xi32, #tpu.memory_space<vmem>> -> memref<1x16x128xi32, #tpu.memory_space<vmem>>
      %dma_wait3A_528 = tpu.memref_squeeze %dma_wait3A_527 : memref<1x16x128xi32, #tpu.memory_space<vmem>> -> memref<16x128xi32, #tpu.memory_space<vmem>>
      %dma_wait3A_529 = arith.constant 0 : i32
      %dma_wait3A_530 = arith.constant 0 : i32
      %dma_wait3A_531 = tpu.memref_slice %arg4[%add3A, %dma_wait3A_529, %dma_wait3A_530] : memref<32x80x128xi32, #tpu.memory_space<hbm>> -> memref<1x16x128xi32, #tpu.memory_space<hbm>>
      %dma_wait3A_532 = tpu.memref_squeeze %dma_wait3A_531 : memref<1x16x128xi32, #tpu.memory_space<hbm>> -> memref<16x128xi32, #tpu.memory_space<hbm>>
      tpu.wait_dma2 semaphore(%run_scoped3A_500 : memref<!tpu.dma_semaphore, #tpu.memory_space<semaphore_mem>>) src(%dma_wait3A_532 : memref<16x128xi32, #tpu.memory_space<hbm>>) dst(%dma_wait3A_528 : memref<16x128xi32, #tpu.memory_space<vmem>>)
      tpu.yield
    }) : () -> ()
    %dma_start3A = arith.constant 1 : i32
    %dma_start3A_13 = arith.constant 0 : i32
    %dma_start3A_14 = arith.constant 0 : i32
    %dma_start3A_15 = tpu.memref_slice %arg6[%dma_start3A, %dma_start3A_13, %dma_start3A_14] : memref<2x16x128xi32, #tpu.memory_space<vmem>> -> memref<1x16x128xi32, #tpu.memory_space<vmem>>
    %dma_start3A_16 = tpu.memref_squeeze %dma_start3A_15 : memref<1x16x128xi32, #tpu.memory_space<vmem>> -> memref<16x128xi32, #tpu.memory_space<vmem>>
    %dma_start3A_17 = arith.constant 16 : i32
    %dma_start3A_18 = arith.constant 0 : i32
    %dma_start3A_19 = tpu.memref_slice %arg3[%add3A, %dma_start3A_17, %dma_start3A_18] : memref<32x80x128xi32, #tpu.memory_space<hbm>> -> memref<1x16x128xi32, #tpu.memory_space<hbm>>
    %dma_start3A_20 = tpu.memref_squeeze %dma_start3A_19 : memref<1x16x128xi32, #tpu.memory_space<hbm>> -> memref<16x128xi32, #tpu.memory_space<hbm>>
    %dma_start3A_21 = arith.constant 0 : i32
    %dma_start3A_22 = arith.constant 0 : i32
    %dma_start3A_23 = tpu.memref_slice %arg6[%dma_start3A, %dma_start3A_21, %dma_start3A_22] : memref<2x16x128xi32, #tpu.memory_space<vmem>> -> memref<1x16x128xi32, #tpu.memory_space<vmem>>
    %dma_start3A_24 = tpu.memref_squeeze %dma_start3A_23 : memref<1x16x128xi32, #tpu.memory_space<vmem>> -> memref<16x128xi32, #tpu.memory_space<vmem>>
    %dma_start3A_25 = arith.constant 16 : i32
    %dma_start3A_26 = arith.constant 0 : i32
    %dma_start3A_27 = tpu.memref_slice %arg3[%add3A, %dma_start3A_25, %dma_start3A_26] : memref<32x80x128xi32, #tpu.memory_space<hbm>> -> memref<1x16x128xi32, #tpu.memory_space<hbm>>
    %dma_start3A_28 = tpu.memref_squeeze %dma_start3A_27 : memref<1x16x128xi32, #tpu.memory_space<hbm>> -> memref<16x128xi32, #tpu.memory_space<hbm>>
    tpu.enqueue_dma source(%dma_start3A_28 : memref<16x128xi32, #tpu.memory_space<hbm>>) target(%dma_start3A_24 : memref<16x128xi32, #tpu.memory_space<vmem>>) target_semaphore(%arg13 : memref<!tpu.dma_semaphore, #tpu.memory_space<semaphore_mem>>)
    %dma_start3A_29 = arith.constant 1 : i32
    %dma_start3A_30 = arith.constant 0 : i32
    %dma_start3A_31 = arith.constant 0 : i32
    %dma_start3A_32 = tpu.memref_slice %arg7[%dma_start3A_29, %dma_start3A_30, %dma_start3A_31] : memref<2x16x128xi32, #tpu.memory_space<vmem>> -> memref<1x16x128xi32, #tpu.memory_space<vmem>>
    %dma_start3A_33 = tpu.memref_squeeze %dma_start3A_32 : memref<1x16x128xi32, #tpu.memory_space<vmem>> -> memref<16x128xi32, #tpu.memory_space<vmem>>
    %dma_start3A_34 = arith.constant 16 : i32
    %dma_start3A_35 = arith.constant 0 : i32
    %dma_start3A_36 = tpu.memref_slice %arg4[%add3A, %dma_start3A_34, %dma_start3A_35] : memref<32x80x128xi32, #tpu.memory_space<hbm>> -> memref<1x16x128xi32, #tpu.memory_space<hbm>>
    %dma_start3A_37 = tpu.memref_squeeze %dma_start3A_36 : memref<1x16x128xi32, #tpu.memory_space<hbm>> -> memref<16x128xi32, #tpu.memory_space<hbm>>
    %dma_start3A_38 = arith.constant 0 : i32
    %dma_start3A_39 = arith.constant 0 : i32
    %dma_start3A_40 = tpu.memref_slice %arg7[%dma_start3A_29, %dma_start3A_38, %dma_start3A_39] : memref<2x16x128xi32, #tpu.memory_space<vmem>> -> memref<1x16x128xi32, #tpu.memory_space<vmem>>
    %dma_start3A_41 = tpu.memref_squeeze %dma_start3A_40 : memref<1x16x128xi32, #tpu.memory_space<vmem>> -> memref<16x128xi32, #tpu.memory_space<vmem>>
    %dma_start3A_42 = arith.constant 16 : i32
    %dma_start3A_43 = arith.constant 0 : i32
    %dma_start3A_44 = tpu.memref_slice %arg4[%add3A, %dma_start3A_42, %dma_start3A_43] : memref<32x80x128xi32, #tpu.memory_space<hbm>> -> memref<1x16x128xi32, #tpu.memory_space<hbm>>
    %dma_start3A_45 = tpu.memref_squeeze %dma_start3A_44 : memref<1x16x128xi32, #tpu.memory_space<hbm>> -> memref<16x128xi32, #tpu.memory_space<hbm>>
    tpu.enqueue_dma source(%dma_start3A_45 : memref<16x128xi32, #tpu.memory_space<hbm>>) target(%dma_start3A_41 : memref<16x128xi32, #tpu.memory_space<vmem>>) target_semaphore(%arg14 : memref<!tpu.dma_semaphore, #tpu.memory_space<semaphore_mem>>)
    %dma_start3A_46 = arith.constant 0 : i32
    %dma_start3A_47 = arith.constant 0 : i32
    %dma_start3A_48 = arith.constant 0 : i32
    %dma_start3A_49 = tpu.memref_slice %arg6[%dma_start3A_46, %dma_start3A_47, %dma_start3A_48] : memref<2x16x128xi32, #tpu.memory_space<vmem>> -> memref<1x1x128xi32, #tpu.memory_space<vmem>>
    %dma_start3A_50 = tpu.memref_squeeze %dma_start3A_49 : memref<1x1x128xi32, #tpu.memory_space<vmem>> -> memref<128xi32, #tpu.memory_space<vmem>>
    %dma_start3A_51 = arith.constant 0 : i32
    %dma_start3A_52 = arith.constant 0 : i32
    %dma_start3A_53 = tpu.memref_slice %arg2[%dma_start3A_51, %dma_start3A_52] : memref<10000x128xf32, #tpu.memory_space<hbm>> -> memref<10000x128xf32, #tpu.memory_space<hbm>>
    tpu.enqueue_indirect_dma source(%dma_start3A_53 : memref<10000x128xf32, #tpu.memory_space<hbm>>) target(%arg8 : memref<128x128xf32, #tpu.memory_space<vmem>>) offsets(%dma_start3A_50 : memref<128xi32, #tpu.memory_space<vmem>>) semaphore(%arg11 : memref<!tpu.dma_semaphore, #tpu.memory_space<semaphore_mem>>)
    %scan3A_54 = arith.constant 0 : i32
    %scan3A_55 = arith.constant 0 : i32
    %scan3A_56 = arith.constant 7 : i32
    %scan3A_57 = arith.addi %scan3A_55, %scan3A_56 : i32
    %scan3A_58 = arith.constant 1 : i32
    scf.for %scan3A_500 = %scan3A_55 to %scan3A_57 step %scan3A_58  : i32 {
      %mul3A_501 = arith.constant 2 : i32
      %mul3A_502 = arith.muli %mul3A_501, %scan3A_500 : i32
      %add3A_503 = arith.constant 1 : i32
      %add3A_504 = arith.addi %mul3A_502, %add3A_503 : i32
      %dma_start3A_505 = arith.constant 0 : i32
      %dma_start3A_506 = arith.constant 0 : i32
      %dma_start3A_507 = tpu.memref_slice %arg6[%dma_start3A_505, %add3A_504, %dma_start3A_506] : memref<2x16x128xi32, #tpu.memory_space<vmem>> -> memref<1x1x128xi32, #tpu.memory_space<vmem>>
      %dma_start3A_508 = tpu.memref_squeeze %dma_start3A_507 : memref<1x1x128xi32, #tpu.memory_space<vmem>> -> memref<128xi32, #tpu.memory_space<vmem>>
      %dma_start3A_509 = arith.constant 0 : i32
      %dma_start3A_510 = arith.constant 0 : i32
      %dma_start3A_511 = tpu.memref_slice %arg2[%dma_start3A_509, %dma_start3A_510] : memref<10000x128xf32, #tpu.memory_space<hbm>> -> memref<10000x128xf32, #tpu.memory_space<hbm>>
      tpu.enqueue_indirect_dma source(%dma_start3A_511 : memref<10000x128xf32, #tpu.memory_space<hbm>>) target(%arg9 : memref<128x128xf32, #tpu.memory_space<vmem>>) offsets(%dma_start3A_508 : memref<128xi32, #tpu.memory_space<vmem>>) semaphore(%arg12 : memref<!tpu.dma_semaphore, #tpu.memory_space<semaphore_mem>>)
      %dma_wait3A_512 = arith.constant 0 : i32
      %dma_wait3A_513 = arith.constant 0 : i32
      %dma_wait3A_514 = tpu.memref_slice %arg6[%dma_wait3A_512, %mul3A_502, %dma_wait3A_513] : memref<2x16x128xi32, #tpu.memory_space<vmem>> -> memref<1x1x128xi32, #tpu.memory_space<vmem>>
      %dma_wait3A_515 = tpu.memref_squeeze %dma_wait3A_514 : memref<1x1x128xi32, #tpu.memory_space<vmem>> -> memref<128xi32, #tpu.memory_space<vmem>>
      %dma_wait3A_516 = arith.constant 0 : i32
      %dma_wait3A_517 = arith.constant 0 : i32
      %dma_wait3A_518 = tpu.memref_slice %arg2[%dma_wait3A_516, %dma_wait3A_517] : memref<10000x128xf32, #tpu.memory_space<hbm>> -> memref<10000x128xf32, #tpu.memory_space<hbm>>
      tpu.wait_indirect_dma semaphore(%arg11 : memref<!tpu.dma_semaphore, #tpu.memory_space<semaphore_mem>>) src(%dma_wait3A_518 : memref<10000x128xf32, #tpu.memory_space<hbm>>) dst(%arg8 : memref<128x128xf32, #tpu.memory_space<vmem>>)
      %run_scoped3A_519 = arith.constant 0 : i32
      "tpu.region"() ({
        %run_scoped3A_539 = tpu.sem_alloc : memref<!tpu.dma_semaphore, #tpu.memory_space<semaphore_mem>>
        %dma_start3A_540 = arith.constant 0 : i32
        %dma_start3A_541 = tpu.memref_slice %arg7[%run_scoped3A_519, %mul3A_502, %dma_start3A_540] : memref<2x16x128xi32, #tpu.memory_space<vmem>> -> memref<1x1x128xi32, #tpu.memory_space<vmem>>
        %dma_start3A_542 = tpu.memref_squeeze %dma_start3A_541 : memref<1x1x128xi32, #tpu.memory_space<vmem>> -> memref<128xi32, #tpu.memory_space<vmem>>
        %dma_start3A_543 = arith.constant 0 : i32
        %dma_start3A_544 = arith.constant 0 : i32
        %dma_start3A_545 = tpu.memref_slice %arg10[%dma_start3A_543, %dma_start3A_544] : memref<10240x128xf32, #tpu.memory_space<vmem_shared>> -> memref<10240x128xf32, #tpu.memory_space<vmem_shared>>
        tpu.enqueue_indirect_dma source(%arg8 : memref<128x128xf32, #tpu.memory_space<vmem>>) target(%dma_start3A_545 : memref<10240x128xf32, #tpu.memory_space<vmem_shared>>) offsets(%dma_start3A_542 : memref<128xi32, #tpu.memory_space<vmem>>) semaphore(%run_scoped3A_539 : memref<!tpu.dma_semaphore, #tpu.memory_space<semaphore_mem>>) {add = true}
        %dma_wait3A_546 = arith.constant 0 : i32
        %dma_wait3A_547 = tpu.memref_slice %arg7[%run_scoped3A_519, %mul3A_502, %dma_wait3A_546] : memref<2x16x128xi32, #tpu.memory_space<vmem>> -> memref<1x1x128xi32, #tpu.memory_space<vmem>>
        %dma_wait3A_548 = tpu.memref_squeeze %dma_wait3A_547 : memref<1x1x128xi32, #tpu.memory_space<vmem>> -> memref<128xi32, #tpu.memory_space<vmem>>
        %dma_wait3A_549 = arith.constant 0 : i32
        %dma_wait3A_550 = arith.constant 0 : i32
        %dma_wait3A_551 = tpu.memref_slice %arg10[%dma_wait3A_549, %dma_wait3A_550] : memref<10240x128xf32, #tpu.memory_space<vmem_shared>> -> memref<10240x128xf32, #tpu.memory_space<vmem_shared>>
        tpu.wait_indirect_dma semaphore(%run_scoped3A_539 : memref<!tpu.dma_semaphore, #tpu.memory_space<semaphore_mem>>) src(%arg8 : memref<128x128xf32, #tpu.memory_space<vmem>>) dst(%dma_wait3A_551 : memref<10240x128xf32, #tpu.memory_space<vmem_shared>>)
        tpu.yield
      }) : () -> ()
      %add3A_520 = arith.constant 2 : i32
      %add3A_521 = arith.addi %mul3A_502, %add3A_520 : i32
      %dma_start3A_522 = arith.constant 0 : i32
      %dma_start3A_523 = arith.constant 0 : i32
      %dma_start3A_524 = tpu.memref_slice %arg6[%dma_start3A_522, %add3A_521, %dma_start3A_523] : memref<2x16x128xi32, #tpu.memory_space<vmem>> -> memref<1x1x128xi32, #tpu.memory_space<vmem>>
      %dma_start3A_525 = tpu.memref_squeeze %dma_start3A_524 : memref<1x1x128xi32, #tpu.memory_space<vmem>> -> memref<128xi32, #tpu.memory_space<vmem>>
      %dma_start3A_526 = arith.constant 0 : i32
      %dma_start3A_527 = arith.constant 0 : i32
      %dma_start3A_528 = tpu.memref_slice %arg2[%dma_start3A_526, %dma_start3A_527] : memref<10000x128xf32, #tpu.memory_space<hbm>> -> memref<10000x128xf32, #tpu.memory_space<hbm>>
      tpu.enqueue_indirect_dma source(%dma_start3A_528 : memref<10000x128xf32, #tpu.memory_space<hbm>>) target(%arg8 : memref<128x128xf32, #tpu.memory_space<vmem>>) offsets(%dma_start3A_525 : memref<128xi32, #tpu.memory_space<vmem>>) semaphore(%arg11 : memref<!tpu.dma_semaphore, #tpu.memory_space<semaphore_mem>>)
      %add3A_529 = arith.constant 1 : i32
      %add3A_530 = arith.addi %mul3A_502, %add3A_529 : i32
      %dma_wait3A_531 = arith.constant 0 : i32
      %dma_wait3A_532 = arith.constant 0 : i32
      %dma_wait3A_533 = tpu.memref_slice %arg6[%dma_wait3A_531, %add3A_530, %dma_wait3A_532] : memref<2x16x128xi32, #tpu.memory_space<vmem>> -> memref<1x1x128xi32, #tpu.memory_space<vmem>>
      %dma_wait3A_534 = tpu.memref_squeeze %dma_wait3A_533 : memref<1x1x128xi32, #tpu.memory_space<vmem>> -> memref<128xi32, #tpu.memory_space<vmem>>
      %dma_wait3A_535 = arith.constant 0 : i32
      %dma_wait3A_536 = arith.constant 0 : i32
      %dma_wait3A_537 = tpu.memref_slice %arg2[%dma_wait3A_535, %dma_wait3A_536] : memref<10000x128xf32, #tpu.memory_space<hbm>> -> memref<10000x128xf32, #tpu.memory_space<hbm>>
      tpu.wait_indirect_dma semaphore(%arg12 : memref<!tpu.dma_semaphore, #tpu.memory_space<semaphore_mem>>) src(%dma_wait3A_537 : memref<10000x128xf32, #tpu.memory_space<hbm>>) dst(%arg9 : memref<128x128xf32, #tpu.memory_space<vmem>>)
      %run_scoped3A_538 = arith.constant 0 : i32
      "tpu.region"() ({
        %run_scoped3A_539 = tpu.sem_alloc : memref<!tpu.dma_semaphore, #tpu.memory_space<semaphore_mem>>
        %dma_start3A_540 = arith.constant 0 : i32
        %dma_start3A_541 = tpu.memref_slice %arg7[%run_scoped3A_538, %add3A_530, %dma_start3A_540] : memref<2x16x128xi32, #tpu.memory_space<vmem>> -> memref<1x1x128xi32, #tpu.memory_space<vmem>>
        %dma_start3A_542 = tpu.memref_squeeze %dma_start3A_541 : memref<1x1x128xi32, #tpu.memory_space<vmem>> -> memref<128xi32, #tpu.memory_space<vmem>>
        %dma_start3A_543 = arith.constant 0 : i32
        %dma_start3A_544 = arith.constant 0 : i32
        %dma_start3A_545 = tpu.memref_slice %arg10[%dma_start3A_543, %dma_start3A_544] : memref<10240x128xf32, #tpu.memory_space<vmem_shared>> -> memref<10240x128xf32, #tpu.memory_space<vmem_shared>>
        tpu.enqueue_indirect_dma source(%arg9 : memref<128x128xf32, #tpu.memory_space<vmem>>) target(%dma_start3A_545 : memref<10240x128xf32, #tpu.memory_space<vmem_shared>>) offsets(%dma_start3A_542 : memref<128xi32, #tpu.memory_space<vmem>>) semaphore(%run_scoped3A_539 : memref<!tpu.dma_semaphore, #tpu.memory_space<semaphore_mem>>) {add = true}
        %dma_wait3A_546 = arith.constant 0 : i32
        %dma_wait3A_547 = tpu.memref_slice %arg7[%run_scoped3A_538, %add3A_530, %dma_wait3A_546] : memref<2x16x128xi32, #tpu.memory_space<vmem>> -> memref<1x1x128xi32, #tpu.memory_space<vmem>>
        %dma_wait3A_548 = tpu.memref_squeeze %dma_wait3A_547 : memref<1x1x128xi32, #tpu.memory_space<vmem>> -> memref<128xi32, #tpu.memory_space<vmem>>
        %dma_wait3A_549 = arith.constant 0 : i32
        %dma_wait3A_550 = arith.constant 0 : i32
        %dma_wait3A_551 = tpu.memref_slice %arg10[%dma_wait3A_549, %dma_wait3A_550] : memref<10240x128xf32, #tpu.memory_space<vmem_shared>> -> memref<10240x128xf32, #tpu.memory_space<vmem_shared>>
        tpu.wait_indirect_dma semaphore(%run_scoped3A_539 : memref<!tpu.dma_semaphore, #tpu.memory_space<semaphore_mem>>) src(%arg9 : memref<128x128xf32, #tpu.memory_space<vmem>>) dst(%dma_wait3A_551 : memref<10240x128xf32, #tpu.memory_space<vmem_shared>>)
        tpu.yield
      }) : () -> ()
    }
    %scan3A_59 = arith.constant 7 : i32
    %dma_start3A_60 = arith.constant 0 : i32
    %dma_start3A_61 = arith.constant 15 : i32
    %dma_start3A_62 = arith.constant 0 : i32
    %dma_start3A_63 = tpu.memref_slice %arg6[%dma_start3A_60, %dma_start3A_61, %dma_start3A_62] : memref<2x16x128xi32, #tpu.memory_space<vmem>> -> memref<1x1x128xi32, #tpu.memory_space<vmem>>
    %dma_start3A_64 = tpu.memref_squeeze %dma_start3A_63 : memref<1x1x128xi32, #tpu.memory_space<vmem>> -> memref<128xi32, #tpu.memory_space<vmem>>
    %dma_start3A_65 = arith.constant 0 : i32
    %dma_start3A_66 = arith.constant 0 : i32
    %dma_start3A_67 = tpu.memref_slice %arg2[%dma_start3A_65, %dma_start3A_66] : memref<10000x128xf32, #tpu.memory_space<hbm>> -> memref<10000x128xf32, #tpu.memory_space<hbm>>
    tpu.enqueue_indirect_dma source(%dma_start3A_67 : memref<10000x128xf32, #tpu.memory_space<hbm>>) target(%arg9 : memref<128x128xf32, #tpu.memory_space<vmem>>) offsets(%dma_start3A_64 : memref<128xi32, #tpu.memory_space<vmem>>) semaphore(%arg12 : memref<!tpu.dma_semaphore, #tpu.memory_space<semaphore_mem>>)
    %dma_wait3A = arith.constant 0 : i32
    %dma_wait3A_68 = arith.constant 14 : i32
    %dma_wait3A_69 = arith.constant 0 : i32
    %dma_wait3A_70 = tpu.memref_slice %arg6[%dma_wait3A, %dma_wait3A_68, %dma_wait3A_69] : memref<2x16x128xi32, #tpu.memory_space<vmem>> -> memref<1x1x128xi32, #tpu.memory_space<vmem>>
    %dma_wait3A_71 = tpu.memref_squeeze %dma_wait3A_70 : memref<1x1x128xi32, #tpu.memory_space<vmem>> -> memref<128xi32, #tpu.memory_space<vmem>>
    %dma_wait3A_72 = arith.constant 0 : i32
    %dma_wait3A_73 = arith.constant 0 : i32
    %dma_wait3A_74 = tpu.memref_slice %arg2[%dma_wait3A_72, %dma_wait3A_73] : memref<10000x128xf32, #tpu.memory_space<hbm>> -> memref<10000x128xf32, #tpu.memory_space<hbm>>
    tpu.wait_indirect_dma semaphore(%arg11 : memref<!tpu.dma_semaphore, #tpu.memory_space<semaphore_mem>>) src(%dma_wait3A_74 : memref<10000x128xf32, #tpu.memory_space<hbm>>) dst(%arg8 : memref<128x128xf32, #tpu.memory_space<vmem>>)
    %run_scoped3A_75 = arith.constant 0 : i32
    %run_scoped3A_76 = arith.constant 14 : i32
    "tpu.region"() ({
      %run_scoped3A_500 = tpu.sem_alloc : memref<!tpu.dma_semaphore, #tpu.memory_space<semaphore_mem>>
      %dma_start3A_501 = arith.constant 0 : i32
      %dma_start3A_502 = tpu.memref_slice %arg7[%run_scoped3A_75, %run_scoped3A_76, %dma_start3A_501] : memref<2x16x128xi32, #tpu.memory_space<vmem>> -> memref<1x1x128xi32, #tpu.memory_space<vmem>>
      %dma_start3A_503 = tpu.memref_squeeze %dma_start3A_502 : memref<1x1x128xi32, #tpu.memory_space<vmem>> -> memref<128xi32, #tpu.memory_space<vmem>>
      %dma_start3A_504 = arith.constant 0 : i32
      %dma_start3A_505 = arith.constant 0 : i32
      %dma_start3A_506 = tpu.memref_slice %arg10[%dma_start3A_504, %dma_start3A_505] : memref<10240x128xf32, #tpu.memory_space<vmem_shared>> -> memref<10240x128xf32, #tpu.memory_space<vmem_shared>>
      tpu.enqueue_indirect_dma source(%arg8 : memref<128x128xf32, #tpu.memory_space<vmem>>) target(%dma_start3A_506 : memref<10240x128xf32, #tpu.memory_space<vmem_shared>>) offsets(%dma_start3A_503 : memref<128xi32, #tpu.memory_space<vmem>>) semaphore(%run_scoped3A_500 : memref<!tpu.dma_semaphore, #tpu.memory_space<semaphore_mem>>) {add = true}
      %dma_wait3A_507 = arith.constant 0 : i32
      %dma_wait3A_508 = tpu.memref_slice %arg7[%run_scoped3A_75, %run_scoped3A_76, %dma_wait3A_507] : memref<2x16x128xi32, #tpu.memory_space<vmem>> -> memref<1x1x128xi32, #tpu.memory_space<vmem>>
      %dma_wait3A_509 = tpu.memref_squeeze %dma_wait3A_508 : memref<1x1x128xi32, #tpu.memory_space<vmem>> -> memref<128xi32, #tpu.memory_space<vmem>>
      %dma_wait3A_510 = arith.constant 0 : i32
      %dma_wait3A_511 = arith.constant 0 : i32
      %dma_wait3A_512 = tpu.memref_slice %arg10[%dma_wait3A_510, %dma_wait3A_511] : memref<10240x128xf32, #tpu.memory_space<vmem_shared>> -> memref<10240x128xf32, #tpu.memory_space<vmem_shared>>
      tpu.wait_indirect_dma semaphore(%run_scoped3A_500 : memref<!tpu.dma_semaphore, #tpu.memory_space<semaphore_mem>>) src(%arg8 : memref<128x128xf32, #tpu.memory_space<vmem>>) dst(%dma_wait3A_512 : memref<10240x128xf32, #tpu.memory_space<vmem_shared>>)
      tpu.yield
    }) : () -> ()
    %dma_wait3A_77 = arith.constant 1 : i32
    %dma_wait3A_78 = arith.constant 0 : i32
    %dma_wait3A_79 = arith.constant 0 : i32
    %dma_wait3A_80 = tpu.memref_slice %arg6[%dma_wait3A_77, %dma_wait3A_78, %dma_wait3A_79] : memref<2x16x128xi32, #tpu.memory_space<vmem>> -> memref<1x16x128xi32, #tpu.memory_space<vmem>>
    %dma_wait3A_81 = tpu.memref_squeeze %dma_wait3A_80 : memref<1x16x128xi32, #tpu.memory_space<vmem>> -> memref<16x128xi32, #tpu.memory_space<vmem>>
    %dma_wait3A_82 = arith.constant 16 : i32
    %dma_wait3A_83 = arith.constant 0 : i32
    %dma_wait3A_84 = tpu.memref_slice %arg3[%add3A, %dma_wait3A_82, %dma_wait3A_83] : memref<32x80x128xi32, #tpu.memory_space<hbm>> -> memref<1x16x128xi32, #tpu.memory_space<hbm>>
    %dma_wait3A_85 = tpu.memref_squeeze %dma_wait3A_84 : memref<1x16x128xi32, #tpu.memory_space<hbm>> -> memref<16x128xi32, #tpu.memory_space<hbm>>
    %dma_wait3A_86 = arith.constant 0 : i32
    %dma_wait3A_87 = arith.constant 0 : i32
    %dma_wait3A_88 = tpu.memref_slice %arg6[%dma_wait3A_77, %dma_wait3A_86, %dma_wait3A_87] : memref<2x16x128xi32, #tpu.memory_space<vmem>> -> memref<1x16x128xi32, #tpu.memory_space<vmem>>
    %dma_wait3A_89 = tpu.memref_squeeze %dma_wait3A_88 : memref<1x16x128xi32, #tpu.memory_space<vmem>> -> memref<16x128xi32, #tpu.memory_space<vmem>>
    %dma_wait3A_90 = arith.constant 16 : i32
    %dma_wait3A_91 = arith.constant 0 : i32
    %dma_wait3A_92 = tpu.memref_slice %arg3[%add3A, %dma_wait3A_90, %dma_wait3A_91] : memref<32x80x128xi32, #tpu.memory_space<hbm>> -> memref<1x16x128xi32, #tpu.memory_space<hbm>>
    %dma_wait3A_93 = tpu.memref_squeeze %dma_wait3A_92 : memref<1x16x128xi32, #tpu.memory_space<hbm>> -> memref<16x128xi32, #tpu.memory_space<hbm>>
    tpu.wait_dma2 semaphore(%arg13 : memref<!tpu.dma_semaphore, #tpu.memory_space<semaphore_mem>>) src(%dma_wait3A_93 : memref<16x128xi32, #tpu.memory_space<hbm>>) dst(%dma_wait3A_89 : memref<16x128xi32, #tpu.memory_space<vmem>>)
    %dma_wait3A_94 = arith.constant 1 : i32
    %dma_wait3A_95 = arith.constant 0 : i32
    %dma_wait3A_96 = arith.constant 0 : i32
    %dma_wait3A_97 = tpu.memref_slice %arg7[%dma_wait3A_94, %dma_wait3A_95, %dma_wait3A_96] : memref<2x16x128xi32, #tpu.memory_space<vmem>> -> memref<1x16x128xi32, #tpu.memory_space<vmem>>
    %dma_wait3A_98 = tpu.memref_squeeze %dma_wait3A_97 : memref<1x16x128xi32, #tpu.memory_space<vmem>> -> memref<16x128xi32, #tpu.memory_space<vmem>>
    %dma_wait3A_99 = arith.constant 16 : i32
    %dma_wait3A_100 = arith.constant 0 : i32
    %dma_wait3A_101 = tpu.memref_slice %arg4[%add3A, %dma_wait3A_99, %dma_wait3A_100] : memref<32x80x128xi32, #tpu.memory_space<hbm>> -> memref<1x16x128xi32, #tpu.memory_space<hbm>>
    %dma_wait3A_102 = tpu.memref_squeeze %dma_wait3A_101 : memref<1x16x128xi32, #tpu.memory_space<hbm>> -> memref<16x128xi32, #tpu.memory_space<hbm>>
    %dma_wait3A_103 = arith.constant 0 : i32
    %dma_wait3A_104 = arith.constant 0 : i32
    %dma_wait3A_105 = tpu.memref_slice %arg7[%dma_wait3A_94, %dma_wait3A_103, %dma_wait3A_104] : memref<2x16x128xi32, #tpu.memory_space<vmem>> -> memref<1x16x128xi32, #tpu.memory_space<vmem>>
    %dma_wait3A_106 = tpu.memref_squeeze %dma_wait3A_105 : memref<1x16x128xi32, #tpu.memory_space<vmem>> -> memref<16x128xi32, #tpu.memory_space<vmem>>
    %dma_wait3A_107 = arith.constant 16 : i32
    %dma_wait3A_108 = arith.constant 0 : i32
    %dma_wait3A_109 = tpu.memref_slice %arg4[%add3A, %dma_wait3A_107, %dma_wait3A_108] : memref<32x80x128xi32, #tpu.memory_space<hbm>> -> memref<1x16x128xi32, #tpu.memory_space<hbm>>
    %dma_wait3A_110 = tpu.memref_squeeze %dma_wait3A_109 : memref<1x16x128xi32, #tpu.memory_space<hbm>> -> memref<16x128xi32, #tpu.memory_space<hbm>>
    tpu.wait_dma2 semaphore(%arg14 : memref<!tpu.dma_semaphore, #tpu.memory_space<semaphore_mem>>) src(%dma_wait3A_110 : memref<16x128xi32, #tpu.memory_space<hbm>>) dst(%dma_wait3A_106 : memref<16x128xi32, #tpu.memory_space<vmem>>)
    %dma_start3A_111 = arith.constant 1 : i32
    %dma_start3A_112 = arith.constant 0 : i32
    %dma_start3A_113 = arith.constant 0 : i32
    %dma_start3A_114 = tpu.memref_slice %arg6[%dma_start3A_111, %dma_start3A_112, %dma_start3A_113] : memref<2x16x128xi32, #tpu.memory_space<vmem>> -> memref<1x1x128xi32, #tpu.memory_space<vmem>>
    %dma_start3A_115 = tpu.memref_squeeze %dma_start3A_114 : memref<1x1x128xi32, #tpu.memory_space<vmem>> -> memref<128xi32, #tpu.memory_space<vmem>>
    %dma_start3A_116 = arith.constant 0 : i32
    %dma_start3A_117 = arith.constant 0 : i32
    %dma_start3A_118 = tpu.memref_slice %arg2[%dma_start3A_116, %dma_start3A_117] : memref<10000x128xf32, #tpu.memory_space<hbm>> -> memref<10000x128xf32, #tpu.memory_space<hbm>>
    tpu.enqueue_indirect_dma source(%dma_start3A_118 : memref<10000x128xf32, #tpu.memory_space<hbm>>) target(%arg8 : memref<128x128xf32, #tpu.memory_space<vmem>>) offsets(%dma_start3A_115 : memref<128xi32, #tpu.memory_space<vmem>>) semaphore(%arg11 : memref<!tpu.dma_semaphore, #tpu.memory_space<semaphore_mem>>)
    %dma_wait3A_119 = arith.constant 0 : i32
    %dma_wait3A_120 = arith.constant 15 : i32
    %dma_wait3A_121 = arith.constant 0 : i32
    %dma_wait3A_122 = tpu.memref_slice %arg6[%dma_wait3A_119, %dma_wait3A_120, %dma_wait3A_121] : memref<2x16x128xi32, #tpu.memory_space<vmem>> -> memref<1x1x128xi32, #tpu.memory_space<vmem>>
    %dma_wait3A_123 = tpu.memref_squeeze %dma_wait3A_122 : memref<1x1x128xi32, #tpu.memory_space<vmem>> -> memref<128xi32, #tpu.memory_space<vmem>>
    %dma_wait3A_124 = arith.constant 0 : i32
    %dma_wait3A_125 = arith.constant 0 : i32
    %dma_wait3A_126 = tpu.memref_slice %arg2[%dma_wait3A_124, %dma_wait3A_125] : memref<10000x128xf32, #tpu.memory_space<hbm>> -> memref<10000x128xf32, #tpu.memory_space<hbm>>
    tpu.wait_indirect_dma semaphore(%arg12 : memref<!tpu.dma_semaphore, #tpu.memory_space<semaphore_mem>>) src(%dma_wait3A_126 : memref<10000x128xf32, #tpu.memory_space<hbm>>) dst(%arg9 : memref<128x128xf32, #tpu.memory_space<vmem>>)
    %run_scoped3A_127 = arith.constant 0 : i32
    %run_scoped3A_128 = arith.constant 15 : i32
    "tpu.region"() ({
      %run_scoped3A_500 = tpu.sem_alloc : memref<!tpu.dma_semaphore, #tpu.memory_space<semaphore_mem>>
      %dma_start3A_501 = arith.constant 0 : i32
      %dma_start3A_502 = tpu.memref_slice %arg7[%run_scoped3A_127, %run_scoped3A_128, %dma_start3A_501] : memref<2x16x128xi32, #tpu.memory_space<vmem>> -> memref<1x1x128xi32, #tpu.memory_space<vmem>>
      %dma_start3A_503 = tpu.memref_squeeze %dma_start3A_502 : memref<1x1x128xi32, #tpu.memory_space<vmem>> -> memref<128xi32, #tpu.memory_space<vmem>>
      %dma_start3A_504 = arith.constant 0 : i32
      %dma_start3A_505 = arith.constant 0 : i32
      %dma_start3A_506 = tpu.memref_slice %arg10[%dma_start3A_504, %dma_start3A_505] : memref<10240x128xf32, #tpu.memory_space<vmem_shared>> -> memref<10240x128xf32, #tpu.memory_space<vmem_shared>>
      tpu.enqueue_indirect_dma source(%arg9 : memref<128x128xf32, #tpu.memory_space<vmem>>) target(%dma_start3A_506 : memref<10240x128xf32, #tpu.memory_space<vmem_shared>>) offsets(%dma_start3A_503 : memref<128xi32, #tpu.memory_space<vmem>>) semaphore(%run_scoped3A_500 : memref<!tpu.dma_semaphore, #tpu.memory_space<semaphore_mem>>) {add = true}
      %dma_wait3A_507 = arith.constant 0 : i32
      %dma_wait3A_508 = tpu.memref_slice %arg7[%run_scoped3A_127, %run_scoped3A_128, %dma_wait3A_507] : memref<2x16x128xi32, #tpu.memory_space<vmem>> -> memref<1x1x128xi32, #tpu.memory_space<vmem>>
      %dma_wait3A_509 = tpu.memref_squeeze %dma_wait3A_508 : memref<1x1x128xi32, #tpu.memory_space<vmem>> -> memref<128xi32, #tpu.memory_space<vmem>>
      %dma_wait3A_510 = arith.constant 0 : i32
      %dma_wait3A_511 = arith.constant 0 : i32
      %dma_wait3A_512 = tpu.memref_slice %arg10[%dma_wait3A_510, %dma_wait3A_511] : memref<10240x128xf32, #tpu.memory_space<vmem_shared>> -> memref<10240x128xf32, #tpu.memory_space<vmem_shared>>
      tpu.wait_indirect_dma semaphore(%run_scoped3A_500 : memref<!tpu.dma_semaphore, #tpu.memory_space<semaphore_mem>>) src(%arg9 : memref<128x128xf32, #tpu.memory_space<vmem>>) dst(%dma_wait3A_512 : memref<10240x128xf32, #tpu.memory_space<vmem_shared>>)
      tpu.yield
    }) : () -> ()
    %dma_start3A_129 = arith.constant 0 : i32
    %dma_start3A_130 = arith.constant 0 : i32
    %dma_start3A_131 = arith.constant 0 : i32
    %dma_start3A_132 = tpu.memref_slice %arg6[%dma_start3A_129, %dma_start3A_130, %dma_start3A_131] : memref<2x16x128xi32, #tpu.memory_space<vmem>> -> memref<1x16x128xi32, #tpu.memory_space<vmem>>
    %dma_start3A_133 = tpu.memref_squeeze %dma_start3A_132 : memref<1x16x128xi32, #tpu.memory_space<vmem>> -> memref<16x128xi32, #tpu.memory_space<vmem>>
    %dma_start3A_134 = arith.constant 32 : i32
    %dma_start3A_135 = arith.constant 0 : i32
    %dma_start3A_136 = tpu.memref_slice %arg3[%add3A, %dma_start3A_134, %dma_start3A_135] : memref<32x80x128xi32, #tpu.memory_space<hbm>> -> memref<1x16x128xi32, #tpu.memory_space<hbm>>
    %dma_start3A_137 = tpu.memref_squeeze %dma_start3A_136 : memref<1x16x128xi32, #tpu.memory_space<hbm>> -> memref<16x128xi32, #tpu.memory_space<hbm>>
    %dma_start3A_138 = arith.constant 0 : i32
    %dma_start3A_139 = arith.constant 0 : i32
    %dma_start3A_140 = tpu.memref_slice %arg6[%dma_start3A_129, %dma_start3A_138, %dma_start3A_139] : memref<2x16x128xi32, #tpu.memory_space<vmem>> -> memref<1x16x128xi32, #tpu.memory_space<vmem>>
    %dma_start3A_141 = tpu.memref_squeeze %dma_start3A_140 : memref<1x16x128xi32, #tpu.memory_space<vmem>> -> memref<16x128xi32, #tpu.memory_space<vmem>>
    %dma_start3A_142 = arith.constant 32 : i32
    %dma_start3A_143 = arith.constant 0 : i32
    %dma_start3A_144 = tpu.memref_slice %arg3[%add3A, %dma_start3A_142, %dma_start3A_143] : memref<32x80x128xi32, #tpu.memory_space<hbm>> -> memref<1x16x128xi32, #tpu.memory_space<hbm>>
    %dma_start3A_145 = tpu.memref_squeeze %dma_start3A_144 : memref<1x16x128xi32, #tpu.memory_space<hbm>> -> memref<16x128xi32, #tpu.memory_space<hbm>>
    tpu.enqueue_dma source(%dma_start3A_145 : memref<16x128xi32, #tpu.memory_space<hbm>>) target(%dma_start3A_141 : memref<16x128xi32, #tpu.memory_space<vmem>>) target_semaphore(%arg13 : memref<!tpu.dma_semaphore, #tpu.memory_space<semaphore_mem>>)
    %dma_start3A_146 = arith.constant 0 : i32
    %dma_start3A_147 = arith.constant 0 : i32
    %dma_start3A_148 = arith.constant 0 : i32
    %dma_start3A_149 = tpu.memref_slice %arg7[%dma_start3A_146, %dma_start3A_147, %dma_start3A_148] : memref<2x16x128xi32, #tpu.memory_space<vmem>> -> memref<1x16x128xi32, #tpu.memory_space<vmem>>
    %dma_start3A_150 = tpu.memref_squeeze %dma_start3A_149 : memref<1x16x128xi32, #tpu.memory_space<vmem>> -> memref<16x128xi32, #tpu.memory_space<vmem>>
    %dma_start3A_151 = arith.constant 32 : i32
    %dma_start3A_152 = arith.constant 0 : i32
    %dma_start3A_153 = tpu.memref_slice %arg4[%add3A, %dma_start3A_151, %dma_start3A_152] : memref<32x80x128xi32, #tpu.memory_space<hbm>> -> memref<1x16x128xi32, #tpu.memory_space<hbm>>
    %dma_start3A_154 = tpu.memref_squeeze %dma_start3A_153 : memref<1x16x128xi32, #tpu.memory_space<hbm>> -> memref<16x128xi32, #tpu.memory_space<hbm>>
    %dma_start3A_155 = arith.constant 0 : i32
    %dma_start3A_156 = arith.constant 0 : i32
    %dma_start3A_157 = tpu.memref_slice %arg7[%dma_start3A_146, %dma_start3A_155, %dma_start3A_156] : memref<2x16x128xi32, #tpu.memory_space<vmem>> -> memref<1x16x128xi32, #tpu.memory_space<vmem>>
    %dma_start3A_158 = tpu.memref_squeeze %dma_start3A_157 : memref<1x16x128xi32, #tpu.memory_space<vmem>> -> memref<16x128xi32, #tpu.memory_space<vmem>>
    %dma_start3A_159 = arith.constant 32 : i32
    %dma_start3A_160 = arith.constant 0 : i32
    %dma_start3A_161 = tpu.memref_slice %arg4[%add3A, %dma_start3A_159, %dma_start3A_160] : memref<32x80x128xi32, #tpu.memory_space<hbm>> -> memref<1x16x128xi32, #tpu.memory_space<hbm>>
    %dma_start3A_162 = tpu.memref_squeeze %dma_start3A_161 : memref<1x16x128xi32, #tpu.memory_space<hbm>> -> memref<16x128xi32, #tpu.memory_space<hbm>>
    tpu.enqueue_dma source(%dma_start3A_162 : memref<16x128xi32, #tpu.memory_space<hbm>>) target(%dma_start3A_158 : memref<16x128xi32, #tpu.memory_space<vmem>>) target_semaphore(%arg14 : memref<!tpu.dma_semaphore, #tpu.memory_space<semaphore_mem>>)
    %scan3A_163 = arith.constant 0 : i32
    %scan3A_164 = arith.constant 0 : i32
    %scan3A_165 = arith.constant 7 : i32
    %scan3A_166 = arith.addi %scan3A_164, %scan3A_165 : i32
    %scan3A_167 = arith.constant 1 : i32
    scf.for %scan3A_500 = %scan3A_164 to %scan3A_166 step %scan3A_167  : i32 {
      %mul3A_501 = arith.constant 2 : i32
      %mul3A_502 = arith.muli %mul3A_501, %scan3A_500 : i32
      %add3A_503 = arith.constant 1 : i32
      %add3A_504 = arith.addi %mul3A_502, %add3A_503 : i32
      %dma_start3A_505 = arith.constant 1 : i32
      %dma_start3A_506 = arith.constant 0 : i32
      %dma_start3A_507 = tpu.memref_slice %arg6[%dma_start3A_505, %add3A_504, %dma_start3A_506] : memref<2x16x128xi32, #tpu.memory_space<vmem>> -> memref<1x1x128xi32, #tpu.memory_space<vmem>>
      %dma_start3A_508 = tpu.memref_squeeze %dma_start3A_507 : memref<1x1x128xi32, #tpu.memory_space<vmem>> -> memref<128xi32, #tpu.memory_space<vmem>>
      %dma_start3A_509 = arith.constant 0 : i32
      %dma_start3A_510 = arith.constant 0 : i32
      %dma_start3A_511 = tpu.memref_slice %arg2[%dma_start3A_509, %dma_start3A_510] : memref<10000x128xf32, #tpu.memory_space<hbm>> -> memref<10000x128xf32, #tpu.memory_space<hbm>>
      tpu.enqueue_indirect_dma source(%dma_start3A_511 : memref<10000x128xf32, #tpu.memory_space<hbm>>) target(%arg9 : memref<128x128xf32, #tpu.memory_space<vmem>>) offsets(%dma_start3A_508 : memref<128xi32, #tpu.memory_space<vmem>>) semaphore(%arg12 : memref<!tpu.dma_semaphore, #tpu.memory_space<semaphore_mem>>)
      %dma_wait3A_512 = arith.constant 1 : i32
      %dma_wait3A_513 = arith.constant 0 : i32
      %dma_wait3A_514 = tpu.memref_slice %arg6[%dma_wait3A_512, %mul3A_502, %dma_wait3A_513] : memref<2x16x128xi32, #tpu.memory_space<vmem>> -> memref<1x1x128xi32, #tpu.memory_space<vmem>>
      %dma_wait3A_515 = tpu.memref_squeeze %dma_wait3A_514 : memref<1x1x128xi32, #tpu.memory_space<vmem>> -> memref<128xi32, #tpu.memory_space<vmem>>
      %dma_wait3A_516 = arith.constant 0 : i32
      %dma_wait3A_517 = arith.constant 0 : i32
      %dma_wait3A_518 = tpu.memref_slice %arg2[%dma_wait3A_516, %dma_wait3A_517] : memref<10000x128xf32, #tpu.memory_space<hbm>> -> memref<10000x128xf32, #tpu.memory_space<hbm>>
      tpu.wait_indirect_dma semaphore(%arg11 : memref<!tpu.dma_semaphore, #tpu.memory_space<semaphore_mem>>) src(%dma_wait3A_518 : memref<10000x128xf32, #tpu.memory_space<hbm>>) dst(%arg8 : memref<128x128xf32, #tpu.memory_space<vmem>>)
      %run_scoped3A_519 = arith.constant 1 : i32
      "tpu.region"() ({
        %run_scoped3A_539 = tpu.sem_alloc : memref<!tpu.dma_semaphore, #tpu.memory_space<semaphore_mem>>
        %dma_start3A_540 = arith.constant 0 : i32
        %dma_start3A_541 = tpu.memref_slice %arg7[%run_scoped3A_519, %mul3A_502, %dma_start3A_540] : memref<2x16x128xi32, #tpu.memory_space<vmem>> -> memref<1x1x128xi32, #tpu.memory_space<vmem>>
        %dma_start3A_542 = tpu.memref_squeeze %dma_start3A_541 : memref<1x1x128xi32, #tpu.memory_space<vmem>> -> memref<128xi32, #tpu.memory_space<vmem>>
        %dma_start3A_543 = arith.constant 0 : i32
        %dma_start3A_544 = arith.constant 0 : i32
        %dma_start3A_545 = tpu.memref_slice %arg10[%dma_start3A_543, %dma_start3A_544] : memref<10240x128xf32, #tpu.memory_space<vmem_shared>> -> memref<10240x128xf32, #tpu.memory_space<vmem_shared>>
        tpu.enqueue_indirect_dma source(%arg8 : memref<128x128xf32, #tpu.memory_space<vmem>>) target(%dma_start3A_545 : memref<10240x128xf32, #tpu.memory_space<vmem_shared>>) offsets(%dma_start3A_542 : memref<128xi32, #tpu.memory_space<vmem>>) semaphore(%run_scoped3A_539 : memref<!tpu.dma_semaphore, #tpu.memory_space<semaphore_mem>>) {add = true}
        %dma_wait3A_546 = arith.constant 0 : i32
        %dma_wait3A_547 = tpu.memref_slice %arg7[%run_scoped3A_519, %mul3A_502, %dma_wait3A_546] : memref<2x16x128xi32, #tpu.memory_space<vmem>> -> memref<1x1x128xi32, #tpu.memory_space<vmem>>
        %dma_wait3A_548 = tpu.memref_squeeze %dma_wait3A_547 : memref<1x1x128xi32, #tpu.memory_space<vmem>> -> memref<128xi32, #tpu.memory_space<vmem>>
        %dma_wait3A_549 = arith.constant 0 : i32
        %dma_wait3A_550 = arith.constant 0 : i32
        %dma_wait3A_551 = tpu.memref_slice %arg10[%dma_wait3A_549, %dma_wait3A_550] : memref<10240x128xf32, #tpu.memory_space<vmem_shared>> -> memref<10240x128xf32, #tpu.memory_space<vmem_shared>>
        tpu.wait_indirect_dma semaphore(%run_scoped3A_539 : memref<!tpu.dma_semaphore, #tpu.memory_space<semaphore_mem>>) src(%arg8 : memref<128x128xf32, #tpu.memory_space<vmem>>) dst(%dma_wait3A_551 : memref<10240x128xf32, #tpu.memory_space<vmem_shared>>)
        tpu.yield
      }) : () -> ()
      %add3A_520 = arith.constant 2 : i32
      %add3A_521 = arith.addi %mul3A_502, %add3A_520 : i32
      %dma_start3A_522 = arith.constant 1 : i32
      %dma_start3A_523 = arith.constant 0 : i32
      %dma_start3A_524 = tpu.memref_slice %arg6[%dma_start3A_522, %add3A_521, %dma_start3A_523] : memref<2x16x128xi32, #tpu.memory_space<vmem>> -> memref<1x1x128xi32, #tpu.memory_space<vmem>>
      %dma_start3A_525 = tpu.memref_squeeze %dma_start3A_524 : memref<1x1x128xi32, #tpu.memory_space<vmem>> -> memref<128xi32, #tpu.memory_space<vmem>>
      %dma_start3A_526 = arith.constant 0 : i32
      %dma_start3A_527 = arith.constant 0 : i32
      %dma_start3A_528 = tpu.memref_slice %arg2[%dma_start3A_526, %dma_start3A_527] : memref<10000x128xf32, #tpu.memory_space<hbm>> -> memref<10000x128xf32, #tpu.memory_space<hbm>>
      tpu.enqueue_indirect_dma source(%dma_start3A_528 : memref<10000x128xf32, #tpu.memory_space<hbm>>) target(%arg8 : memref<128x128xf32, #tpu.memory_space<vmem>>) offsets(%dma_start3A_525 : memref<128xi32, #tpu.memory_space<vmem>>) semaphore(%arg11 : memref<!tpu.dma_semaphore, #tpu.memory_space<semaphore_mem>>)
      %add3A_529 = arith.constant 1 : i32
      %add3A_530 = arith.addi %mul3A_502, %add3A_529 : i32
      %dma_wait3A_531 = arith.constant 1 : i32
      %dma_wait3A_532 = arith.constant 0 : i32
      %dma_wait3A_533 = tpu.memref_slice %arg6[%dma_wait3A_531, %add3A_530, %dma_wait3A_532] : memref<2x16x128xi32, #tpu.memory_space<vmem>> -> memref<1x1x128xi32, #tpu.memory_space<vmem>>
      %dma_wait3A_534 = tpu.memref_squeeze %dma_wait3A_533 : memref<1x1x128xi32, #tpu.memory_space<vmem>> -> memref<128xi32, #tpu.memory_space<vmem>>
      %dma_wait3A_535 = arith.constant 0 : i32
      %dma_wait3A_536 = arith.constant 0 : i32
      %dma_wait3A_537 = tpu.memref_slice %arg2[%dma_wait3A_535, %dma_wait3A_536] : memref<10000x128xf32, #tpu.memory_space<hbm>> -> memref<10000x128xf32, #tpu.memory_space<hbm>>
      tpu.wait_indirect_dma semaphore(%arg12 : memref<!tpu.dma_semaphore, #tpu.memory_space<semaphore_mem>>) src(%dma_wait3A_537 : memref<10000x128xf32, #tpu.memory_space<hbm>>) dst(%arg9 : memref<128x128xf32, #tpu.memory_space<vmem>>)
      %run_scoped3A_538 = arith.constant 1 : i32
      "tpu.region"() ({
        %run_scoped3A_539 = tpu.sem_alloc : memref<!tpu.dma_semaphore, #tpu.memory_space<semaphore_mem>>
        %dma_start3A_540 = arith.constant 0 : i32
        %dma_start3A_541 = tpu.memref_slice %arg7[%run_scoped3A_538, %add3A_530, %dma_start3A_540] : memref<2x16x128xi32, #tpu.memory_space<vmem>> -> memref<1x1x128xi32, #tpu.memory_space<vmem>>
        %dma_start3A_542 = tpu.memref_squeeze %dma_start3A_541 : memref<1x1x128xi32, #tpu.memory_space<vmem>> -> memref<128xi32, #tpu.memory_space<vmem>>
        %dma_start3A_543 = arith.constant 0 : i32
        %dma_start3A_544 = arith.constant 0 : i32
        %dma_start3A_545 = tpu.memref_slice %arg10[%dma_start3A_543, %dma_start3A_544] : memref<10240x128xf32, #tpu.memory_space<vmem_shared>> -> memref<10240x128xf32, #tpu.memory_space<vmem_shared>>
        tpu.enqueue_indirect_dma source(%arg9 : memref<128x128xf32, #tpu.memory_space<vmem>>) target(%dma_start3A_545 : memref<10240x128xf32, #tpu.memory_space<vmem_shared>>) offsets(%dma_start3A_542 : memref<128xi32, #tpu.memory_space<vmem>>) semaphore(%run_scoped3A_539 : memref<!tpu.dma_semaphore, #tpu.memory_space<semaphore_mem>>) {add = true}
        %dma_wait3A_546 = arith.constant 0 : i32
        %dma_wait3A_547 = tpu.memref_slice %arg7[%run_scoped3A_538, %add3A_530, %dma_wait3A_546] : memref<2x16x128xi32, #tpu.memory_space<vmem>> -> memref<1x1x128xi32, #tpu.memory_space<vmem>>
        %dma_wait3A_548 = tpu.memref_squeeze %dma_wait3A_547 : memref<1x1x128xi32, #tpu.memory_space<vmem>> -> memref<128xi32, #tpu.memory_space<vmem>>
        %dma_wait3A_549 = arith.constant 0 : i32
        %dma_wait3A_550 = arith.constant 0 : i32
        %dma_wait3A_551 = tpu.memref_slice %arg10[%dma_wait3A_549, %dma_wait3A_550] : memref<10240x128xf32, #tpu.memory_space<vmem_shared>> -> memref<10240x128xf32, #tpu.memory_space<vmem_shared>>
        tpu.wait_indirect_dma semaphore(%run_scoped3A_539 : memref<!tpu.dma_semaphore, #tpu.memory_space<semaphore_mem>>) src(%arg9 : memref<128x128xf32, #tpu.memory_space<vmem>>) dst(%dma_wait3A_551 : memref<10240x128xf32, #tpu.memory_space<vmem_shared>>)
        tpu.yield
      }) : () -> ()
    }
    %scan3A_168 = arith.constant 7 : i32
    %dma_start3A_169 = arith.constant 1 : i32
    %dma_start3A_170 = arith.constant 15 : i32
    %dma_start3A_171 = arith.constant 0 : i32
    %dma_start3A_172 = tpu.memref_slice %arg6[%dma_start3A_169, %dma_start3A_170, %dma_start3A_171] : memref<2x16x128xi32, #tpu.memory_space<vmem>> -> memref<1x1x128xi32, #tpu.memory_space<vmem>>
    %dma_start3A_173 = tpu.memref_squeeze %dma_start3A_172 : memref<1x1x128xi32, #tpu.memory_space<vmem>> -> memref<128xi32, #tpu.memory_space<vmem>>
    %dma_start3A_174 = arith.constant 0 : i32
    %dma_start3A_175 = arith.constant 0 : i32
    %dma_start3A_176 = tpu.memref_slice %arg2[%dma_start3A_174, %dma_start3A_175] : memref<10000x128xf32, #tpu.memory_space<hbm>> -> memref<10000x128xf32, #tpu.memory_space<hbm>>
    tpu.enqueue_indirect_dma source(%dma_start3A_176 : memref<10000x128xf32, #tpu.memory_space<hbm>>) target(%arg9 : memref<128x128xf32, #tpu.memory_space<vmem>>) offsets(%dma_start3A_173 : memref<128xi32, #tpu.memory_space<vmem>>) semaphore(%arg12 : memref<!tpu.dma_semaphore, #tpu.memory_space<semaphore_mem>>)
    %dma_wait3A_177 = arith.constant 1 : i32
    %dma_wait3A_178 = arith.constant 14 : i32
    %dma_wait3A_179 = arith.constant 0 : i32
    %dma_wait3A_180 = tpu.memref_slice %arg6[%dma_wait3A_177, %dma_wait3A_178, %dma_wait3A_179] : memref<2x16x128xi32, #tpu.memory_space<vmem>> -> memref<1x1x128xi32, #tpu.memory_space<vmem>>
    %dma_wait3A_181 = tpu.memref_squeeze %dma_wait3A_180 : memref<1x1x128xi32, #tpu.memory_space<vmem>> -> memref<128xi32, #tpu.memory_space<vmem>>
    %dma_wait3A_182 = arith.constant 0 : i32
    %dma_wait3A_183 = arith.constant 0 : i32
    %dma_wait3A_184 = tpu.memref_slice %arg2[%dma_wait3A_182, %dma_wait3A_183] : memref<10000x128xf32, #tpu.memory_space<hbm>> -> memref<10000x128xf32, #tpu.memory_space<hbm>>
    tpu.wait_indirect_dma semaphore(%arg11 : memref<!tpu.dma_semaphore, #tpu.memory_space<semaphore_mem>>) src(%dma_wait3A_184 : memref<10000x128xf32, #tpu.memory_space<hbm>>) dst(%arg8 : memref<128x128xf32, #tpu.memory_space<vmem>>)
    %run_scoped3A_185 = arith.constant 1 : i32
    %run_scoped3A_186 = arith.constant 14 : i32
    "tpu.region"() ({
      %run_scoped3A_500 = tpu.sem_alloc : memref<!tpu.dma_semaphore, #tpu.memory_space<semaphore_mem>>
      %dma_start3A_501 = arith.constant 0 : i32
      %dma_start3A_502 = tpu.memref_slice %arg7[%run_scoped3A_185, %run_scoped3A_186, %dma_start3A_501] : memref<2x16x128xi32, #tpu.memory_space<vmem>> -> memref<1x1x128xi32, #tpu.memory_space<vmem>>
      %dma_start3A_503 = tpu.memref_squeeze %dma_start3A_502 : memref<1x1x128xi32, #tpu.memory_space<vmem>> -> memref<128xi32, #tpu.memory_space<vmem>>
      %dma_start3A_504 = arith.constant 0 : i32
      %dma_start3A_505 = arith.constant 0 : i32
      %dma_start3A_506 = tpu.memref_slice %arg10[%dma_start3A_504, %dma_start3A_505] : memref<10240x128xf32, #tpu.memory_space<vmem_shared>> -> memref<10240x128xf32, #tpu.memory_space<vmem_shared>>
      tpu.enqueue_indirect_dma source(%arg8 : memref<128x128xf32, #tpu.memory_space<vmem>>) target(%dma_start3A_506 : memref<10240x128xf32, #tpu.memory_space<vmem_shared>>) offsets(%dma_start3A_503 : memref<128xi32, #tpu.memory_space<vmem>>) semaphore(%run_scoped3A_500 : memref<!tpu.dma_semaphore, #tpu.memory_space<semaphore_mem>>) {add = true}
      %dma_wait3A_507 = arith.constant 0 : i32
      %dma_wait3A_508 = tpu.memref_slice %arg7[%run_scoped3A_185, %run_scoped3A_186, %dma_wait3A_507] : memref<2x16x128xi32, #tpu.memory_space<vmem>> -> memref<1x1x128xi32, #tpu.memory_space<vmem>>
      %dma_wait3A_509 = tpu.memref_squeeze %dma_wait3A_508 : memref<1x1x128xi32, #tpu.memory_space<vmem>> -> memref<128xi32, #tpu.memory_space<vmem>>
      %dma_wait3A_510 = arith.constant 0 : i32
      %dma_wait3A_511 = arith.constant 0 : i32
      %dma_wait3A_512 = tpu.memref_slice %arg10[%dma_wait3A_510, %dma_wait3A_511] : memref<10240x128xf32, #tpu.memory_space<vmem_shared>> -> memref<10240x128xf32, #tpu.memory_space<vmem_shared>>
      tpu.wait_indirect_dma semaphore(%run_scoped3A_500 : memref<!tpu.dma_semaphore, #tpu.memory_space<semaphore_mem>>) src(%arg8 : memref<128x128xf32, #tpu.memory_space<vmem>>) dst(%dma_wait3A_512 : memref<10240x128xf32, #tpu.memory_space<vmem_shared>>)
      tpu.yield
    }) : () -> ()
    %dma_wait3A_187 = arith.constant 0 : i32
    %dma_wait3A_188 = arith.constant 0 : i32
    %dma_wait3A_189 = arith.constant 0 : i32
    %dma_wait3A_190 = tpu.memref_slice %arg6[%dma_wait3A_187, %dma_wait3A_188, %dma_wait3A_189] : memref<2x16x128xi32, #tpu.memory_space<vmem>> -> memref<1x16x128xi32, #tpu.memory_space<vmem>>
    %dma_wait3A_191 = tpu.memref_squeeze %dma_wait3A_190 : memref<1x16x128xi32, #tpu.memory_space<vmem>> -> memref<16x128xi32, #tpu.memory_space<vmem>>
    %dma_wait3A_192 = arith.constant 32 : i32
    %dma_wait3A_193 = arith.constant 0 : i32
    %dma_wait3A_194 = tpu.memref_slice %arg3[%add3A, %dma_wait3A_192, %dma_wait3A_193] : memref<32x80x128xi32, #tpu.memory_space<hbm>> -> memref<1x16x128xi32, #tpu.memory_space<hbm>>
    %dma_wait3A_195 = tpu.memref_squeeze %dma_wait3A_194 : memref<1x16x128xi32, #tpu.memory_space<hbm>> -> memref<16x128xi32, #tpu.memory_space<hbm>>
    %dma_wait3A_196 = arith.constant 0 : i32
    %dma_wait3A_197 = arith.constant 0 : i32
    %dma_wait3A_198 = tpu.memref_slice %arg6[%dma_wait3A_187, %dma_wait3A_196, %dma_wait3A_197] : memref<2x16x128xi32, #tpu.memory_space<vmem>> -> memref<1x16x128xi32, #tpu.memory_space<vmem>>
    %dma_wait3A_199 = tpu.memref_squeeze %dma_wait3A_198 : memref<1x16x128xi32, #tpu.memory_space<vmem>> -> memref<16x128xi32, #tpu.memory_space<vmem>>
    %dma_wait3A_200 = arith.constant 32 : i32
    %dma_wait3A_201 = arith.constant 0 : i32
    %dma_wait3A_202 = tpu.memref_slice %arg3[%add3A, %dma_wait3A_200, %dma_wait3A_201] : memref<32x80x128xi32, #tpu.memory_space<hbm>> -> memref<1x16x128xi32, #tpu.memory_space<hbm>>
    %dma_wait3A_203 = tpu.memref_squeeze %dma_wait3A_202 : memref<1x16x128xi32, #tpu.memory_space<hbm>> -> memref<16x128xi32, #tpu.memory_space<hbm>>
    tpu.wait_dma2 semaphore(%arg13 : memref<!tpu.dma_semaphore, #tpu.memory_space<semaphore_mem>>) src(%dma_wait3A_203 : memref<16x128xi32, #tpu.memory_space<hbm>>) dst(%dma_wait3A_199 : memref<16x128xi32, #tpu.memory_space<vmem>>)
    %dma_wait3A_204 = arith.constant 0 : i32
    %dma_wait3A_205 = arith.constant 0 : i32
    %dma_wait3A_206 = arith.constant 0 : i32
    %dma_wait3A_207 = tpu.memref_slice %arg7[%dma_wait3A_204, %dma_wait3A_205, %dma_wait3A_206] : memref<2x16x128xi32, #tpu.memory_space<vmem>> -> memref<1x16x128xi32, #tpu.memory_space<vmem>>
    %dma_wait3A_208 = tpu.memref_squeeze %dma_wait3A_207 : memref<1x16x128xi32, #tpu.memory_space<vmem>> -> memref<16x128xi32, #tpu.memory_space<vmem>>
    %dma_wait3A_209 = arith.constant 32 : i32
    %dma_wait3A_210 = arith.constant 0 : i32
    %dma_wait3A_211 = tpu.memref_slice %arg4[%add3A, %dma_wait3A_209, %dma_wait3A_210] : memref<32x80x128xi32, #tpu.memory_space<hbm>> -> memref<1x16x128xi32, #tpu.memory_space<hbm>>
    %dma_wait3A_212 = tpu.memref_squeeze %dma_wait3A_211 : memref<1x16x128xi32, #tpu.memory_space<hbm>> -> memref<16x128xi32, #tpu.memory_space<hbm>>
    %dma_wait3A_213 = arith.constant 0 : i32
    %dma_wait3A_214 = arith.constant 0 : i32
    %dma_wait3A_215 = tpu.memref_slice %arg7[%dma_wait3A_204, %dma_wait3A_213, %dma_wait3A_214] : memref<2x16x128xi32, #tpu.memory_space<vmem>> -> memref<1x16x128xi32, #tpu.memory_space<vmem>>
    %dma_wait3A_216 = tpu.memref_squeeze %dma_wait3A_215 : memref<1x16x128xi32, #tpu.memory_space<vmem>> -> memref<16x128xi32, #tpu.memory_space<vmem>>
    %dma_wait3A_217 = arith.constant 32 : i32
    %dma_wait3A_218 = arith.constant 0 : i32
    %dma_wait3A_219 = tpu.memref_slice %arg4[%add3A, %dma_wait3A_217, %dma_wait3A_218] : memref<32x80x128xi32, #tpu.memory_space<hbm>> -> memref<1x16x128xi32, #tpu.memory_space<hbm>>
    %dma_wait3A_220 = tpu.memref_squeeze %dma_wait3A_219 : memref<1x16x128xi32, #tpu.memory_space<hbm>> -> memref<16x128xi32, #tpu.memory_space<hbm>>
    tpu.wait_dma2 semaphore(%arg14 : memref<!tpu.dma_semaphore, #tpu.memory_space<semaphore_mem>>) src(%dma_wait3A_220 : memref<16x128xi32, #tpu.memory_space<hbm>>) dst(%dma_wait3A_216 : memref<16x128xi32, #tpu.memory_space<vmem>>)
    %dma_start3A_221 = arith.constant 0 : i32
    %dma_start3A_222 = arith.constant 0 : i32
    %dma_start3A_223 = arith.constant 0 : i32
    %dma_start3A_224 = tpu.memref_slice %arg6[%dma_start3A_221, %dma_start3A_222, %dma_start3A_223] : memref<2x16x128xi32, #tpu.memory_space<vmem>> -> memref<1x1x128xi32, #tpu.memory_space<vmem>>
    %dma_start3A_225 = tpu.memref_squeeze %dma_start3A_224 : memref<1x1x128xi32, #tpu.memory_space<vmem>> -> memref<128xi32, #tpu.memory_space<vmem>>
    %dma_start3A_226 = arith.constant 0 : i32
    %dma_start3A_227 = arith.constant 0 : i32
    %dma_start3A_228 = tpu.memref_slice %arg2[%dma_start3A_226, %dma_start3A_227] : memref<10000x128xf32, #tpu.memory_space<hbm>> -> memref<10000x128xf32, #tpu.memory_space<hbm>>
    tpu.enqueue_indirect_dma source(%dma_start3A_228 : memref<10000x128xf32, #tpu.memory_space<hbm>>) target(%arg8 : memref<128x128xf32, #tpu.memory_space<vmem>>) offsets(%dma_start3A_225 : memref<128xi32, #tpu.memory_space<vmem>>) semaphore(%arg11 : memref<!tpu.dma_semaphore, #tpu.memory_space<semaphore_mem>>)
    %dma_wait3A_229 = arith.constant 1 : i32
    %dma_wait3A_230 = arith.constant 15 : i32
    %dma_wait3A_231 = arith.constant 0 : i32
    %dma_wait3A_232 = tpu.memref_slice %arg6[%dma_wait3A_229, %dma_wait3A_230, %dma_wait3A_231] : memref<2x16x128xi32, #tpu.memory_space<vmem>> -> memref<1x1x128xi32, #tpu.memory_space<vmem>>
    %dma_wait3A_233 = tpu.memref_squeeze %dma_wait3A_232 : memref<1x1x128xi32, #tpu.memory_space<vmem>> -> memref<128xi32, #tpu.memory_space<vmem>>
    %dma_wait3A_234 = arith.constant 0 : i32
    %dma_wait3A_235 = arith.constant 0 : i32
    %dma_wait3A_236 = tpu.memref_slice %arg2[%dma_wait3A_234, %dma_wait3A_235] : memref<10000x128xf32, #tpu.memory_space<hbm>> -> memref<10000x128xf32, #tpu.memory_space<hbm>>
    tpu.wait_indirect_dma semaphore(%arg12 : memref<!tpu.dma_semaphore, #tpu.memory_space<semaphore_mem>>) src(%dma_wait3A_236 : memref<10000x128xf32, #tpu.memory_space<hbm>>) dst(%arg9 : memref<128x128xf32, #tpu.memory_space<vmem>>)
    %run_scoped3A_237 = arith.constant 1 : i32
    %run_scoped3A_238 = arith.constant 15 : i32
    "tpu.region"() ({
      %run_scoped3A_500 = tpu.sem_alloc : memref<!tpu.dma_semaphore, #tpu.memory_space<semaphore_mem>>
      %dma_start3A_501 = arith.constant 0 : i32
      %dma_start3A_502 = tpu.memref_slice %arg7[%run_scoped3A_237, %run_scoped3A_238, %dma_start3A_501] : memref<2x16x128xi32, #tpu.memory_space<vmem>> -> memref<1x1x128xi32, #tpu.memory_space<vmem>>
      %dma_start3A_503 = tpu.memref_squeeze %dma_start3A_502 : memref<1x1x128xi32, #tpu.memory_space<vmem>> -> memref<128xi32, #tpu.memory_space<vmem>>
      %dma_start3A_504 = arith.constant 0 : i32
      %dma_start3A_505 = arith.constant 0 : i32
      %dma_start3A_506 = tpu.memref_slice %arg10[%dma_start3A_504, %dma_start3A_505] : memref<10240x128xf32, #tpu.memory_space<vmem_shared>> -> memref<10240x128xf32, #tpu.memory_space<vmem_shared>>
      tpu.enqueue_indirect_dma source(%arg9 : memref<128x128xf32, #tpu.memory_space<vmem>>) target(%dma_start3A_506 : memref<10240x128xf32, #tpu.memory_space<vmem_shared>>) offsets(%dma_start3A_503 : memref<128xi32, #tpu.memory_space<vmem>>) semaphore(%run_scoped3A_500 : memref<!tpu.dma_semaphore, #tpu.memory_space<semaphore_mem>>) {add = true}
      %dma_wait3A_507 = arith.constant 0 : i32
      %dma_wait3A_508 = tpu.memref_slice %arg7[%run_scoped3A_237, %run_scoped3A_238, %dma_wait3A_507] : memref<2x16x128xi32, #tpu.memory_space<vmem>> -> memref<1x1x128xi32, #tpu.memory_space<vmem>>
      %dma_wait3A_509 = tpu.memref_squeeze %dma_wait3A_508 : memref<1x1x128xi32, #tpu.memory_space<vmem>> -> memref<128xi32, #tpu.memory_space<vmem>>
      %dma_wait3A_510 = arith.constant 0 : i32
      %dma_wait3A_511 = arith.constant 0 : i32
      %dma_wait3A_512 = tpu.memref_slice %arg10[%dma_wait3A_510, %dma_wait3A_511] : memref<10240x128xf32, #tpu.memory_space<vmem_shared>> -> memref<10240x128xf32, #tpu.memory_space<vmem_shared>>
      tpu.wait_indirect_dma semaphore(%run_scoped3A_500 : memref<!tpu.dma_semaphore, #tpu.memory_space<semaphore_mem>>) src(%arg9 : memref<128x128xf32, #tpu.memory_space<vmem>>) dst(%dma_wait3A_512 : memref<10240x128xf32, #tpu.memory_space<vmem_shared>>)
      tpu.yield
    }) : () -> ()
    %dma_start3A_239 = arith.constant 1 : i32
    %dma_start3A_240 = arith.constant 0 : i32
    %dma_start3A_241 = arith.constant 0 : i32
    %dma_start3A_242 = tpu.memref_slice %arg6[%dma_start3A_239, %dma_start3A_240, %dma_start3A_241] : memref<2x16x128xi32, #tpu.memory_space<vmem>> -> memref<1x16x128xi32, #tpu.memory_space<vmem>>
    %dma_start3A_243 = tpu.memref_squeeze %dma_start3A_242 : memref<1x16x128xi32, #tpu.memory_space<vmem>> -> memref<16x128xi32, #tpu.memory_space<vmem>>
    %dma_start3A_244 = arith.constant 48 : i32
    %dma_start3A_245 = arith.constant 0 : i32
    %dma_start3A_246 = tpu.memref_slice %arg3[%add3A, %dma_start3A_244, %dma_start3A_245] : memref<32x80x128xi32, #tpu.memory_space<hbm>> -> memref<1x16x128xi32, #tpu.memory_space<hbm>>
    %dma_start3A_247 = tpu.memref_squeeze %dma_start3A_246 : memref<1x16x128xi32, #tpu.memory_space<hbm>> -> memref<16x128xi32, #tpu.memory_space<hbm>>
    %dma_start3A_248 = arith.constant 0 : i32
    %dma_start3A_249 = arith.constant 0 : i32
    %dma_start3A_250 = tpu.memref_slice %arg6[%dma_start3A_239, %dma_start3A_248, %dma_start3A_249] : memref<2x16x128xi32, #tpu.memory_space<vmem>> -> memref<1x16x128xi32, #tpu.memory_space<vmem>>
    %dma_start3A_251 = tpu.memref_squeeze %dma_start3A_250 : memref<1x16x128xi32, #tpu.memory_space<vmem>> -> memref<16x128xi32, #tpu.memory_space<vmem>>
    %dma_start3A_252 = arith.constant 48 : i32
    %dma_start3A_253 = arith.constant 0 : i32
    %dma_start3A_254 = tpu.memref_slice %arg3[%add3A, %dma_start3A_252, %dma_start3A_253] : memref<32x80x128xi32, #tpu.memory_space<hbm>> -> memref<1x16x128xi32, #tpu.memory_space<hbm>>
    %dma_start3A_255 = tpu.memref_squeeze %dma_start3A_254 : memref<1x16x128xi32, #tpu.memory_space<hbm>> -> memref<16x128xi32, #tpu.memory_space<hbm>>
    tpu.enqueue_dma source(%dma_start3A_255 : memref<16x128xi32, #tpu.memory_space<hbm>>) target(%dma_start3A_251 : memref<16x128xi32, #tpu.memory_space<vmem>>) target_semaphore(%arg13 : memref<!tpu.dma_semaphore, #tpu.memory_space<semaphore_mem>>)
    %dma_start3A_256 = arith.constant 1 : i32
    %dma_start3A_257 = arith.constant 0 : i32
    %dma_start3A_258 = arith.constant 0 : i32
    %dma_start3A_259 = tpu.memref_slice %arg7[%dma_start3A_256, %dma_start3A_257, %dma_start3A_258] : memref<2x16x128xi32, #tpu.memory_space<vmem>> -> memref<1x16x128xi32, #tpu.memory_space<vmem>>
    %dma_start3A_260 = tpu.memref_squeeze %dma_start3A_259 : memref<1x16x128xi32, #tpu.memory_space<vmem>> -> memref<16x128xi32, #tpu.memory_space<vmem>>
    %dma_start3A_261 = arith.constant 48 : i32
    %dma_start3A_262 = arith.constant 0 : i32
    %dma_start3A_263 = tpu.memref_slice %arg4[%add3A, %dma_start3A_261, %dma_start3A_262] : memref<32x80x128xi32, #tpu.memory_space<hbm>> -> memref<1x16x128xi32, #tpu.memory_space<hbm>>
    %dma_start3A_264 = tpu.memref_squeeze %dma_start3A_263 : memref<1x16x128xi32, #tpu.memory_space<hbm>> -> memref<16x128xi32, #tpu.memory_space<hbm>>
    %dma_start3A_265 = arith.constant 0 : i32
    %dma_start3A_266 = arith.constant 0 : i32
    %dma_start3A_267 = tpu.memref_slice %arg7[%dma_start3A_256, %dma_start3A_265, %dma_start3A_266] : memref<2x16x128xi32, #tpu.memory_space<vmem>> -> memref<1x16x128xi32, #tpu.memory_space<vmem>>
    %dma_start3A_268 = tpu.memref_squeeze %dma_start3A_267 : memref<1x16x128xi32, #tpu.memory_space<vmem>> -> memref<16x128xi32, #tpu.memory_space<vmem>>
    %dma_start3A_269 = arith.constant 48 : i32
    %dma_start3A_270 = arith.constant 0 : i32
    %dma_start3A_271 = tpu.memref_slice %arg4[%add3A, %dma_start3A_269, %dma_start3A_270] : memref<32x80x128xi32, #tpu.memory_space<hbm>> -> memref<1x16x128xi32, #tpu.memory_space<hbm>>
    %dma_start3A_272 = tpu.memref_squeeze %dma_start3A_271 : memref<1x16x128xi32, #tpu.memory_space<hbm>> -> memref<16x128xi32, #tpu.memory_space<hbm>>
    tpu.enqueue_dma source(%dma_start3A_272 : memref<16x128xi32, #tpu.memory_space<hbm>>) target(%dma_start3A_268 : memref<16x128xi32, #tpu.memory_space<vmem>>) target_semaphore(%arg14 : memref<!tpu.dma_semaphore, #tpu.memory_space<semaphore_mem>>)
    %scan3A_273 = arith.constant 0 : i32
    %scan3A_274 = arith.constant 0 : i32
    %scan3A_275 = arith.constant 7 : i32
    %scan3A_276 = arith.addi %scan3A_274, %scan3A_275 : i32
    %scan3A_277 = arith.constant 1 : i32
    scf.for %scan3A_500 = %scan3A_274 to %scan3A_276 step %scan3A_277  : i32 {
      %mul3A_501 = arith.constant 2 : i32
      %mul3A_502 = arith.muli %mul3A_501, %scan3A_500 : i32
      %add3A_503 = arith.constant 1 : i32
      %add3A_504 = arith.addi %mul3A_502, %add3A_503 : i32
      %dma_start3A_505 = arith.constant 0 : i32
      %dma_start3A_506 = arith.constant 0 : i32
      %dma_start3A_507 = tpu.memref_slice %arg6[%dma_start3A_505, %add3A_504, %dma_start3A_506] : memref<2x16x128xi32, #tpu.memory_space<vmem>> -> memref<1x1x128xi32, #tpu.memory_space<vmem>>
      %dma_start3A_508 = tpu.memref_squeeze %dma_start3A_507 : memref<1x1x128xi32, #tpu.memory_space<vmem>> -> memref<128xi32, #tpu.memory_space<vmem>>
      %dma_start3A_509 = arith.constant 0 : i32
      %dma_start3A_510 = arith.constant 0 : i32
      %dma_start3A_511 = tpu.memref_slice %arg2[%dma_start3A_509, %dma_start3A_510] : memref<10000x128xf32, #tpu.memory_space<hbm>> -> memref<10000x128xf32, #tpu.memory_space<hbm>>
      tpu.enqueue_indirect_dma source(%dma_start3A_511 : memref<10000x128xf32, #tpu.memory_space<hbm>>) target(%arg9 : memref<128x128xf32, #tpu.memory_space<vmem>>) offsets(%dma_start3A_508 : memref<128xi32, #tpu.memory_space<vmem>>) semaphore(%arg12 : memref<!tpu.dma_semaphore, #tpu.memory_space<semaphore_mem>>)
      %dma_wait3A_512 = arith.constant 0 : i32
      %dma_wait3A_513 = arith.constant 0 : i32
      %dma_wait3A_514 = tpu.memref_slice %arg6[%dma_wait3A_512, %mul3A_502, %dma_wait3A_513] : memref<2x16x128xi32, #tpu.memory_space<vmem>> -> memref<1x1x128xi32, #tpu.memory_space<vmem>>
      %dma_wait3A_515 = tpu.memref_squeeze %dma_wait3A_514 : memref<1x1x128xi32, #tpu.memory_space<vmem>> -> memref<128xi32, #tpu.memory_space<vmem>>
      %dma_wait3A_516 = arith.constant 0 : i32
      %dma_wait3A_517 = arith.constant 0 : i32
      %dma_wait3A_518 = tpu.memref_slice %arg2[%dma_wait3A_516, %dma_wait3A_517] : memref<10000x128xf32, #tpu.memory_space<hbm>> -> memref<10000x128xf32, #tpu.memory_space<hbm>>
      tpu.wait_indirect_dma semaphore(%arg11 : memref<!tpu.dma_semaphore, #tpu.memory_space<semaphore_mem>>) src(%dma_wait3A_518 : memref<10000x128xf32, #tpu.memory_space<hbm>>) dst(%arg8 : memref<128x128xf32, #tpu.memory_space<vmem>>)
      %run_scoped3A_519 = arith.constant 0 : i32
      "tpu.region"() ({
        %run_scoped3A_539 = tpu.sem_alloc : memref<!tpu.dma_semaphore, #tpu.memory_space<semaphore_mem>>
        %dma_start3A_540 = arith.constant 0 : i32
        %dma_start3A_541 = tpu.memref_slice %arg7[%run_scoped3A_519, %mul3A_502, %dma_start3A_540] : memref<2x16x128xi32, #tpu.memory_space<vmem>> -> memref<1x1x128xi32, #tpu.memory_space<vmem>>
        %dma_start3A_542 = tpu.memref_squeeze %dma_start3A_541 : memref<1x1x128xi32, #tpu.memory_space<vmem>> -> memref<128xi32, #tpu.memory_space<vmem>>
        %dma_start3A_543 = arith.constant 0 : i32
        %dma_start3A_544 = arith.constant 0 : i32
        %dma_start3A_545 = tpu.memref_slice %arg10[%dma_start3A_543, %dma_start3A_544] : memref<10240x128xf32, #tpu.memory_space<vmem_shared>> -> memref<10240x128xf32, #tpu.memory_space<vmem_shared>>
        tpu.enqueue_indirect_dma source(%arg8 : memref<128x128xf32, #tpu.memory_space<vmem>>) target(%dma_start3A_545 : memref<10240x128xf32, #tpu.memory_space<vmem_shared>>) offsets(%dma_start3A_542 : memref<128xi32, #tpu.memory_space<vmem>>) semaphore(%run_scoped3A_539 : memref<!tpu.dma_semaphore, #tpu.memory_space<semaphore_mem>>) {add = true}
        %dma_wait3A_546 = arith.constant 0 : i32
        %dma_wait3A_547 = tpu.memref_slice %arg7[%run_scoped3A_519, %mul3A_502, %dma_wait3A_546] : memref<2x16x128xi32, #tpu.memory_space<vmem>> -> memref<1x1x128xi32, #tpu.memory_space<vmem>>
        %dma_wait3A_548 = tpu.memref_squeeze %dma_wait3A_547 : memref<1x1x128xi32, #tpu.memory_space<vmem>> -> memref<128xi32, #tpu.memory_space<vmem>>
        %dma_wait3A_549 = arith.constant 0 : i32
        %dma_wait3A_550 = arith.constant 0 : i32
        %dma_wait3A_551 = tpu.memref_slice %arg10[%dma_wait3A_549, %dma_wait3A_550] : memref<10240x128xf32, #tpu.memory_space<vmem_shared>> -> memref<10240x128xf32, #tpu.memory_space<vmem_shared>>
        tpu.wait_indirect_dma semaphore(%run_scoped3A_539 : memref<!tpu.dma_semaphore, #tpu.memory_space<semaphore_mem>>) src(%arg8 : memref<128x128xf32, #tpu.memory_space<vmem>>) dst(%dma_wait3A_551 : memref<10240x128xf32, #tpu.memory_space<vmem_shared>>)
        tpu.yield
      }) : () -> ()
      %add3A_520 = arith.constant 2 : i32
      %add3A_521 = arith.addi %mul3A_502, %add3A_520 : i32
      %dma_start3A_522 = arith.constant 0 : i32
      %dma_start3A_523 = arith.constant 0 : i32
      %dma_start3A_524 = tpu.memref_slice %arg6[%dma_start3A_522, %add3A_521, %dma_start3A_523] : memref<2x16x128xi32, #tpu.memory_space<vmem>> -> memref<1x1x128xi32, #tpu.memory_space<vmem>>
      %dma_start3A_525 = tpu.memref_squeeze %dma_start3A_524 : memref<1x1x128xi32, #tpu.memory_space<vmem>> -> memref<128xi32, #tpu.memory_space<vmem>>
      %dma_start3A_526 = arith.constant 0 : i32
      %dma_start3A_527 = arith.constant 0 : i32
      %dma_start3A_528 = tpu.memref_slice %arg2[%dma_start3A_526, %dma_start3A_527] : memref<10000x128xf32, #tpu.memory_space<hbm>> -> memref<10000x128xf32, #tpu.memory_space<hbm>>
      tpu.enqueue_indirect_dma source(%dma_start3A_528 : memref<10000x128xf32, #tpu.memory_space<hbm>>) target(%arg8 : memref<128x128xf32, #tpu.memory_space<vmem>>) offsets(%dma_start3A_525 : memref<128xi32, #tpu.memory_space<vmem>>) semaphore(%arg11 : memref<!tpu.dma_semaphore, #tpu.memory_space<semaphore_mem>>)
      %add3A_529 = arith.constant 1 : i32
      %add3A_530 = arith.addi %mul3A_502, %add3A_529 : i32
      %dma_wait3A_531 = arith.constant 0 : i32
      %dma_wait3A_532 = arith.constant 0 : i32
      %dma_wait3A_533 = tpu.memref_slice %arg6[%dma_wait3A_531, %add3A_530, %dma_wait3A_532] : memref<2x16x128xi32, #tpu.memory_space<vmem>> -> memref<1x1x128xi32, #tpu.memory_space<vmem>>
      %dma_wait3A_534 = tpu.memref_squeeze %dma_wait3A_533 : memref<1x1x128xi32, #tpu.memory_space<vmem>> -> memref<128xi32, #tpu.memory_space<vmem>>
      %dma_wait3A_535 = arith.constant 0 : i32
      %dma_wait3A_536 = arith.constant 0 : i32
      %dma_wait3A_537 = tpu.memref_slice %arg2[%dma_wait3A_535, %dma_wait3A_536] : memref<10000x128xf32, #tpu.memory_space<hbm>> -> memref<10000x128xf32, #tpu.memory_space<hbm>>
      tpu.wait_indirect_dma semaphore(%arg12 : memref<!tpu.dma_semaphore, #tpu.memory_space<semaphore_mem>>) src(%dma_wait3A_537 : memref<10000x128xf32, #tpu.memory_space<hbm>>) dst(%arg9 : memref<128x128xf32, #tpu.memory_space<vmem>>)
      %run_scoped3A_538 = arith.constant 0 : i32
      "tpu.region"() ({
        %run_scoped3A_539 = tpu.sem_alloc : memref<!tpu.dma_semaphore, #tpu.memory_space<semaphore_mem>>
        %dma_start3A_540 = arith.constant 0 : i32
        %dma_start3A_541 = tpu.memref_slice %arg7[%run_scoped3A_538, %add3A_530, %dma_start3A_540] : memref<2x16x128xi32, #tpu.memory_space<vmem>> -> memref<1x1x128xi32, #tpu.memory_space<vmem>>
        %dma_start3A_542 = tpu.memref_squeeze %dma_start3A_541 : memref<1x1x128xi32, #tpu.memory_space<vmem>> -> memref<128xi32, #tpu.memory_space<vmem>>
        %dma_start3A_543 = arith.constant 0 : i32
        %dma_start3A_544 = arith.constant 0 : i32
        %dma_start3A_545 = tpu.memref_slice %arg10[%dma_start3A_543, %dma_start3A_544] : memref<10240x128xf32, #tpu.memory_space<vmem_shared>> -> memref<10240x128xf32, #tpu.memory_space<vmem_shared>>
        tpu.enqueue_indirect_dma source(%arg9 : memref<128x128xf32, #tpu.memory_space<vmem>>) target(%dma_start3A_545 : memref<10240x128xf32, #tpu.memory_space<vmem_shared>>) offsets(%dma_start3A_542 : memref<128xi32, #tpu.memory_space<vmem>>) semaphore(%run_scoped3A_539 : memref<!tpu.dma_semaphore, #tpu.memory_space<semaphore_mem>>) {add = true}
        %dma_wait3A_546 = arith.constant 0 : i32
        %dma_wait3A_547 = tpu.memref_slice %arg7[%run_scoped3A_538, %add3A_530, %dma_wait3A_546] : memref<2x16x128xi32, #tpu.memory_space<vmem>> -> memref<1x1x128xi32, #tpu.memory_space<vmem>>
        %dma_wait3A_548 = tpu.memref_squeeze %dma_wait3A_547 : memref<1x1x128xi32, #tpu.memory_space<vmem>> -> memref<128xi32, #tpu.memory_space<vmem>>
        %dma_wait3A_549 = arith.constant 0 : i32
        %dma_wait3A_550 = arith.constant 0 : i32
        %dma_wait3A_551 = tpu.memref_slice %arg10[%dma_wait3A_549, %dma_wait3A_550] : memref<10240x128xf32, #tpu.memory_space<vmem_shared>> -> memref<10240x128xf32, #tpu.memory_space<vmem_shared>>
        tpu.wait_indirect_dma semaphore(%run_scoped3A_539 : memref<!tpu.dma_semaphore, #tpu.memory_space<semaphore_mem>>) src(%arg9 : memref<128x128xf32, #tpu.memory_space<vmem>>) dst(%dma_wait3A_551 : memref<10240x128xf32, #tpu.memory_space<vmem_shared>>)
        tpu.yield
      }) : () -> ()
    }
    %scan3A_278 = arith.constant 7 : i32
    %dma_start3A_279 = arith.constant 0 : i32
    %dma_start3A_280 = arith.constant 15 : i32
    %dma_start3A_281 = arith.constant 0 : i32
    %dma_start3A_282 = tpu.memref_slice %arg6[%dma_start3A_279, %dma_start3A_280, %dma_start3A_281] : memref<2x16x128xi32, #tpu.memory_space<vmem>> -> memref<1x1x128xi32, #tpu.memory_space<vmem>>
    %dma_start3A_283 = tpu.memref_squeeze %dma_start3A_282 : memref<1x1x128xi32, #tpu.memory_space<vmem>> -> memref<128xi32, #tpu.memory_space<vmem>>
    %dma_start3A_284 = arith.constant 0 : i32
    %dma_start3A_285 = arith.constant 0 : i32
    %dma_start3A_286 = tpu.memref_slice %arg2[%dma_start3A_284, %dma_start3A_285] : memref<10000x128xf32, #tpu.memory_space<hbm>> -> memref<10000x128xf32, #tpu.memory_space<hbm>>
    tpu.enqueue_indirect_dma source(%dma_start3A_286 : memref<10000x128xf32, #tpu.memory_space<hbm>>) target(%arg9 : memref<128x128xf32, #tpu.memory_space<vmem>>) offsets(%dma_start3A_283 : memref<128xi32, #tpu.memory_space<vmem>>) semaphore(%arg12 : memref<!tpu.dma_semaphore, #tpu.memory_space<semaphore_mem>>)
    %dma_wait3A_287 = arith.constant 0 : i32
    %dma_wait3A_288 = arith.constant 14 : i32
    %dma_wait3A_289 = arith.constant 0 : i32
    %dma_wait3A_290 = tpu.memref_slice %arg6[%dma_wait3A_287, %dma_wait3A_288, %dma_wait3A_289] : memref<2x16x128xi32, #tpu.memory_space<vmem>> -> memref<1x1x128xi32, #tpu.memory_space<vmem>>
    %dma_wait3A_291 = tpu.memref_squeeze %dma_wait3A_290 : memref<1x1x128xi32, #tpu.memory_space<vmem>> -> memref<128xi32, #tpu.memory_space<vmem>>
    %dma_wait3A_292 = arith.constant 0 : i32
    %dma_wait3A_293 = arith.constant 0 : i32
    %dma_wait3A_294 = tpu.memref_slice %arg2[%dma_wait3A_292, %dma_wait3A_293] : memref<10000x128xf32, #tpu.memory_space<hbm>> -> memref<10000x128xf32, #tpu.memory_space<hbm>>
    tpu.wait_indirect_dma semaphore(%arg11 : memref<!tpu.dma_semaphore, #tpu.memory_space<semaphore_mem>>) src(%dma_wait3A_294 : memref<10000x128xf32, #tpu.memory_space<hbm>>) dst(%arg8 : memref<128x128xf32, #tpu.memory_space<vmem>>)
    %run_scoped3A_295 = arith.constant 0 : i32
    %run_scoped3A_296 = arith.constant 14 : i32
    "tpu.region"() ({
      %run_scoped3A_500 = tpu.sem_alloc : memref<!tpu.dma_semaphore, #tpu.memory_space<semaphore_mem>>
      %dma_start3A_501 = arith.constant 0 : i32
      %dma_start3A_502 = tpu.memref_slice %arg7[%run_scoped3A_295, %run_scoped3A_296, %dma_start3A_501] : memref<2x16x128xi32, #tpu.memory_space<vmem>> -> memref<1x1x128xi32, #tpu.memory_space<vmem>>
      %dma_start3A_503 = tpu.memref_squeeze %dma_start3A_502 : memref<1x1x128xi32, #tpu.memory_space<vmem>> -> memref<128xi32, #tpu.memory_space<vmem>>
      %dma_start3A_504 = arith.constant 0 : i32
      %dma_start3A_505 = arith.constant 0 : i32
      %dma_start3A_506 = tpu.memref_slice %arg10[%dma_start3A_504, %dma_start3A_505] : memref<10240x128xf32, #tpu.memory_space<vmem_shared>> -> memref<10240x128xf32, #tpu.memory_space<vmem_shared>>
      tpu.enqueue_indirect_dma source(%arg8 : memref<128x128xf32, #tpu.memory_space<vmem>>) target(%dma_start3A_506 : memref<10240x128xf32, #tpu.memory_space<vmem_shared>>) offsets(%dma_start3A_503 : memref<128xi32, #tpu.memory_space<vmem>>) semaphore(%run_scoped3A_500 : memref<!tpu.dma_semaphore, #tpu.memory_space<semaphore_mem>>) {add = true}
      %dma_wait3A_507 = arith.constant 0 : i32
      %dma_wait3A_508 = tpu.memref_slice %arg7[%run_scoped3A_295, %run_scoped3A_296, %dma_wait3A_507] : memref<2x16x128xi32, #tpu.memory_space<vmem>> -> memref<1x1x128xi32, #tpu.memory_space<vmem>>
      %dma_wait3A_509 = tpu.memref_squeeze %dma_wait3A_508 : memref<1x1x128xi32, #tpu.memory_space<vmem>> -> memref<128xi32, #tpu.memory_space<vmem>>
      %dma_wait3A_510 = arith.constant 0 : i32
      %dma_wait3A_511 = arith.constant 0 : i32
      %dma_wait3A_512 = tpu.memref_slice %arg10[%dma_wait3A_510, %dma_wait3A_511] : memref<10240x128xf32, #tpu.memory_space<vmem_shared>> -> memref<10240x128xf32, #tpu.memory_space<vmem_shared>>
      tpu.wait_indirect_dma semaphore(%run_scoped3A_500 : memref<!tpu.dma_semaphore, #tpu.memory_space<semaphore_mem>>) src(%arg8 : memref<128x128xf32, #tpu.memory_space<vmem>>) dst(%dma_wait3A_512 : memref<10240x128xf32, #tpu.memory_space<vmem_shared>>)
      tpu.yield
    }) : () -> ()
    %dma_wait3A_297 = arith.constant 1 : i32
    %dma_wait3A_298 = arith.constant 0 : i32
    %dma_wait3A_299 = arith.constant 0 : i32
    %dma_wait3A_300 = tpu.memref_slice %arg6[%dma_wait3A_297, %dma_wait3A_298, %dma_wait3A_299] : memref<2x16x128xi32, #tpu.memory_space<vmem>> -> memref<1x16x128xi32, #tpu.memory_space<vmem>>
    %dma_wait3A_301 = tpu.memref_squeeze %dma_wait3A_300 : memref<1x16x128xi32, #tpu.memory_space<vmem>> -> memref<16x128xi32, #tpu.memory_space<vmem>>
    %dma_wait3A_302 = arith.constant 48 : i32
    %dma_wait3A_303 = arith.constant 0 : i32
    %dma_wait3A_304 = tpu.memref_slice %arg3[%add3A, %dma_wait3A_302, %dma_wait3A_303] : memref<32x80x128xi32, #tpu.memory_space<hbm>> -> memref<1x16x128xi32, #tpu.memory_space<hbm>>
    %dma_wait3A_305 = tpu.memref_squeeze %dma_wait3A_304 : memref<1x16x128xi32, #tpu.memory_space<hbm>> -> memref<16x128xi32, #tpu.memory_space<hbm>>
    %dma_wait3A_306 = arith.constant 0 : i32
    %dma_wait3A_307 = arith.constant 0 : i32
    %dma_wait3A_308 = tpu.memref_slice %arg6[%dma_wait3A_297, %dma_wait3A_306, %dma_wait3A_307] : memref<2x16x128xi32, #tpu.memory_space<vmem>> -> memref<1x16x128xi32, #tpu.memory_space<vmem>>
    %dma_wait3A_309 = tpu.memref_squeeze %dma_wait3A_308 : memref<1x16x128xi32, #tpu.memory_space<vmem>> -> memref<16x128xi32, #tpu.memory_space<vmem>>
    %dma_wait3A_310 = arith.constant 48 : i32
    %dma_wait3A_311 = arith.constant 0 : i32
    %dma_wait3A_312 = tpu.memref_slice %arg3[%add3A, %dma_wait3A_310, %dma_wait3A_311] : memref<32x80x128xi32, #tpu.memory_space<hbm>> -> memref<1x16x128xi32, #tpu.memory_space<hbm>>
    %dma_wait3A_313 = tpu.memref_squeeze %dma_wait3A_312 : memref<1x16x128xi32, #tpu.memory_space<hbm>> -> memref<16x128xi32, #tpu.memory_space<hbm>>
    tpu.wait_dma2 semaphore(%arg13 : memref<!tpu.dma_semaphore, #tpu.memory_space<semaphore_mem>>) src(%dma_wait3A_313 : memref<16x128xi32, #tpu.memory_space<hbm>>) dst(%dma_wait3A_309 : memref<16x128xi32, #tpu.memory_space<vmem>>)
    %dma_wait3A_314 = arith.constant 1 : i32
    %dma_wait3A_315 = arith.constant 0 : i32
    %dma_wait3A_316 = arith.constant 0 : i32
    %dma_wait3A_317 = tpu.memref_slice %arg7[%dma_wait3A_314, %dma_wait3A_315, %dma_wait3A_316] : memref<2x16x128xi32, #tpu.memory_space<vmem>> -> memref<1x16x128xi32, #tpu.memory_space<vmem>>
    %dma_wait3A_318 = tpu.memref_squeeze %dma_wait3A_317 : memref<1x16x128xi32, #tpu.memory_space<vmem>> -> memref<16x128xi32, #tpu.memory_space<vmem>>
    %dma_wait3A_319 = arith.constant 48 : i32
    %dma_wait3A_320 = arith.constant 0 : i32
    %dma_wait3A_321 = tpu.memref_slice %arg4[%add3A, %dma_wait3A_319, %dma_wait3A_320] : memref<32x80x128xi32, #tpu.memory_space<hbm>> -> memref<1x16x128xi32, #tpu.memory_space<hbm>>
    %dma_wait3A_322 = tpu.memref_squeeze %dma_wait3A_321 : memref<1x16x128xi32, #tpu.memory_space<hbm>> -> memref<16x128xi32, #tpu.memory_space<hbm>>
    %dma_wait3A_323 = arith.constant 0 : i32
    %dma_wait3A_324 = arith.constant 0 : i32
    %dma_wait3A_325 = tpu.memref_slice %arg7[%dma_wait3A_314, %dma_wait3A_323, %dma_wait3A_324] : memref<2x16x128xi32, #tpu.memory_space<vmem>> -> memref<1x16x128xi32, #tpu.memory_space<vmem>>
    %dma_wait3A_326 = tpu.memref_squeeze %dma_wait3A_325 : memref<1x16x128xi32, #tpu.memory_space<vmem>> -> memref<16x128xi32, #tpu.memory_space<vmem>>
    %dma_wait3A_327 = arith.constant 48 : i32
    %dma_wait3A_328 = arith.constant 0 : i32
    %dma_wait3A_329 = tpu.memref_slice %arg4[%add3A, %dma_wait3A_327, %dma_wait3A_328] : memref<32x80x128xi32, #tpu.memory_space<hbm>> -> memref<1x16x128xi32, #tpu.memory_space<hbm>>
    %dma_wait3A_330 = tpu.memref_squeeze %dma_wait3A_329 : memref<1x16x128xi32, #tpu.memory_space<hbm>> -> memref<16x128xi32, #tpu.memory_space<hbm>>
    tpu.wait_dma2 semaphore(%arg14 : memref<!tpu.dma_semaphore, #tpu.memory_space<semaphore_mem>>) src(%dma_wait3A_330 : memref<16x128xi32, #tpu.memory_space<hbm>>) dst(%dma_wait3A_326 : memref<16x128xi32, #tpu.memory_space<vmem>>)
    %dma_start3A_331 = arith.constant 1 : i32
    %dma_start3A_332 = arith.constant 0 : i32
    %dma_start3A_333 = arith.constant 0 : i32
    %dma_start3A_334 = tpu.memref_slice %arg6[%dma_start3A_331, %dma_start3A_332, %dma_start3A_333] : memref<2x16x128xi32, #tpu.memory_space<vmem>> -> memref<1x1x128xi32, #tpu.memory_space<vmem>>
    %dma_start3A_335 = tpu.memref_squeeze %dma_start3A_334 : memref<1x1x128xi32, #tpu.memory_space<vmem>> -> memref<128xi32, #tpu.memory_space<vmem>>
    %dma_start3A_336 = arith.constant 0 : i32
    %dma_start3A_337 = arith.constant 0 : i32
    %dma_start3A_338 = tpu.memref_slice %arg2[%dma_start3A_336, %dma_start3A_337] : memref<10000x128xf32, #tpu.memory_space<hbm>> -> memref<10000x128xf32, #tpu.memory_space<hbm>>
    tpu.enqueue_indirect_dma source(%dma_start3A_338 : memref<10000x128xf32, #tpu.memory_space<hbm>>) target(%arg8 : memref<128x128xf32, #tpu.memory_space<vmem>>) offsets(%dma_start3A_335 : memref<128xi32, #tpu.memory_space<vmem>>) semaphore(%arg11 : memref<!tpu.dma_semaphore, #tpu.memory_space<semaphore_mem>>)
    %dma_wait3A_339 = arith.constant 0 : i32
    %dma_wait3A_340 = arith.constant 15 : i32
    %dma_wait3A_341 = arith.constant 0 : i32
    %dma_wait3A_342 = tpu.memref_slice %arg6[%dma_wait3A_339, %dma_wait3A_340, %dma_wait3A_341] : memref<2x16x128xi32, #tpu.memory_space<vmem>> -> memref<1x1x128xi32, #tpu.memory_space<vmem>>
    %dma_wait3A_343 = tpu.memref_squeeze %dma_wait3A_342 : memref<1x1x128xi32, #tpu.memory_space<vmem>> -> memref<128xi32, #tpu.memory_space<vmem>>
    %dma_wait3A_344 = arith.constant 0 : i32
    %dma_wait3A_345 = arith.constant 0 : i32
    %dma_wait3A_346 = tpu.memref_slice %arg2[%dma_wait3A_344, %dma_wait3A_345] : memref<10000x128xf32, #tpu.memory_space<hbm>> -> memref<10000x128xf32, #tpu.memory_space<hbm>>
    tpu.wait_indirect_dma semaphore(%arg12 : memref<!tpu.dma_semaphore, #tpu.memory_space<semaphore_mem>>) src(%dma_wait3A_346 : memref<10000x128xf32, #tpu.memory_space<hbm>>) dst(%arg9 : memref<128x128xf32, #tpu.memory_space<vmem>>)
    %run_scoped3A_347 = arith.constant 0 : i32
    %run_scoped3A_348 = arith.constant 15 : i32
    "tpu.region"() ({
      %run_scoped3A_500 = tpu.sem_alloc : memref<!tpu.dma_semaphore, #tpu.memory_space<semaphore_mem>>
      %dma_start3A_501 = arith.constant 0 : i32
      %dma_start3A_502 = tpu.memref_slice %arg7[%run_scoped3A_347, %run_scoped3A_348, %dma_start3A_501] : memref<2x16x128xi32, #tpu.memory_space<vmem>> -> memref<1x1x128xi32, #tpu.memory_space<vmem>>
      %dma_start3A_503 = tpu.memref_squeeze %dma_start3A_502 : memref<1x1x128xi32, #tpu.memory_space<vmem>> -> memref<128xi32, #tpu.memory_space<vmem>>
      %dma_start3A_504 = arith.constant 0 : i32
      %dma_start3A_505 = arith.constant 0 : i32
      %dma_start3A_506 = tpu.memref_slice %arg10[%dma_start3A_504, %dma_start3A_505] : memref<10240x128xf32, #tpu.memory_space<vmem_shared>> -> memref<10240x128xf32, #tpu.memory_space<vmem_shared>>
      tpu.enqueue_indirect_dma source(%arg9 : memref<128x128xf32, #tpu.memory_space<vmem>>) target(%dma_start3A_506 : memref<10240x128xf32, #tpu.memory_space<vmem_shared>>) offsets(%dma_start3A_503 : memref<128xi32, #tpu.memory_space<vmem>>) semaphore(%run_scoped3A_500 : memref<!tpu.dma_semaphore, #tpu.memory_space<semaphore_mem>>) {add = true}
      %dma_wait3A_507 = arith.constant 0 : i32
      %dma_wait3A_508 = tpu.memref_slice %arg7[%run_scoped3A_347, %run_scoped3A_348, %dma_wait3A_507] : memref<2x16x128xi32, #tpu.memory_space<vmem>> -> memref<1x1x128xi32, #tpu.memory_space<vmem>>
      %dma_wait3A_509 = tpu.memref_squeeze %dma_wait3A_508 : memref<1x1x128xi32, #tpu.memory_space<vmem>> -> memref<128xi32, #tpu.memory_space<vmem>>
      %dma_wait3A_510 = arith.constant 0 : i32
      %dma_wait3A_511 = arith.constant 0 : i32
      %dma_wait3A_512 = tpu.memref_slice %arg10[%dma_wait3A_510, %dma_wait3A_511] : memref<10240x128xf32, #tpu.memory_space<vmem_shared>> -> memref<10240x128xf32, #tpu.memory_space<vmem_shared>>
      tpu.wait_indirect_dma semaphore(%run_scoped3A_500 : memref<!tpu.dma_semaphore, #tpu.memory_space<semaphore_mem>>) src(%arg9 : memref<128x128xf32, #tpu.memory_space<vmem>>) dst(%dma_wait3A_512 : memref<10240x128xf32, #tpu.memory_space<vmem_shared>>)
      tpu.yield
    }) : () -> ()
    %dma_start3A_349 = arith.constant 0 : i32
    %dma_start3A_350 = arith.constant 0 : i32
    %dma_start3A_351 = arith.constant 0 : i32
    %dma_start3A_352 = tpu.memref_slice %arg6[%dma_start3A_349, %dma_start3A_350, %dma_start3A_351] : memref<2x16x128xi32, #tpu.memory_space<vmem>> -> memref<1x16x128xi32, #tpu.memory_space<vmem>>
    %dma_start3A_353 = tpu.memref_squeeze %dma_start3A_352 : memref<1x16x128xi32, #tpu.memory_space<vmem>> -> memref<16x128xi32, #tpu.memory_space<vmem>>
    %dma_start3A_354 = arith.constant 64 : i32
    %dma_start3A_355 = arith.constant 0 : i32
    %dma_start3A_356 = tpu.memref_slice %arg3[%add3A, %dma_start3A_354, %dma_start3A_355] : memref<32x80x128xi32, #tpu.memory_space<hbm>> -> memref<1x16x128xi32, #tpu.memory_space<hbm>>
    %dma_start3A_357 = tpu.memref_squeeze %dma_start3A_356 : memref<1x16x128xi32, #tpu.memory_space<hbm>> -> memref<16x128xi32, #tpu.memory_space<hbm>>
    %dma_start3A_358 = arith.constant 0 : i32
    %dma_start3A_359 = arith.constant 0 : i32
    %dma_start3A_360 = tpu.memref_slice %arg6[%dma_start3A_349, %dma_start3A_358, %dma_start3A_359] : memref<2x16x128xi32, #tpu.memory_space<vmem>> -> memref<1x16x128xi32, #tpu.memory_space<vmem>>
    %dma_start3A_361 = tpu.memref_squeeze %dma_start3A_360 : memref<1x16x128xi32, #tpu.memory_space<vmem>> -> memref<16x128xi32, #tpu.memory_space<vmem>>
    %dma_start3A_362 = arith.constant 64 : i32
    %dma_start3A_363 = arith.constant 0 : i32
    %dma_start3A_364 = tpu.memref_slice %arg3[%add3A, %dma_start3A_362, %dma_start3A_363] : memref<32x80x128xi32, #tpu.memory_space<hbm>> -> memref<1x16x128xi32, #tpu.memory_space<hbm>>
    %dma_start3A_365 = tpu.memref_squeeze %dma_start3A_364 : memref<1x16x128xi32, #tpu.memory_space<hbm>> -> memref<16x128xi32, #tpu.memory_space<hbm>>
    tpu.enqueue_dma source(%dma_start3A_365 : memref<16x128xi32, #tpu.memory_space<hbm>>) target(%dma_start3A_361 : memref<16x128xi32, #tpu.memory_space<vmem>>) target_semaphore(%arg13 : memref<!tpu.dma_semaphore, #tpu.memory_space<semaphore_mem>>)
    %dma_start3A_366 = arith.constant 0 : i32
    %dma_start3A_367 = arith.constant 0 : i32
    %dma_start3A_368 = arith.constant 0 : i32
    %dma_start3A_369 = tpu.memref_slice %arg7[%dma_start3A_366, %dma_start3A_367, %dma_start3A_368] : memref<2x16x128xi32, #tpu.memory_space<vmem>> -> memref<1x16x128xi32, #tpu.memory_space<vmem>>
    %dma_start3A_370 = tpu.memref_squeeze %dma_start3A_369 : memref<1x16x128xi32, #tpu.memory_space<vmem>> -> memref<16x128xi32, #tpu.memory_space<vmem>>
    %dma_start3A_371 = arith.constant 64 : i32
    %dma_start3A_372 = arith.constant 0 : i32
    %dma_start3A_373 = tpu.memref_slice %arg4[%add3A, %dma_start3A_371, %dma_start3A_372] : memref<32x80x128xi32, #tpu.memory_space<hbm>> -> memref<1x16x128xi32, #tpu.memory_space<hbm>>
    %dma_start3A_374 = tpu.memref_squeeze %dma_start3A_373 : memref<1x16x128xi32, #tpu.memory_space<hbm>> -> memref<16x128xi32, #tpu.memory_space<hbm>>
    %dma_start3A_375 = arith.constant 0 : i32
    %dma_start3A_376 = arith.constant 0 : i32
    %dma_start3A_377 = tpu.memref_slice %arg7[%dma_start3A_366, %dma_start3A_375, %dma_start3A_376] : memref<2x16x128xi32, #tpu.memory_space<vmem>> -> memref<1x16x128xi32, #tpu.memory_space<vmem>>
    %dma_start3A_378 = tpu.memref_squeeze %dma_start3A_377 : memref<1x16x128xi32, #tpu.memory_space<vmem>> -> memref<16x128xi32, #tpu.memory_space<vmem>>
    %dma_start3A_379 = arith.constant 64 : i32
    %dma_start3A_380 = arith.constant 0 : i32
    %dma_start3A_381 = tpu.memref_slice %arg4[%add3A, %dma_start3A_379, %dma_start3A_380] : memref<32x80x128xi32, #tpu.memory_space<hbm>> -> memref<1x16x128xi32, #tpu.memory_space<hbm>>
    %dma_start3A_382 = tpu.memref_squeeze %dma_start3A_381 : memref<1x16x128xi32, #tpu.memory_space<hbm>> -> memref<16x128xi32, #tpu.memory_space<hbm>>
    tpu.enqueue_dma source(%dma_start3A_382 : memref<16x128xi32, #tpu.memory_space<hbm>>) target(%dma_start3A_378 : memref<16x128xi32, #tpu.memory_space<vmem>>) target_semaphore(%arg14 : memref<!tpu.dma_semaphore, #tpu.memory_space<semaphore_mem>>)
    %scan3A_383 = arith.constant 0 : i32
    %scan3A_384 = arith.constant 0 : i32
    %scan3A_385 = arith.constant 7 : i32
    %scan3A_386 = arith.addi %scan3A_384, %scan3A_385 : i32
    %scan3A_387 = arith.constant 1 : i32
    scf.for %scan3A_500 = %scan3A_384 to %scan3A_386 step %scan3A_387  : i32 {
      %mul3A_501 = arith.constant 2 : i32
      %mul3A_502 = arith.muli %mul3A_501, %scan3A_500 : i32
      %add3A_503 = arith.constant 1 : i32
      %add3A_504 = arith.addi %mul3A_502, %add3A_503 : i32
      %dma_start3A_505 = arith.constant 1 : i32
      %dma_start3A_506 = arith.constant 0 : i32
      %dma_start3A_507 = tpu.memref_slice %arg6[%dma_start3A_505, %add3A_504, %dma_start3A_506] : memref<2x16x128xi32, #tpu.memory_space<vmem>> -> memref<1x1x128xi32, #tpu.memory_space<vmem>>
      %dma_start3A_508 = tpu.memref_squeeze %dma_start3A_507 : memref<1x1x128xi32, #tpu.memory_space<vmem>> -> memref<128xi32, #tpu.memory_space<vmem>>
      %dma_start3A_509 = arith.constant 0 : i32
      %dma_start3A_510 = arith.constant 0 : i32
      %dma_start3A_511 = tpu.memref_slice %arg2[%dma_start3A_509, %dma_start3A_510] : memref<10000x128xf32, #tpu.memory_space<hbm>> -> memref<10000x128xf32, #tpu.memory_space<hbm>>
      tpu.enqueue_indirect_dma source(%dma_start3A_511 : memref<10000x128xf32, #tpu.memory_space<hbm>>) target(%arg9 : memref<128x128xf32, #tpu.memory_space<vmem>>) offsets(%dma_start3A_508 : memref<128xi32, #tpu.memory_space<vmem>>) semaphore(%arg12 : memref<!tpu.dma_semaphore, #tpu.memory_space<semaphore_mem>>)
      %dma_wait3A_512 = arith.constant 1 : i32
      %dma_wait3A_513 = arith.constant 0 : i32
      %dma_wait3A_514 = tpu.memref_slice %arg6[%dma_wait3A_512, %mul3A_502, %dma_wait3A_513] : memref<2x16x128xi32, #tpu.memory_space<vmem>> -> memref<1x1x128xi32, #tpu.memory_space<vmem>>
      %dma_wait3A_515 = tpu.memref_squeeze %dma_wait3A_514 : memref<1x1x128xi32, #tpu.memory_space<vmem>> -> memref<128xi32, #tpu.memory_space<vmem>>
      %dma_wait3A_516 = arith.constant 0 : i32
      %dma_wait3A_517 = arith.constant 0 : i32
      %dma_wait3A_518 = tpu.memref_slice %arg2[%dma_wait3A_516, %dma_wait3A_517] : memref<10000x128xf32, #tpu.memory_space<hbm>> -> memref<10000x128xf32, #tpu.memory_space<hbm>>
      tpu.wait_indirect_dma semaphore(%arg11 : memref<!tpu.dma_semaphore, #tpu.memory_space<semaphore_mem>>) src(%dma_wait3A_518 : memref<10000x128xf32, #tpu.memory_space<hbm>>) dst(%arg8 : memref<128x128xf32, #tpu.memory_space<vmem>>)
      %run_scoped3A_519 = arith.constant 1 : i32
      "tpu.region"() ({
        %run_scoped3A_539 = tpu.sem_alloc : memref<!tpu.dma_semaphore, #tpu.memory_space<semaphore_mem>>
        %dma_start3A_540 = arith.constant 0 : i32
        %dma_start3A_541 = tpu.memref_slice %arg7[%run_scoped3A_519, %mul3A_502, %dma_start3A_540] : memref<2x16x128xi32, #tpu.memory_space<vmem>> -> memref<1x1x128xi32, #tpu.memory_space<vmem>>
        %dma_start3A_542 = tpu.memref_squeeze %dma_start3A_541 : memref<1x1x128xi32, #tpu.memory_space<vmem>> -> memref<128xi32, #tpu.memory_space<vmem>>
        %dma_start3A_543 = arith.constant 0 : i32
        %dma_start3A_544 = arith.constant 0 : i32
        %dma_start3A_545 = tpu.memref_slice %arg10[%dma_start3A_543, %dma_start3A_544] : memref<10240x128xf32, #tpu.memory_space<vmem_shared>> -> memref<10240x128xf32, #tpu.memory_space<vmem_shared>>
        tpu.enqueue_indirect_dma source(%arg8 : memref<128x128xf32, #tpu.memory_space<vmem>>) target(%dma_start3A_545 : memref<10240x128xf32, #tpu.memory_space<vmem_shared>>) offsets(%dma_start3A_542 : memref<128xi32, #tpu.memory_space<vmem>>) semaphore(%run_scoped3A_539 : memref<!tpu.dma_semaphore, #tpu.memory_space<semaphore_mem>>) {add = true}
        %dma_wait3A_546 = arith.constant 0 : i32
        %dma_wait3A_547 = tpu.memref_slice %arg7[%run_scoped3A_519, %mul3A_502, %dma_wait3A_546] : memref<2x16x128xi32, #tpu.memory_space<vmem>> -> memref<1x1x128xi32, #tpu.memory_space<vmem>>
        %dma_wait3A_548 = tpu.memref_squeeze %dma_wait3A_547 : memref<1x1x128xi32, #tpu.memory_space<vmem>> -> memref<128xi32, #tpu.memory_space<vmem>>
        %dma_wait3A_549 = arith.constant 0 : i32
        %dma_wait3A_550 = arith.constant 0 : i32
        %dma_wait3A_551 = tpu.memref_slice %arg10[%dma_wait3A_549, %dma_wait3A_550] : memref<10240x128xf32, #tpu.memory_space<vmem_shared>> -> memref<10240x128xf32, #tpu.memory_space<vmem_shared>>
        tpu.wait_indirect_dma semaphore(%run_scoped3A_539 : memref<!tpu.dma_semaphore, #tpu.memory_space<semaphore_mem>>) src(%arg8 : memref<128x128xf32, #tpu.memory_space<vmem>>) dst(%dma_wait3A_551 : memref<10240x128xf32, #tpu.memory_space<vmem_shared>>)
        tpu.yield
      }) : () -> ()
      %add3A_520 = arith.constant 2 : i32
      %add3A_521 = arith.addi %mul3A_502, %add3A_520 : i32
      %dma_start3A_522 = arith.constant 1 : i32
      %dma_start3A_523 = arith.constant 0 : i32
      %dma_start3A_524 = tpu.memref_slice %arg6[%dma_start3A_522, %add3A_521, %dma_start3A_523] : memref<2x16x128xi32, #tpu.memory_space<vmem>> -> memref<1x1x128xi32, #tpu.memory_space<vmem>>
      %dma_start3A_525 = tpu.memref_squeeze %dma_start3A_524 : memref<1x1x128xi32, #tpu.memory_space<vmem>> -> memref<128xi32, #tpu.memory_space<vmem>>
      %dma_start3A_526 = arith.constant 0 : i32
      %dma_start3A_527 = arith.constant 0 : i32
      %dma_start3A_528 = tpu.memref_slice %arg2[%dma_start3A_526, %dma_start3A_527] : memref<10000x128xf32, #tpu.memory_space<hbm>> -> memref<10000x128xf32, #tpu.memory_space<hbm>>
      tpu.enqueue_indirect_dma source(%dma_start3A_528 : memref<10000x128xf32, #tpu.memory_space<hbm>>) target(%arg8 : memref<128x128xf32, #tpu.memory_space<vmem>>) offsets(%dma_start3A_525 : memref<128xi32, #tpu.memory_space<vmem>>) semaphore(%arg11 : memref<!tpu.dma_semaphore, #tpu.memory_space<semaphore_mem>>)
      %add3A_529 = arith.constant 1 : i32
      %add3A_530 = arith.addi %mul3A_502, %add3A_529 : i32
      %dma_wait3A_531 = arith.constant 1 : i32
      %dma_wait3A_532 = arith.constant 0 : i32
      %dma_wait3A_533 = tpu.memref_slice %arg6[%dma_wait3A_531, %add3A_530, %dma_wait3A_532] : memref<2x16x128xi32, #tpu.memory_space<vmem>> -> memref<1x1x128xi32, #tpu.memory_space<vmem>>
      %dma_wait3A_534 = tpu.memref_squeeze %dma_wait3A_533 : memref<1x1x128xi32, #tpu.memory_space<vmem>> -> memref<128xi32, #tpu.memory_space<vmem>>
      %dma_wait3A_535 = arith.constant 0 : i32
      %dma_wait3A_536 = arith.constant 0 : i32
      %dma_wait3A_537 = tpu.memref_slice %arg2[%dma_wait3A_535, %dma_wait3A_536] : memref<10000x128xf32, #tpu.memory_space<hbm>> -> memref<10000x128xf32, #tpu.memory_space<hbm>>
      tpu.wait_indirect_dma semaphore(%arg12 : memref<!tpu.dma_semaphore, #tpu.memory_space<semaphore_mem>>) src(%dma_wait3A_537 : memref<10000x128xf32, #tpu.memory_space<hbm>>) dst(%arg9 : memref<128x128xf32, #tpu.memory_space<vmem>>)
      %run_scoped3A_538 = arith.constant 1 : i32
      "tpu.region"() ({
        %run_scoped3A_539 = tpu.sem_alloc : memref<!tpu.dma_semaphore, #tpu.memory_space<semaphore_mem>>
        %dma_start3A_540 = arith.constant 0 : i32
        %dma_start3A_541 = tpu.memref_slice %arg7[%run_scoped3A_538, %add3A_530, %dma_start3A_540] : memref<2x16x128xi32, #tpu.memory_space<vmem>> -> memref<1x1x128xi32, #tpu.memory_space<vmem>>
        %dma_start3A_542 = tpu.memref_squeeze %dma_start3A_541 : memref<1x1x128xi32, #tpu.memory_space<vmem>> -> memref<128xi32, #tpu.memory_space<vmem>>
        %dma_start3A_543 = arith.constant 0 : i32
        %dma_start3A_544 = arith.constant 0 : i32
        %dma_start3A_545 = tpu.memref_slice %arg10[%dma_start3A_543, %dma_start3A_544] : memref<10240x128xf32, #tpu.memory_space<vmem_shared>> -> memref<10240x128xf32, #tpu.memory_space<vmem_shared>>
        tpu.enqueue_indirect_dma source(%arg9 : memref<128x128xf32, #tpu.memory_space<vmem>>) target(%dma_start3A_545 : memref<10240x128xf32, #tpu.memory_space<vmem_shared>>) offsets(%dma_start3A_542 : memref<128xi32, #tpu.memory_space<vmem>>) semaphore(%run_scoped3A_539 : memref<!tpu.dma_semaphore, #tpu.memory_space<semaphore_mem>>) {add = true}
        %dma_wait3A_546 = arith.constant 0 : i32
        %dma_wait3A_547 = tpu.memref_slice %arg7[%run_scoped3A_538, %add3A_530, %dma_wait3A_546] : memref<2x16x128xi32, #tpu.memory_space<vmem>> -> memref<1x1x128xi32, #tpu.memory_space<vmem>>
        %dma_wait3A_548 = tpu.memref_squeeze %dma_wait3A_547 : memref<1x1x128xi32, #tpu.memory_space<vmem>> -> memref<128xi32, #tpu.memory_space<vmem>>
        %dma_wait3A_549 = arith.constant 0 : i32
        %dma_wait3A_550 = arith.constant 0 : i32
        %dma_wait3A_551 = tpu.memref_slice %arg10[%dma_wait3A_549, %dma_wait3A_550] : memref<10240x128xf32, #tpu.memory_space<vmem_shared>> -> memref<10240x128xf32, #tpu.memory_space<vmem_shared>>
        tpu.wait_indirect_dma semaphore(%run_scoped3A_539 : memref<!tpu.dma_semaphore, #tpu.memory_space<semaphore_mem>>) src(%arg9 : memref<128x128xf32, #tpu.memory_space<vmem>>) dst(%dma_wait3A_551 : memref<10240x128xf32, #tpu.memory_space<vmem_shared>>)
        tpu.yield
      }) : () -> ()
    }
    %scan3A_388 = arith.constant 7 : i32
    %dma_start3A_389 = arith.constant 1 : i32
    %dma_start3A_390 = arith.constant 15 : i32
    %dma_start3A_391 = arith.constant 0 : i32
    %dma_start3A_392 = tpu.memref_slice %arg6[%dma_start3A_389, %dma_start3A_390, %dma_start3A_391] : memref<2x16x128xi32, #tpu.memory_space<vmem>> -> memref<1x1x128xi32, #tpu.memory_space<vmem>>
    %dma_start3A_393 = tpu.memref_squeeze %dma_start3A_392 : memref<1x1x128xi32, #tpu.memory_space<vmem>> -> memref<128xi32, #tpu.memory_space<vmem>>
    %dma_start3A_394 = arith.constant 0 : i32
    %dma_start3A_395 = arith.constant 0 : i32
    %dma_start3A_396 = tpu.memref_slice %arg2[%dma_start3A_394, %dma_start3A_395] : memref<10000x128xf32, #tpu.memory_space<hbm>> -> memref<10000x128xf32, #tpu.memory_space<hbm>>
    tpu.enqueue_indirect_dma source(%dma_start3A_396 : memref<10000x128xf32, #tpu.memory_space<hbm>>) target(%arg9 : memref<128x128xf32, #tpu.memory_space<vmem>>) offsets(%dma_start3A_393 : memref<128xi32, #tpu.memory_space<vmem>>) semaphore(%arg12 : memref<!tpu.dma_semaphore, #tpu.memory_space<semaphore_mem>>)
    %dma_wait3A_397 = arith.constant 1 : i32
    %dma_wait3A_398 = arith.constant 14 : i32
    %dma_wait3A_399 = arith.constant 0 : i32
    %dma_wait3A_400 = tpu.memref_slice %arg6[%dma_wait3A_397, %dma_wait3A_398, %dma_wait3A_399] : memref<2x16x128xi32, #tpu.memory_space<vmem>> -> memref<1x1x128xi32, #tpu.memory_space<vmem>>
    %dma_wait3A_401 = tpu.memref_squeeze %dma_wait3A_400 : memref<1x1x128xi32, #tpu.memory_space<vmem>> -> memref<128xi32, #tpu.memory_space<vmem>>
    %dma_wait3A_402 = arith.constant 0 : i32
    %dma_wait3A_403 = arith.constant 0 : i32
    %dma_wait3A_404 = tpu.memref_slice %arg2[%dma_wait3A_402, %dma_wait3A_403] : memref<10000x128xf32, #tpu.memory_space<hbm>> -> memref<10000x128xf32, #tpu.memory_space<hbm>>
    tpu.wait_indirect_dma semaphore(%arg11 : memref<!tpu.dma_semaphore, #tpu.memory_space<semaphore_mem>>) src(%dma_wait3A_404 : memref<10000x128xf32, #tpu.memory_space<hbm>>) dst(%arg8 : memref<128x128xf32, #tpu.memory_space<vmem>>)
    %run_scoped3A_405 = arith.constant 1 : i32
    %run_scoped3A_406 = arith.constant 14 : i32
    "tpu.region"() ({
      %run_scoped3A_500 = tpu.sem_alloc : memref<!tpu.dma_semaphore, #tpu.memory_space<semaphore_mem>>
      %dma_start3A_501 = arith.constant 0 : i32
      %dma_start3A_502 = tpu.memref_slice %arg7[%run_scoped3A_405, %run_scoped3A_406, %dma_start3A_501] : memref<2x16x128xi32, #tpu.memory_space<vmem>> -> memref<1x1x128xi32, #tpu.memory_space<vmem>>
      %dma_start3A_503 = tpu.memref_squeeze %dma_start3A_502 : memref<1x1x128xi32, #tpu.memory_space<vmem>> -> memref<128xi32, #tpu.memory_space<vmem>>
      %dma_start3A_504 = arith.constant 0 : i32
      %dma_start3A_505 = arith.constant 0 : i32
      %dma_start3A_506 = tpu.memref_slice %arg10[%dma_start3A_504, %dma_start3A_505] : memref<10240x128xf32, #tpu.memory_space<vmem_shared>> -> memref<10240x128xf32, #tpu.memory_space<vmem_shared>>
      tpu.enqueue_indirect_dma source(%arg8 : memref<128x128xf32, #tpu.memory_space<vmem>>) target(%dma_start3A_506 : memref<10240x128xf32, #tpu.memory_space<vmem_shared>>) offsets(%dma_start3A_503 : memref<128xi32, #tpu.memory_space<vmem>>) semaphore(%run_scoped3A_500 : memref<!tpu.dma_semaphore, #tpu.memory_space<semaphore_mem>>) {add = true}
      %dma_wait3A_507 = arith.constant 0 : i32
      %dma_wait3A_508 = tpu.memref_slice %arg7[%run_scoped3A_405, %run_scoped3A_406, %dma_wait3A_507] : memref<2x16x128xi32, #tpu.memory_space<vmem>> -> memref<1x1x128xi32, #tpu.memory_space<vmem>>
      %dma_wait3A_509 = tpu.memref_squeeze %dma_wait3A_508 : memref<1x1x128xi32, #tpu.memory_space<vmem>> -> memref<128xi32, #tpu.memory_space<vmem>>
      %dma_wait3A_510 = arith.constant 0 : i32
      %dma_wait3A_511 = arith.constant 0 : i32
      %dma_wait3A_512 = tpu.memref_slice %arg10[%dma_wait3A_510, %dma_wait3A_511] : memref<10240x128xf32, #tpu.memory_space<vmem_shared>> -> memref<10240x128xf32, #tpu.memory_space<vmem_shared>>
      tpu.wait_indirect_dma semaphore(%run_scoped3A_500 : memref<!tpu.dma_semaphore, #tpu.memory_space<semaphore_mem>>) src(%arg8 : memref<128x128xf32, #tpu.memory_space<vmem>>) dst(%dma_wait3A_512 : memref<10240x128xf32, #tpu.memory_space<vmem_shared>>)
      tpu.yield
    }) : () -> ()
    %dma_wait3A_407 = arith.constant 0 : i32
    %dma_wait3A_408 = arith.constant 0 : i32
    %dma_wait3A_409 = arith.constant 0 : i32
    %dma_wait3A_410 = tpu.memref_slice %arg6[%dma_wait3A_407, %dma_wait3A_408, %dma_wait3A_409] : memref<2x16x128xi32, #tpu.memory_space<vmem>> -> memref<1x16x128xi32, #tpu.memory_space<vmem>>
    %dma_wait3A_411 = tpu.memref_squeeze %dma_wait3A_410 : memref<1x16x128xi32, #tpu.memory_space<vmem>> -> memref<16x128xi32, #tpu.memory_space<vmem>>
    %dma_wait3A_412 = arith.constant 64 : i32
    %dma_wait3A_413 = arith.constant 0 : i32
    %dma_wait3A_414 = tpu.memref_slice %arg3[%add3A, %dma_wait3A_412, %dma_wait3A_413] : memref<32x80x128xi32, #tpu.memory_space<hbm>> -> memref<1x16x128xi32, #tpu.memory_space<hbm>>
    %dma_wait3A_415 = tpu.memref_squeeze %dma_wait3A_414 : memref<1x16x128xi32, #tpu.memory_space<hbm>> -> memref<16x128xi32, #tpu.memory_space<hbm>>
    %dma_wait3A_416 = arith.constant 0 : i32
    %dma_wait3A_417 = arith.constant 0 : i32
    %dma_wait3A_418 = tpu.memref_slice %arg6[%dma_wait3A_407, %dma_wait3A_416, %dma_wait3A_417] : memref<2x16x128xi32, #tpu.memory_space<vmem>> -> memref<1x16x128xi32, #tpu.memory_space<vmem>>
    %dma_wait3A_419 = tpu.memref_squeeze %dma_wait3A_418 : memref<1x16x128xi32, #tpu.memory_space<vmem>> -> memref<16x128xi32, #tpu.memory_space<vmem>>
    %dma_wait3A_420 = arith.constant 64 : i32
    %dma_wait3A_421 = arith.constant 0 : i32
    %dma_wait3A_422 = tpu.memref_slice %arg3[%add3A, %dma_wait3A_420, %dma_wait3A_421] : memref<32x80x128xi32, #tpu.memory_space<hbm>> -> memref<1x16x128xi32, #tpu.memory_space<hbm>>
    %dma_wait3A_423 = tpu.memref_squeeze %dma_wait3A_422 : memref<1x16x128xi32, #tpu.memory_space<hbm>> -> memref<16x128xi32, #tpu.memory_space<hbm>>
    tpu.wait_dma2 semaphore(%arg13 : memref<!tpu.dma_semaphore, #tpu.memory_space<semaphore_mem>>) src(%dma_wait3A_423 : memref<16x128xi32, #tpu.memory_space<hbm>>) dst(%dma_wait3A_419 : memref<16x128xi32, #tpu.memory_space<vmem>>)
    %dma_wait3A_424 = arith.constant 0 : i32
    %dma_wait3A_425 = arith.constant 0 : i32
    %dma_wait3A_426 = arith.constant 0 : i32
    %dma_wait3A_427 = tpu.memref_slice %arg7[%dma_wait3A_424, %dma_wait3A_425, %dma_wait3A_426] : memref<2x16x128xi32, #tpu.memory_space<vmem>> -> memref<1x16x128xi32, #tpu.memory_space<vmem>>
    %dma_wait3A_428 = tpu.memref_squeeze %dma_wait3A_427 : memref<1x16x128xi32, #tpu.memory_space<vmem>> -> memref<16x128xi32, #tpu.memory_space<vmem>>
    %dma_wait3A_429 = arith.constant 64 : i32
    %dma_wait3A_430 = arith.constant 0 : i32
    %dma_wait3A_431 = tpu.memref_slice %arg4[%add3A, %dma_wait3A_429, %dma_wait3A_430] : memref<32x80x128xi32, #tpu.memory_space<hbm>> -> memref<1x16x128xi32, #tpu.memory_space<hbm>>
    %dma_wait3A_432 = tpu.memref_squeeze %dma_wait3A_431 : memref<1x16x128xi32, #tpu.memory_space<hbm>> -> memref<16x128xi32, #tpu.memory_space<hbm>>
    %dma_wait3A_433 = arith.constant 0 : i32
    %dma_wait3A_434 = arith.constant 0 : i32
    %dma_wait3A_435 = tpu.memref_slice %arg7[%dma_wait3A_424, %dma_wait3A_433, %dma_wait3A_434] : memref<2x16x128xi32, #tpu.memory_space<vmem>> -> memref<1x16x128xi32, #tpu.memory_space<vmem>>
    %dma_wait3A_436 = tpu.memref_squeeze %dma_wait3A_435 : memref<1x16x128xi32, #tpu.memory_space<vmem>> -> memref<16x128xi32, #tpu.memory_space<vmem>>
    %dma_wait3A_437 = arith.constant 64 : i32
    %dma_wait3A_438 = arith.constant 0 : i32
    %dma_wait3A_439 = tpu.memref_slice %arg4[%add3A, %dma_wait3A_437, %dma_wait3A_438] : memref<32x80x128xi32, #tpu.memory_space<hbm>> -> memref<1x16x128xi32, #tpu.memory_space<hbm>>
    %dma_wait3A_440 = tpu.memref_squeeze %dma_wait3A_439 : memref<1x16x128xi32, #tpu.memory_space<hbm>> -> memref<16x128xi32, #tpu.memory_space<hbm>>
    tpu.wait_dma2 semaphore(%arg14 : memref<!tpu.dma_semaphore, #tpu.memory_space<semaphore_mem>>) src(%dma_wait3A_440 : memref<16x128xi32, #tpu.memory_space<hbm>>) dst(%dma_wait3A_436 : memref<16x128xi32, #tpu.memory_space<vmem>>)
    %dma_start3A_441 = arith.constant 0 : i32
    %dma_start3A_442 = arith.constant 0 : i32
    %dma_start3A_443 = arith.constant 0 : i32
    %dma_start3A_444 = tpu.memref_slice %arg6[%dma_start3A_441, %dma_start3A_442, %dma_start3A_443] : memref<2x16x128xi32, #tpu.memory_space<vmem>> -> memref<1x1x128xi32, #tpu.memory_space<vmem>>
    %dma_start3A_445 = tpu.memref_squeeze %dma_start3A_444 : memref<1x1x128xi32, #tpu.memory_space<vmem>> -> memref<128xi32, #tpu.memory_space<vmem>>
    %dma_start3A_446 = arith.constant 0 : i32
    %dma_start3A_447 = arith.constant 0 : i32
    %dma_start3A_448 = tpu.memref_slice %arg2[%dma_start3A_446, %dma_start3A_447] : memref<10000x128xf32, #tpu.memory_space<hbm>> -> memref<10000x128xf32, #tpu.memory_space<hbm>>
    tpu.enqueue_indirect_dma source(%dma_start3A_448 : memref<10000x128xf32, #tpu.memory_space<hbm>>) target(%arg8 : memref<128x128xf32, #tpu.memory_space<vmem>>) offsets(%dma_start3A_445 : memref<128xi32, #tpu.memory_space<vmem>>) semaphore(%arg11 : memref<!tpu.dma_semaphore, #tpu.memory_space<semaphore_mem>>)
    %dma_wait3A_449 = arith.constant 1 : i32
    %dma_wait3A_450 = arith.constant 15 : i32
    %dma_wait3A_451 = arith.constant 0 : i32
    %dma_wait3A_452 = tpu.memref_slice %arg6[%dma_wait3A_449, %dma_wait3A_450, %dma_wait3A_451] : memref<2x16x128xi32, #tpu.memory_space<vmem>> -> memref<1x1x128xi32, #tpu.memory_space<vmem>>
    %dma_wait3A_453 = tpu.memref_squeeze %dma_wait3A_452 : memref<1x1x128xi32, #tpu.memory_space<vmem>> -> memref<128xi32, #tpu.memory_space<vmem>>
    %dma_wait3A_454 = arith.constant 0 : i32
    %dma_wait3A_455 = arith.constant 0 : i32
    %dma_wait3A_456 = tpu.memref_slice %arg2[%dma_wait3A_454, %dma_wait3A_455] : memref<10000x128xf32, #tpu.memory_space<hbm>> -> memref<10000x128xf32, #tpu.memory_space<hbm>>
    tpu.wait_indirect_dma semaphore(%arg12 : memref<!tpu.dma_semaphore, #tpu.memory_space<semaphore_mem>>) src(%dma_wait3A_456 : memref<10000x128xf32, #tpu.memory_space<hbm>>) dst(%arg9 : memref<128x128xf32, #tpu.memory_space<vmem>>)
    %run_scoped3A_457 = arith.constant 1 : i32
    %run_scoped3A_458 = arith.constant 15 : i32
    "tpu.region"() ({
      %run_scoped3A_500 = tpu.sem_alloc : memref<!tpu.dma_semaphore, #tpu.memory_space<semaphore_mem>>
      %dma_start3A_501 = arith.constant 0 : i32
      %dma_start3A_502 = tpu.memref_slice %arg7[%run_scoped3A_457, %run_scoped3A_458, %dma_start3A_501] : memref<2x16x128xi32, #tpu.memory_space<vmem>> -> memref<1x1x128xi32, #tpu.memory_space<vmem>>
      %dma_start3A_503 = tpu.memref_squeeze %dma_start3A_502 : memref<1x1x128xi32, #tpu.memory_space<vmem>> -> memref<128xi32, #tpu.memory_space<vmem>>
      %dma_start3A_504 = arith.constant 0 : i32
      %dma_start3A_505 = arith.constant 0 : i32
      %dma_start3A_506 = tpu.memref_slice %arg10[%dma_start3A_504, %dma_start3A_505] : memref<10240x128xf32, #tpu.memory_space<vmem_shared>> -> memref<10240x128xf32, #tpu.memory_space<vmem_shared>>
      tpu.enqueue_indirect_dma source(%arg9 : memref<128x128xf32, #tpu.memory_space<vmem>>) target(%dma_start3A_506 : memref<10240x128xf32, #tpu.memory_space<vmem_shared>>) offsets(%dma_start3A_503 : memref<128xi32, #tpu.memory_space<vmem>>) semaphore(%run_scoped3A_500 : memref<!tpu.dma_semaphore, #tpu.memory_space<semaphore_mem>>) {add = true}
      %dma_wait3A_507 = arith.constant 0 : i32
      %dma_wait3A_508 = tpu.memref_slice %arg7[%run_scoped3A_457, %run_scoped3A_458, %dma_wait3A_507] : memref<2x16x128xi32, #tpu.memory_space<vmem>> -> memref<1x1x128xi32, #tpu.memory_space<vmem>>
      %dma_wait3A_509 = tpu.memref_squeeze %dma_wait3A_508 : memref<1x1x128xi32, #tpu.memory_space<vmem>> -> memref<128xi32, #tpu.memory_space<vmem>>
      %dma_wait3A_510 = arith.constant 0 : i32
      %dma_wait3A_511 = arith.constant 0 : i32
      %dma_wait3A_512 = tpu.memref_slice %arg10[%dma_wait3A_510, %dma_wait3A_511] : memref<10240x128xf32, #tpu.memory_space<vmem_shared>> -> memref<10240x128xf32, #tpu.memory_space<vmem_shared>>
      tpu.wait_indirect_dma semaphore(%run_scoped3A_500 : memref<!tpu.dma_semaphore, #tpu.memory_space<semaphore_mem>>) src(%arg9 : memref<128x128xf32, #tpu.memory_space<vmem>>) dst(%dma_wait3A_512 : memref<10240x128xf32, #tpu.memory_space<vmem_shared>>)
      tpu.yield
    }) : () -> ()
    %scan3A_459 = arith.constant 0 : i32
    %scan3A_460 = arith.constant 0 : i32
    %scan3A_461 = arith.constant 7 : i32
    %scan3A_462 = arith.addi %scan3A_460, %scan3A_461 : i32
    %scan3A_463 = arith.constant 1 : i32
    scf.for %scan3A_500 = %scan3A_460 to %scan3A_462 step %scan3A_463  : i32 {
      %mul3A_501 = arith.constant 2 : i32
      %mul3A_502 = arith.muli %mul3A_501, %scan3A_500 : i32
      %add3A_503 = arith.constant 1 : i32
      %add3A_504 = arith.addi %mul3A_502, %add3A_503 : i32
      %dma_start3A_505 = arith.constant 0 : i32
      %dma_start3A_506 = arith.constant 0 : i32
      %dma_start3A_507 = tpu.memref_slice %arg6[%dma_start3A_505, %add3A_504, %dma_start3A_506] : memref<2x16x128xi32, #tpu.memory_space<vmem>> -> memref<1x1x128xi32, #tpu.memory_space<vmem>>
      %dma_start3A_508 = tpu.memref_squeeze %dma_start3A_507 : memref<1x1x128xi32, #tpu.memory_space<vmem>> -> memref<128xi32, #tpu.memory_space<vmem>>
      %dma_start3A_509 = arith.constant 0 : i32
      %dma_start3A_510 = arith.constant 0 : i32
      %dma_start3A_511 = tpu.memref_slice %arg2[%dma_start3A_509, %dma_start3A_510] : memref<10000x128xf32, #tpu.memory_space<hbm>> -> memref<10000x128xf32, #tpu.memory_space<hbm>>
      tpu.enqueue_indirect_dma source(%dma_start3A_511 : memref<10000x128xf32, #tpu.memory_space<hbm>>) target(%arg9 : memref<128x128xf32, #tpu.memory_space<vmem>>) offsets(%dma_start3A_508 : memref<128xi32, #tpu.memory_space<vmem>>) semaphore(%arg12 : memref<!tpu.dma_semaphore, #tpu.memory_space<semaphore_mem>>)
      %dma_wait3A_512 = arith.constant 0 : i32
      %dma_wait3A_513 = arith.constant 0 : i32
      %dma_wait3A_514 = tpu.memref_slice %arg6[%dma_wait3A_512, %mul3A_502, %dma_wait3A_513] : memref<2x16x128xi32, #tpu.memory_space<vmem>> -> memref<1x1x128xi32, #tpu.memory_space<vmem>>
      %dma_wait3A_515 = tpu.memref_squeeze %dma_wait3A_514 : memref<1x1x128xi32, #tpu.memory_space<vmem>> -> memref<128xi32, #tpu.memory_space<vmem>>
      %dma_wait3A_516 = arith.constant 0 : i32
      %dma_wait3A_517 = arith.constant 0 : i32
      %dma_wait3A_518 = tpu.memref_slice %arg2[%dma_wait3A_516, %dma_wait3A_517] : memref<10000x128xf32, #tpu.memory_space<hbm>> -> memref<10000x128xf32, #tpu.memory_space<hbm>>
      tpu.wait_indirect_dma semaphore(%arg11 : memref<!tpu.dma_semaphore, #tpu.memory_space<semaphore_mem>>) src(%dma_wait3A_518 : memref<10000x128xf32, #tpu.memory_space<hbm>>) dst(%arg8 : memref<128x128xf32, #tpu.memory_space<vmem>>)
      %run_scoped3A_519 = arith.constant 0 : i32
      "tpu.region"() ({
        %run_scoped3A_539 = tpu.sem_alloc : memref<!tpu.dma_semaphore, #tpu.memory_space<semaphore_mem>>
        %dma_start3A_540 = arith.constant 0 : i32
        %dma_start3A_541 = tpu.memref_slice %arg7[%run_scoped3A_519, %mul3A_502, %dma_start3A_540] : memref<2x16x128xi32, #tpu.memory_space<vmem>> -> memref<1x1x128xi32, #tpu.memory_space<vmem>>
        %dma_start3A_542 = tpu.memref_squeeze %dma_start3A_541 : memref<1x1x128xi32, #tpu.memory_space<vmem>> -> memref<128xi32, #tpu.memory_space<vmem>>
        %dma_start3A_543 = arith.constant 0 : i32
        %dma_start3A_544 = arith.constant 0 : i32
        %dma_start3A_545 = tpu.memref_slice %arg10[%dma_start3A_543, %dma_start3A_544] : memref<10240x128xf32, #tpu.memory_space<vmem_shared>> -> memref<10240x128xf32, #tpu.memory_space<vmem_shared>>
        tpu.enqueue_indirect_dma source(%arg8 : memref<128x128xf32, #tpu.memory_space<vmem>>) target(%dma_start3A_545 : memref<10240x128xf32, #tpu.memory_space<vmem_shared>>) offsets(%dma_start3A_542 : memref<128xi32, #tpu.memory_space<vmem>>) semaphore(%run_scoped3A_539 : memref<!tpu.dma_semaphore, #tpu.memory_space<semaphore_mem>>) {add = true}
        %dma_wait3A_546 = arith.constant 0 : i32
        %dma_wait3A_547 = tpu.memref_slice %arg7[%run_scoped3A_519, %mul3A_502, %dma_wait3A_546] : memref<2x16x128xi32, #tpu.memory_space<vmem>> -> memref<1x1x128xi32, #tpu.memory_space<vmem>>
        %dma_wait3A_548 = tpu.memref_squeeze %dma_wait3A_547 : memref<1x1x128xi32, #tpu.memory_space<vmem>> -> memref<128xi32, #tpu.memory_space<vmem>>
        %dma_wait3A_549 = arith.constant 0 : i32
        %dma_wait3A_550 = arith.constant 0 : i32
        %dma_wait3A_551 = tpu.memref_slice %arg10[%dma_wait3A_549, %dma_wait3A_550] : memref<10240x128xf32, #tpu.memory_space<vmem_shared>> -> memref<10240x128xf32, #tpu.memory_space<vmem_shared>>
        tpu.wait_indirect_dma semaphore(%run_scoped3A_539 : memref<!tpu.dma_semaphore, #tpu.memory_space<semaphore_mem>>) src(%arg8 : memref<128x128xf32, #tpu.memory_space<vmem>>) dst(%dma_wait3A_551 : memref<10240x128xf32, #tpu.memory_space<vmem_shared>>)
        tpu.yield
      }) : () -> ()
      %add3A_520 = arith.constant 2 : i32
      %add3A_521 = arith.addi %mul3A_502, %add3A_520 : i32
      %dma_start3A_522 = arith.constant 0 : i32
      %dma_start3A_523 = arith.constant 0 : i32
      %dma_start3A_524 = tpu.memref_slice %arg6[%dma_start3A_522, %add3A_521, %dma_start3A_523] : memref<2x16x128xi32, #tpu.memory_space<vmem>> -> memref<1x1x128xi32, #tpu.memory_space<vmem>>
      %dma_start3A_525 = tpu.memref_squeeze %dma_start3A_524 : memref<1x1x128xi32, #tpu.memory_space<vmem>> -> memref<128xi32, #tpu.memory_space<vmem>>
      %dma_start3A_526 = arith.constant 0 : i32
      %dma_start3A_527 = arith.constant 0 : i32
      %dma_start3A_528 = tpu.memref_slice %arg2[%dma_start3A_526, %dma_start3A_527] : memref<10000x128xf32, #tpu.memory_space<hbm>> -> memref<10000x128xf32, #tpu.memory_space<hbm>>
      tpu.enqueue_indirect_dma source(%dma_start3A_528 : memref<10000x128xf32, #tpu.memory_space<hbm>>) target(%arg8 : memref<128x128xf32, #tpu.memory_space<vmem>>) offsets(%dma_start3A_525 : memref<128xi32, #tpu.memory_space<vmem>>) semaphore(%arg11 : memref<!tpu.dma_semaphore, #tpu.memory_space<semaphore_mem>>)
      %add3A_529 = arith.constant 1 : i32
      %add3A_530 = arith.addi %mul3A_502, %add3A_529 : i32
      %dma_wait3A_531 = arith.constant 0 : i32
      %dma_wait3A_532 = arith.constant 0 : i32
      %dma_wait3A_533 = tpu.memref_slice %arg6[%dma_wait3A_531, %add3A_530, %dma_wait3A_532] : memref<2x16x128xi32, #tpu.memory_space<vmem>> -> memref<1x1x128xi32, #tpu.memory_space<vmem>>
      %dma_wait3A_534 = tpu.memref_squeeze %dma_wait3A_533 : memref<1x1x128xi32, #tpu.memory_space<vmem>> -> memref<128xi32, #tpu.memory_space<vmem>>
      %dma_wait3A_535 = arith.constant 0 : i32
      %dma_wait3A_536 = arith.constant 0 : i32
      %dma_wait3A_537 = tpu.memref_slice %arg2[%dma_wait3A_535, %dma_wait3A_536] : memref<10000x128xf32, #tpu.memory_space<hbm>> -> memref<10000x128xf32, #tpu.memory_space<hbm>>
      tpu.wait_indirect_dma semaphore(%arg12 : memref<!tpu.dma_semaphore, #tpu.memory_space<semaphore_mem>>) src(%dma_wait3A_537 : memref<10000x128xf32, #tpu.memory_space<hbm>>) dst(%arg9 : memref<128x128xf32, #tpu.memory_space<vmem>>)
      %run_scoped3A_538 = arith.constant 0 : i32
      "tpu.region"() ({
        %run_scoped3A_539 = tpu.sem_alloc : memref<!tpu.dma_semaphore, #tpu.memory_space<semaphore_mem>>
        %dma_start3A_540 = arith.constant 0 : i32
        %dma_start3A_541 = tpu.memref_slice %arg7[%run_scoped3A_538, %add3A_530, %dma_start3A_540] : memref<2x16x128xi32, #tpu.memory_space<vmem>> -> memref<1x1x128xi32, #tpu.memory_space<vmem>>
        %dma_start3A_542 = tpu.memref_squeeze %dma_start3A_541 : memref<1x1x128xi32, #tpu.memory_space<vmem>> -> memref<128xi32, #tpu.memory_space<vmem>>
        %dma_start3A_543 = arith.constant 0 : i32
        %dma_start3A_544 = arith.constant 0 : i32
        %dma_start3A_545 = tpu.memref_slice %arg10[%dma_start3A_543, %dma_start3A_544] : memref<10240x128xf32, #tpu.memory_space<vmem_shared>> -> memref<10240x128xf32, #tpu.memory_space<vmem_shared>>
        tpu.enqueue_indirect_dma source(%arg9 : memref<128x128xf32, #tpu.memory_space<vmem>>) target(%dma_start3A_545 : memref<10240x128xf32, #tpu.memory_space<vmem_shared>>) offsets(%dma_start3A_542 : memref<128xi32, #tpu.memory_space<vmem>>) semaphore(%run_scoped3A_539 : memref<!tpu.dma_semaphore, #tpu.memory_space<semaphore_mem>>) {add = true}
        %dma_wait3A_546 = arith.constant 0 : i32
        %dma_wait3A_547 = tpu.memref_slice %arg7[%run_scoped3A_538, %add3A_530, %dma_wait3A_546] : memref<2x16x128xi32, #tpu.memory_space<vmem>> -> memref<1x1x128xi32, #tpu.memory_space<vmem>>
        %dma_wait3A_548 = tpu.memref_squeeze %dma_wait3A_547 : memref<1x1x128xi32, #tpu.memory_space<vmem>> -> memref<128xi32, #tpu.memory_space<vmem>>
        %dma_wait3A_549 = arith.constant 0 : i32
        %dma_wait3A_550 = arith.constant 0 : i32
        %dma_wait3A_551 = tpu.memref_slice %arg10[%dma_wait3A_549, %dma_wait3A_550] : memref<10240x128xf32, #tpu.memory_space<vmem_shared>> -> memref<10240x128xf32, #tpu.memory_space<vmem_shared>>
        tpu.wait_indirect_dma semaphore(%run_scoped3A_539 : memref<!tpu.dma_semaphore, #tpu.memory_space<semaphore_mem>>) src(%arg9 : memref<128x128xf32, #tpu.memory_space<vmem>>) dst(%dma_wait3A_551 : memref<10240x128xf32, #tpu.memory_space<vmem_shared>>)
        tpu.yield
      }) : () -> ()
    }
    %scan3A_464 = arith.constant 7 : i32
    %dma_start3A_465 = arith.constant 0 : i32
    %dma_start3A_466 = arith.constant 15 : i32
    %dma_start3A_467 = arith.constant 0 : i32
    %dma_start3A_468 = tpu.memref_slice %arg6[%dma_start3A_465, %dma_start3A_466, %dma_start3A_467] : memref<2x16x128xi32, #tpu.memory_space<vmem>> -> memref<1x1x128xi32, #tpu.memory_space<vmem>>
    %dma_start3A_469 = tpu.memref_squeeze %dma_start3A_468 : memref<1x1x128xi32, #tpu.memory_space<vmem>> -> memref<128xi32, #tpu.memory_space<vmem>>
    %dma_start3A_470 = arith.constant 0 : i32
    %dma_start3A_471 = arith.constant 0 : i32
    %dma_start3A_472 = tpu.memref_slice %arg2[%dma_start3A_470, %dma_start3A_471] : memref<10000x128xf32, #tpu.memory_space<hbm>> -> memref<10000x128xf32, #tpu.memory_space<hbm>>
    tpu.enqueue_indirect_dma source(%dma_start3A_472 : memref<10000x128xf32, #tpu.memory_space<hbm>>) target(%arg9 : memref<128x128xf32, #tpu.memory_space<vmem>>) offsets(%dma_start3A_469 : memref<128xi32, #tpu.memory_space<vmem>>) semaphore(%arg12 : memref<!tpu.dma_semaphore, #tpu.memory_space<semaphore_mem>>)
    %dma_wait3A_473 = arith.constant 0 : i32
    %dma_wait3A_474 = arith.constant 14 : i32
    %dma_wait3A_475 = arith.constant 0 : i32
    %dma_wait3A_476 = tpu.memref_slice %arg6[%dma_wait3A_473, %dma_wait3A_474, %dma_wait3A_475] : memref<2x16x128xi32, #tpu.memory_space<vmem>> -> memref<1x1x128xi32, #tpu.memory_space<vmem>>
    %dma_wait3A_477 = tpu.memref_squeeze %dma_wait3A_476 : memref<1x1x128xi32, #tpu.memory_space<vmem>> -> memref<128xi32, #tpu.memory_space<vmem>>
    %dma_wait3A_478 = arith.constant 0 : i32
    %dma_wait3A_479 = arith.constant 0 : i32
    %dma_wait3A_480 = tpu.memref_slice %arg2[%dma_wait3A_478, %dma_wait3A_479] : memref<10000x128xf32, #tpu.memory_space<hbm>> -> memref<10000x128xf32, #tpu.memory_space<hbm>>
    tpu.wait_indirect_dma semaphore(%arg11 : memref<!tpu.dma_semaphore, #tpu.memory_space<semaphore_mem>>) src(%dma_wait3A_480 : memref<10000x128xf32, #tpu.memory_space<hbm>>) dst(%arg8 : memref<128x128xf32, #tpu.memory_space<vmem>>)
    %run_scoped3A_481 = arith.constant 0 : i32
    %run_scoped3A_482 = arith.constant 14 : i32
    "tpu.region"() ({
      %run_scoped3A_500 = tpu.sem_alloc : memref<!tpu.dma_semaphore, #tpu.memory_space<semaphore_mem>>
      %dma_start3A_501 = arith.constant 0 : i32
      %dma_start3A_502 = tpu.memref_slice %arg7[%run_scoped3A_481, %run_scoped3A_482, %dma_start3A_501] : memref<2x16x128xi32, #tpu.memory_space<vmem>> -> memref<1x1x128xi32, #tpu.memory_space<vmem>>
      %dma_start3A_503 = tpu.memref_squeeze %dma_start3A_502 : memref<1x1x128xi32, #tpu.memory_space<vmem>> -> memref<128xi32, #tpu.memory_space<vmem>>
      %dma_start3A_504 = arith.constant 0 : i32
      %dma_start3A_505 = arith.constant 0 : i32
      %dma_start3A_506 = tpu.memref_slice %arg10[%dma_start3A_504, %dma_start3A_505] : memref<10240x128xf32, #tpu.memory_space<vmem_shared>> -> memref<10240x128xf32, #tpu.memory_space<vmem_shared>>
      tpu.enqueue_indirect_dma source(%arg8 : memref<128x128xf32, #tpu.memory_space<vmem>>) target(%dma_start3A_506 : memref<10240x128xf32, #tpu.memory_space<vmem_shared>>) offsets(%dma_start3A_503 : memref<128xi32, #tpu.memory_space<vmem>>) semaphore(%run_scoped3A_500 : memref<!tpu.dma_semaphore, #tpu.memory_space<semaphore_mem>>) {add = true}
      %dma_wait3A_507 = arith.constant 0 : i32
      %dma_wait3A_508 = tpu.memref_slice %arg7[%run_scoped3A_481, %run_scoped3A_482, %dma_wait3A_507] : memref<2x16x128xi32, #tpu.memory_space<vmem>> -> memref<1x1x128xi32, #tpu.memory_space<vmem>>
      %dma_wait3A_509 = tpu.memref_squeeze %dma_wait3A_508 : memref<1x1x128xi32, #tpu.memory_space<vmem>> -> memref<128xi32, #tpu.memory_space<vmem>>
      %dma_wait3A_510 = arith.constant 0 : i32
      %dma_wait3A_511 = arith.constant 0 : i32
      %dma_wait3A_512 = tpu.memref_slice %arg10[%dma_wait3A_510, %dma_wait3A_511] : memref<10240x128xf32, #tpu.memory_space<vmem_shared>> -> memref<10240x128xf32, #tpu.memory_space<vmem_shared>>
      tpu.wait_indirect_dma semaphore(%run_scoped3A_500 : memref<!tpu.dma_semaphore, #tpu.memory_space<semaphore_mem>>) src(%arg8 : memref<128x128xf32, #tpu.memory_space<vmem>>) dst(%dma_wait3A_512 : memref<10240x128xf32, #tpu.memory_space<vmem_shared>>)
      tpu.yield
    }) : () -> ()
    %dma_wait3A_483 = arith.constant 0 : i32
    %dma_wait3A_484 = arith.constant 15 : i32
    %dma_wait3A_485 = arith.constant 0 : i32
    %dma_wait3A_486 = tpu.memref_slice %arg6[%dma_wait3A_483, %dma_wait3A_484, %dma_wait3A_485] : memref<2x16x128xi32, #tpu.memory_space<vmem>> -> memref<1x1x128xi32, #tpu.memory_space<vmem>>
    %dma_wait3A_487 = tpu.memref_squeeze %dma_wait3A_486 : memref<1x1x128xi32, #tpu.memory_space<vmem>> -> memref<128xi32, #tpu.memory_space<vmem>>
    %dma_wait3A_488 = arith.constant 0 : i32
    %dma_wait3A_489 = arith.constant 0 : i32
    %dma_wait3A_490 = tpu.memref_slice %arg2[%dma_wait3A_488, %dma_wait3A_489] : memref<10000x128xf32, #tpu.memory_space<hbm>> -> memref<10000x128xf32, #tpu.memory_space<hbm>>
    tpu.wait_indirect_dma semaphore(%arg12 : memref<!tpu.dma_semaphore, #tpu.memory_space<semaphore_mem>>) src(%dma_wait3A_490 : memref<10000x128xf32, #tpu.memory_space<hbm>>) dst(%arg9 : memref<128x128xf32, #tpu.memory_space<vmem>>)
    %run_scoped3A_491 = arith.constant 0 : i32
    %run_scoped3A_492 = arith.constant 15 : i32
    "tpu.region"() ({
      %run_scoped3A_500 = tpu.sem_alloc : memref<!tpu.dma_semaphore, #tpu.memory_space<semaphore_mem>>
      %dma_start3A_501 = arith.constant 0 : i32
      %dma_start3A_502 = tpu.memref_slice %arg7[%run_scoped3A_491, %run_scoped3A_492, %dma_start3A_501] : memref<2x16x128xi32, #tpu.memory_space<vmem>> -> memref<1x1x128xi32, #tpu.memory_space<vmem>>
      %dma_start3A_503 = tpu.memref_squeeze %dma_start3A_502 : memref<1x1x128xi32, #tpu.memory_space<vmem>> -> memref<128xi32, #tpu.memory_space<vmem>>
      %dma_start3A_504 = arith.constant 0 : i32
      %dma_start3A_505 = arith.constant 0 : i32
      %dma_start3A_506 = tpu.memref_slice %arg10[%dma_start3A_504, %dma_start3A_505] : memref<10240x128xf32, #tpu.memory_space<vmem_shared>> -> memref<10240x128xf32, #tpu.memory_space<vmem_shared>>
      tpu.enqueue_indirect_dma source(%arg9 : memref<128x128xf32, #tpu.memory_space<vmem>>) target(%dma_start3A_506 : memref<10240x128xf32, #tpu.memory_space<vmem_shared>>) offsets(%dma_start3A_503 : memref<128xi32, #tpu.memory_space<vmem>>) semaphore(%run_scoped3A_500 : memref<!tpu.dma_semaphore, #tpu.memory_space<semaphore_mem>>) {add = true}
      %dma_wait3A_507 = arith.constant 0 : i32
      %dma_wait3A_508 = tpu.memref_slice %arg7[%run_scoped3A_491, %run_scoped3A_492, %dma_wait3A_507] : memref<2x16x128xi32, #tpu.memory_space<vmem>> -> memref<1x1x128xi32, #tpu.memory_space<vmem>>
      %dma_wait3A_509 = tpu.memref_squeeze %dma_wait3A_508 : memref<1x1x128xi32, #tpu.memory_space<vmem>> -> memref<128xi32, #tpu.memory_space<vmem>>
      %dma_wait3A_510 = arith.constant 0 : i32
      %dma_wait3A_511 = arith.constant 0 : i32
      %dma_wait3A_512 = tpu.memref_slice %arg10[%dma_wait3A_510, %dma_wait3A_511] : memref<10240x128xf32, #tpu.memory_space<vmem_shared>> -> memref<10240x128xf32, #tpu.memory_space<vmem_shared>>
      tpu.wait_indirect_dma semaphore(%run_scoped3A_500 : memref<!tpu.dma_semaphore, #tpu.memory_space<semaphore_mem>>) src(%arg9 : memref<128x128xf32, #tpu.memory_space<vmem>>) dst(%dma_wait3A_512 : memref<10240x128xf32, #tpu.memory_space<vmem_shared>>)
      tpu.yield
    }) : () -> ()
    %barrier3A_493 = arith.constant 0 : index
    tpu.barrier barrier_id(%barrier3A_493)
    %lt3A = arith.constant 15 : i32
    %lt3A_494 = arith.cmpi slt, %arg1, %lt3A : i32
    %convert_element_type3A = arith.extui %lt3A_494 : i1 to i32
    %cond3A = arith.constant 0 : i32
    %cond3A_495 = arith.cmpi ne, %convert_element_type3A, %cond3A : i32
    scf.if %cond3A_495 {
      %mul3A_500 = arith.constant 640 : i32
      %mul3A_501 = arith.muli %arg1, %mul3A_500 : i32
      %mul3A_502 = arith.constant 640 : i32
      %mul3A_503 = arith.muli %arg1, %mul3A_502 : i32
      "tpu.region"() ({
        %run_scoped3A_504 = tpu.sem_alloc : memref<!tpu.dma_semaphore, #tpu.memory_space<semaphore_mem>>
        %dma_start3A_505 = arith.constant 0 : i32
        %dma_start3A_506 = tpu.memref_slice %arg5[%arg0, %mul3A_503, %dma_start3A_505] : memref<2x10000x128xf32, #tpu.memory_space<hbm>> -> memref<1x640x128xf32, #tpu.memory_space<hbm>>
        %dma_start3A_507 = tpu.memref_squeeze %dma_start3A_506 : memref<1x640x128xf32, #tpu.memory_space<hbm>> -> memref<640x128xf32, #tpu.memory_space<hbm>>
        %dma_start3A_508 = arith.constant 0 : i32
        %dma_start3A_509 = tpu.memref_slice %arg10[%mul3A_501, %dma_start3A_508] : memref<10240x128xf32, #tpu.memory_space<vmem_shared>> -> memref<640x128xf32, #tpu.memory_space<vmem_shared>>
        tpu.enqueue_dma source(%dma_start3A_509 : memref<640x128xf32, #tpu.memory_space<vmem_shared>>) target(%dma_start3A_507 : memref<640x128xf32, #tpu.memory_space<hbm>>) target_semaphore(%run_scoped3A_504 : memref<!tpu.dma_semaphore, #tpu.memory_space<semaphore_mem>>)
        %dma_wait3A_510 = arith.constant 0 : i32
        %dma_wait3A_511 = tpu.memref_slice %arg5[%arg0, %mul3A_503, %dma_wait3A_510] : memref<2x10000x128xf32, #tpu.memory_space<hbm>> -> memref<1x640x128xf32, #tpu.memory_space<hbm>>
        %dma_wait3A_512 = tpu.memref_squeeze %dma_wait3A_511 : memref<1x640x128xf32, #tpu.memory_space<hbm>> -> memref<640x128xf32, #tpu.memory_space<hbm>>
        %dma_wait3A_513 = arith.constant 0 : i32
        %dma_wait3A_514 = tpu.memref_slice %arg10[%mul3A_501, %dma_wait3A_513] : memref<10240x128xf32, #tpu.memory_space<vmem_shared>> -> memref<640x128xf32, #tpu.memory_space<vmem_shared>>
        tpu.wait_dma2 semaphore(%run_scoped3A_504 : memref<!tpu.dma_semaphore, #tpu.memory_space<semaphore_mem>>) src(%dma_wait3A_514 : memref<640x128xf32, #tpu.memory_space<vmem_shared>>) dst(%dma_wait3A_512 : memref<640x128xf32, #tpu.memory_space<hbm>>)
        tpu.yield
      }) : () -> ()
    } else {
    }
    %eq3A = arith.constant 15 : i32
    %eq3A_496 = arith.cmpi eq, %arg1, %eq3A : i32
    %convert_element_type3A_497 = arith.extui %eq3A_496 : i1 to i32
    %cond3A_498 = arith.constant 0 : i32
    %cond3A_499 = arith.cmpi ne, %convert_element_type3A_497, %cond3A_498 : i32
    scf.if %cond3A_499 {
      "tpu.region"() ({
        %run_scoped3A_500 = tpu.sem_alloc : memref<!tpu.dma_semaphore, #tpu.memory_space<semaphore_mem>>
        %dma_start3A_501 = arith.constant 9600 : i32
        %dma_start3A_502 = arith.constant 0 : i32
        %dma_start3A_503 = tpu.memref_slice %arg5[%arg0, %dma_start3A_501, %dma_start3A_502] : memref<2x10000x128xf32, #tpu.memory_space<hbm>> -> memref<1x400x128xf32, #tpu.memory_space<hbm>>
        %dma_start3A_504 = tpu.memref_squeeze %dma_start3A_503 : memref<1x400x128xf32, #tpu.memory_space<hbm>> -> memref<400x128xf32, #tpu.memory_space<hbm>>
        %dma_start3A_505 = arith.constant 9600 : i32
        %dma_start3A_506 = arith.constant 0 : i32
        %dma_start3A_507 = tpu.memref_slice %arg10[%dma_start3A_505, %dma_start3A_506] : memref<10240x128xf32, #tpu.memory_space<vmem_shared>> -> memref<400x128xf32, #tpu.memory_space<vmem_shared>>
        tpu.enqueue_dma source(%dma_start3A_507 : memref<400x128xf32, #tpu.memory_space<vmem_shared>>) target(%dma_start3A_504 : memref<400x128xf32, #tpu.memory_space<hbm>>) target_semaphore(%run_scoped3A_500 : memref<!tpu.dma_semaphore, #tpu.memory_space<semaphore_mem>>)
        %dma_wait3A_508 = arith.constant 9600 : i32
        %dma_wait3A_509 = arith.constant 0 : i32
        %dma_wait3A_510 = tpu.memref_slice %arg5[%arg0, %dma_wait3A_508, %dma_wait3A_509] : memref<2x10000x128xf32, #tpu.memory_space<hbm>> -> memref<1x400x128xf32, #tpu.memory_space<hbm>>
        %dma_wait3A_511 = tpu.memref_squeeze %dma_wait3A_510 : memref<1x400x128xf32, #tpu.memory_space<hbm>> -> memref<400x128xf32, #tpu.memory_space<hbm>>
        %dma_wait3A_512 = arith.constant 9600 : i32
        %dma_wait3A_513 = arith.constant 0 : i32
        %dma_wait3A_514 = tpu.memref_slice %arg10[%dma_wait3A_512, %dma_wait3A_513] : memref<10240x128xf32, #tpu.memory_space<vmem_shared>> -> memref<400x128xf32, #tpu.memory_space<vmem_shared>>
        tpu.wait_dma2 semaphore(%run_scoped3A_500 : memref<!tpu.dma_semaphore, #tpu.memory_space<semaphore_mem>>) src(%dma_wait3A_514 : memref<400x128xf32, #tpu.memory_space<vmem_shared>>) dst(%dma_wait3A_511 : memref<400x128xf32, #tpu.memory_space<hbm>>)
        tpu.yield
      }) : () -> ()
    } else {
    }
    return
  }
}

module attributes {stable_mosaic.version = 14 : i64} {
  func.func @_tc_update_body(%arg0: i32, %arg1: memref<2000x128xf32, #tpu.memory_space<vmem>>, %arg2: memref<2x2000x128xf32, #tpu.memory_space<vmem>>, %arg3: memref<128x128xf32, #tpu.memory_space<vmem>>, %arg4: memref<1x128xf32, #tpu.memory_space<vmem>>, %arg5: memref<128x128xf32, #tpu.memory_space<vmem>>, %arg6: memref<1x128xf32, #tpu.memory_space<vmem>>, %arg7: memref<2000x128xf32, #tpu.memory_space<vmem>>, %arg8: memref<2000x128xf32, #tpu.memory_space<vmem>>) attributes {dimension_semantics = [#tpu.dimension_semantics<arbitrary>], iteration_bounds = array<i64: 5>, scalar_prefetch = 0 : i64, scratch_operands = 0 : i64, tpu.core_type = #tpu.core_type<tc>, window_params = [{transform_indices = @transform_0, window_bounds = array<i64: 2000, 128>}, {transform_indices = @transform_1, window_bounds = array<i64: 2, 2000, 128>}, {pipeline_mode = #tpu.pipeline_mode<synchronous>, transform_indices = @transform_2, window_bounds = array<i64: 128, 128>}, {pipeline_mode = #tpu.pipeline_mode<synchronous>, transform_indices = @transform_3, window_bounds = array<i64: 1, 128>}, {pipeline_mode = #tpu.pipeline_mode<synchronous>, transform_indices = @transform_4, window_bounds = array<i64: 128, 128>}, {pipeline_mode = #tpu.pipeline_mode<synchronous>, transform_indices = @transform_5, window_bounds = array<i64: 1, 128>}, {transform_indices = @transform_6, window_bounds = array<i64: 2000, 128>}, {transform_indices = @transform_7, window_bounds = array<i64: 2000, 128>}]} {
    %get3A = arith.constant 0 : index
    %get3A_0 = arith.constant 0 : index
    %get3A_1 = arith.constant 0 : index
    %get3A_2 = vector.load %arg2[%get3A, %get3A_0, %get3A_1] : memref<2x2000x128xf32, #tpu.memory_space<vmem>>, vector<1x2000x128xf32>
    %get3A_3 = vector.shape_cast %get3A_2 : vector<1x2000x128xf32> to vector<2000x128xf32>
    %get3A_4 = arith.constant 1 : index
    %get3A_5 = arith.constant 0 : index
    %get3A_6 = arith.constant 0 : index
    %get3A_7 = vector.load %arg2[%get3A_4, %get3A_5, %get3A_6] : memref<2x2000x128xf32, #tpu.memory_space<vmem>>, vector<1x2000x128xf32>
    %get3A_8 = vector.shape_cast %get3A_7 : vector<1x2000x128xf32> to vector<2000x128xf32>
    %add3A = arith.addf %get3A_3, %get3A_8 : vector<2000x128xf32>
    %get3A_9 = arith.constant 0 : index
    %get3A_10 = arith.constant 0 : index
    %get3A_11 = vector.load %arg3[%get3A_9, %get3A_10] : memref<128x128xf32, #tpu.memory_space<vmem>>, vector<128x128xf32>
    %dot_general3A = arith.constant dense<0.000000e+00> : vector<2000x128xf32>
    %dot_general3A_12 = tpu.matmul %add3A, %get3A_11, %dot_general3A {dimension_numbers = #tpu.dot_dimension_numbers<[1], [0], [0], [1], [0, 0, 1, 1], [], []>, transpose_lhs_hint = false} : vector<2000x128xf32>, vector<128x128xf32>, vector<2000x128xf32> -> vector<2000x128xf32>
    %get3A_13 = arith.constant 0 : index
    %get3A_14 = arith.constant 0 : index
    %get3A_15 = vector.load %arg4[%get3A_13, %get3A_14] : memref<1x128xf32, #tpu.memory_space<vmem>>, vector<1x128xf32>
    %add3A_16 = vector.broadcast %get3A_15 : vector<1x128xf32> to vector<2000x128xf32>
    %add3A_17 = arith.addf %dot_general3A_12, %add3A_16 : vector<2000x128xf32>
    %get3A_18 = arith.constant 0 : index
    %get3A_19 = arith.constant 0 : index
    %get3A_20 = vector.load %arg1[%get3A_18, %get3A_19] : memref<2000x128xf32, #tpu.memory_space<vmem>>, vector<2000x128xf32>
    %mul3A = arith.constant 0.00999999977 : f32
    %mul3A_21 = vector.broadcast %mul3A : f32 to vector<2000x128xf32>
    %mul3A_22 = arith.mulf %mul3A_21, %add3A_17 : vector<2000x128xf32>
    %add3A_23 = arith.addf %get3A_20, %mul3A_22 : vector<2000x128xf32>
    %iota3A = tpu.iota {dimensions = array<i32: 1>} : vector<2000x128xi32>
    %ge3A = arith.constant 3 : i32
    %ge3A_24 = vector.broadcast %ge3A : i32 to vector<2000x128xi32>
    %ge3A_25 = arith.cmpi sge, %iota3A, %ge3A_24 : vector<2000x128xi32>
    %lt3A = arith.constant 19 : i32
    %lt3A_26 = vector.broadcast %lt3A : i32 to vector<2000x128xi32>
    %lt3A_27 = arith.cmpi slt, %iota3A, %lt3A_26 : vector<2000x128xi32>
    %and3A = arith.andi %ge3A_25, %lt3A_27 : vector<2000x128xi1>
    %mul3A_28 = arith.mulf %add3A_23, %add3A_23 : vector<2000x128xf32>
    %jit3A = arith.constant 0.000000e+00 : f32
    %broadcast_in_dim3A = vector.broadcast %jit3A : f32 to vector<2000x128xf32>
    %select_n3A = arith.select %and3A, %mul3A_28, %broadcast_in_dim3A : vector<2000x128xi1>, vector<2000x128xf32>
    %reduce_sum3A = arith.constant dense<0.000000e+00> : vector<2000xf32>
    %reduce_sum3A_29 = vector.multi_reduction <add>, %select_n3A, %reduce_sum3A [1] : vector<2000x128xf32> to vector<2000xf32>
    %broadcast_in_dim3A_30 = vector.shape_cast %reduce_sum3A_29 : vector<2000xf32> to vector<2000x1xf32>
    %sqrt3A = math.sqrt %broadcast_in_dim3A_30 : vector<2000x1xf32>
    %max3A = arith.constant 9.99999993E-9 : f32
    %max3A_31 = vector.broadcast %max3A : f32 to vector<2000x1xf32>
    %max3A_32 = arith.maximumf %sqrt3A, %max3A_31 : vector<2000x1xf32>
    %div3A = arith.constant 1.000000e+00 : f32
    %div3A_33 = vector.broadcast %div3A : f32 to vector<2000x1xf32>
    %div3A_34 = arith.divf %div3A_33, %max3A_32 : vector<2000x1xf32>
    %mul3A_35 = vector.broadcast %div3A_34 : vector<2000x1xf32> to vector<2000x128xf32>
    %mul3A_36 = arith.mulf %add3A_23, %mul3A_35 : vector<2000x128xf32>
    %select_n3A_37 = arith.select %and3A, %mul3A_36, %add3A_23 : vector<2000x128xi1>, vector<2000x128xf32>
    %swap3A = arith.constant 0 : index
    %swap3A_38 = arith.constant 0 : index
    %swap3A_39 = vector.load %arg7[%swap3A, %swap3A_38] : memref<2000x128xf32, #tpu.memory_space<vmem>>, vector<2000x128xf32>
    tpu.vector_store %arg7[%swap3A, %swap3A_38], %select_n3A_37 {strides = array<i32>} : memref<2000x128xf32, #tpu.memory_space<vmem>>, vector<2000x128xf32>,
    %get3A_40 = arith.constant 0 : index
    %get3A_41 = arith.constant 0 : index
    %get3A_42 = vector.load %arg5[%get3A_40, %get3A_41] : memref<128x128xf32, #tpu.memory_space<vmem>>, vector<128x128xf32>
    %dot_general3A_43 = arith.constant dense<0.000000e+00> : vector<2000x128xf32>
    %dot_general3A_44 = tpu.matmul %select_n3A_37, %get3A_42, %dot_general3A_43 {dimension_numbers = #tpu.dot_dimension_numbers<[1], [0], [0], [1], [0, 0, 1, 1], [], []>, transpose_lhs_hint = false} : vector<2000x128xf32>, vector<128x128xf32>, vector<2000x128xf32> -> vector<2000x128xf32>
    %get3A_45 = arith.constant 0 : index
    %get3A_46 = arith.constant 0 : index
    %get3A_47 = vector.load %arg6[%get3A_45, %get3A_46] : memref<1x128xf32, #tpu.memory_space<vmem>>, vector<1x128xf32>
    %add3A_48 = vector.broadcast %get3A_47 : vector<1x128xf32> to vector<2000x128xf32>
    %add3A_49 = arith.addf %dot_general3A_44, %add3A_48 : vector<2000x128xf32>
    %max3A_50 = arith.constant 0.000000e+00 : f32
    %max3A_51 = vector.broadcast %max3A_50 : f32 to vector<2000x128xf32>
    %max3A_52 = arith.maximumf %add3A_49, %max3A_51 : vector<2000x128xf32>
    %swap3A_53 = arith.constant 0 : index
    %swap3A_54 = arith.constant 0 : index
    %swap3A_55 = vector.load %arg8[%swap3A_53, %swap3A_54] : memref<2000x128xf32, #tpu.memory_space<vmem>>, vector<2000x128xf32>
    tpu.vector_store %arg8[%swap3A_53, %swap3A_54], %max3A_52 {strides = array<i32>} : memref<2000x128xf32, #tpu.memory_space<vmem>>, vector<2000x128xf32>,
    return
  }
  func.func @transform_0(%arg0: i32) -> (i32, i32) {
    %c0_i32 = arith.constant 0 : i32
    %c0_i32_0 = arith.constant 0 : i32
    return %arg0, %c0_i32 : i32, i32
  }
  func.func @transform_1(%arg0: i32) -> (i32, i32, i32) {
    %c0_i32 = arith.constant 0 : i32
    %c0_i32_0 = arith.constant 0 : i32
    %c0_i32_1 = arith.constant 0 : i32
    return %c0_i32, %arg0, %c0_i32_0 : i32, i32, i32
  }
  func.func @transform_2(%arg0: i32) -> (i32, i32) {
    %c0_i32 = arith.constant 0 : i32
    %c0_i32_0 = arith.constant 0 : i32
    %c0_i32_1 = arith.constant 0 : i32
    return %c0_i32, %c0_i32_0 : i32, i32
  }
  func.func @transform_3(%arg0: i32) -> (i32, i32) {
    %c0_i32 = arith.constant 0 : i32
    %c0_i32_0 = arith.constant 0 : i32
    %c0_i32_1 = arith.constant 0 : i32
    return %c0_i32, %c0_i32_0 : i32, i32
  }
  func.func @transform_4(%arg0: i32) -> (i32, i32) {
    %c0_i32 = arith.constant 0 : i32
    %c0_i32_0 = arith.constant 0 : i32
    %c0_i32_1 = arith.constant 0 : i32
    return %c0_i32, %c0_i32_0 : i32, i32
  }
  func.func @transform_5(%arg0: i32) -> (i32, i32) {
    %c0_i32 = arith.constant 0 : i32
    %c0_i32_0 = arith.constant 0 : i32
    %c0_i32_1 = arith.constant 0 : i32
    return %c0_i32, %c0_i32_0 : i32, i32
  }
  func.func @transform_6(%arg0: i32) -> (i32, i32) {
    %c0_i32 = arith.constant 0 : i32
    %c0_i32_0 = arith.constant 0 : i32
    return %arg0, %c0_i32 : i32, i32
  }
  func.func @transform_7(%arg0: i32) -> (i32, i32) {
    %c0_i32 = arith.constant 0 : i32
    %c0_i32_0 = arith.constant 0 : i32
    return %arg0, %c0_i32 : i32, i32
  }
}

module attributes {stable_mosaic.version = 14 : i64} {
  func.func @_tc_pre_body(%arg0: i32, %arg1: memref<2000x128xf32, #tpu.memory_space<vmem>>, %arg2: memref<128x128xf32, #tpu.memory_space<vmem>>, %arg3: memref<1x128xf32, #tpu.memory_space<vmem>>, %arg4: memref<2000x128xf32, #tpu.memory_space<vmem>>) attributes {dimension_semantics = [#tpu.dimension_semantics<arbitrary>], iteration_bounds = array<i64: 5>, scalar_prefetch = 0 : i64, scratch_operands = 0 : i64, tpu.core_type = #tpu.core_type<tc>, window_params = [{transform_indices = @transform_0, window_bounds = array<i64: 2000, 128>}, {pipeline_mode = #tpu.pipeline_mode<synchronous>, transform_indices = @transform_1, window_bounds = array<i64: 128, 128>}, {pipeline_mode = #tpu.pipeline_mode<synchronous>, transform_indices = @transform_2, window_bounds = array<i64: 1, 128>}, {transform_indices = @transform_3, window_bounds = array<i64: 2000, 128>}]} {
    %get3A = arith.constant 0 : index
    %get3A_0 = arith.constant 0 : index
    %get3A_1 = vector.load %arg1[%get3A, %get3A_0] : memref<2000x128xf32, #tpu.memory_space<vmem>>, vector<2000x128xf32>
    %get3A_2 = arith.constant 0 : index
    %get3A_3 = arith.constant 0 : index
    %get3A_4 = vector.load %arg2[%get3A_2, %get3A_3] : memref<128x128xf32, #tpu.memory_space<vmem>>, vector<128x128xf32>
    %dot_general3A = arith.constant dense<0.000000e+00> : vector<2000x128xf32>
    %dot_general3A_5 = tpu.matmul %get3A_1, %get3A_4, %dot_general3A {dimension_numbers = #tpu.dot_dimension_numbers<[1], [0], [0], [1], [0, 0, 1, 1], [], []>, transpose_lhs_hint = false} : vector<2000x128xf32>, vector<128x128xf32>, vector<2000x128xf32> -> vector<2000x128xf32>
    %get3A_6 = arith.constant 0 : index
    %get3A_7 = arith.constant 0 : index
    %get3A_8 = vector.load %arg3[%get3A_6, %get3A_7] : memref<1x128xf32, #tpu.memory_space<vmem>>, vector<1x128xf32>
    %add3A = vector.broadcast %get3A_8 : vector<1x128xf32> to vector<2000x128xf32>
    %add3A_9 = arith.addf %dot_general3A_5, %add3A : vector<2000x128xf32>
    %max3A = arith.constant 0.000000e+00 : f32
    %max3A_10 = vector.broadcast %max3A : f32 to vector<2000x128xf32>
    %max3A_11 = arith.maximumf %add3A_9, %max3A_10 : vector<2000x128xf32>
    %swap3A = arith.constant 0 : index
    %swap3A_12 = arith.constant 0 : index
    %swap3A_13 = vector.load %arg4[%swap3A, %swap3A_12] : memref<2000x128xf32, #tpu.memory_space<vmem>>, vector<2000x128xf32>
    tpu.vector_store %arg4[%swap3A, %swap3A_12], %max3A_11 {strides = array<i32>} : memref<2000x128xf32, #tpu.memory_space<vmem>>, vector<2000x128xf32>,
    return
  }
  func.func @transform_0(%arg0: i32) -> (i32, i32) {
    %c0_i32 = arith.constant 0 : i32
    %c0_i32_0 = arith.constant 0 : i32
    return %arg0, %c0_i32 : i32, i32
  }
  func.func @transform_1(%arg0: i32) -> (i32, i32) {
    %c0_i32 = arith.constant 0 : i32
    %c0_i32_0 = arith.constant 0 : i32
    %c0_i32_1 = arith.constant 0 : i32
    return %c0_i32, %c0_i32_0 : i32, i32
  }
  func.func @transform_2(%arg0: i32) -> (i32, i32) {
    %c0_i32 = arith.constant 0 : i32
    %c0_i32_0 = arith.constant 0 : i32
    %c0_i32_1 = arith.constant 0 : i32
    return %c0_i32, %c0_i32_0 : i32, i32
  }
  func.func @transform_3(%arg0: i32) -> (i32, i32) {
    %c0_i32 = arith.constant 0 : i32
    %c0_i32_0 = arith.constant 0 : i32
    return %arg0, %c0_i32 : i32, i32
  }
}

</mosaic_0001>

<sc_bundles>
// kernel: body.8.cloned.1.call-start
scs
__scs_entry_jumppad:
0x0: {  	(pc) =	sbr.rel $0x88, $3  }
0x1: {  	(tag) =	ssettag $0x0;
	lr =	simm.s32 $0x1  }
0x2: {  	[smem:$0x3F9A] =	sst lr;
	_ =	strace $0xD0000000  }
0x3: {  	_ = 	snop  }
0x4: {  	_ = 	snop  }
0x5: {  	_ = 	snop  }
0x6: {  	_ = 	snop  }
0x7: {  	_ = 	snop  }
__scs_overlays_trampoline_lowered:
0x8: {  	[smem:$0x3FA9] =	sst s0  }
0x9: {  	[smem:$0x3FAA] =	sst s1  }
0xa: {  	[smem:$0x3FAB] =	sst s2  }
0xb: {  	[smem:$0x3FAC] =	sst s3  }
0xc: {  	[smem:$0x3FAD] =	sst s4  }
0xd: {  	[smem:$0x3FAE] =	sst s5  }
0xe: {  	[smem:$0x3FAF] =	sst s6  }
0xf: {  	[smem:$0x3FB0] =	sst s7  }
0x10: {  	[smem:$0x3FB1] =	sst s8  }
0x11: {  	[smem:$0x3FB2] =	sst s9;
	s0 =	simm.s32 @!p0 $0x0  }
0x12: {  	s1 =	sld [smem:$0x3F98];
	s0 =	simm.s32 @p0 $0x1  }
0x13: {  	[smem:$0x3FB3] =	sst s0;
	s0 =	simm.s32 @!p1 $0x0  }
0x14: {  	s2 =	sld [smem:$0x3F97];
	s0 =	simm.s32 @p1 $0x1  }
0x15: {  	[smem:$0x3FB4] =	sst s0;
	s0 =	simm.s32 @!p2 $0x0  }
0x16: {  	s3 =	sld [smem:$0x3FDB];
	s0 =	simm.s32 @p2 $0x1  }
0x17: {  	s4 =	simm.s32 $0x1BF5;
	[smem:$0x3FB6] =	sst s0  }
0x18: {  	s0 =	sld [smem:$0x3F99];
	_ =	swait.ge [sflag:s4], $0x0  }
0x19: {  	s7 =	sld [smem:$0x3F9A]  }
0x1a: {  	s8 =	sadd.s32 $0xFFFFE003, lr  }
0x1b: {  	s9 =	sadd.s32 $0xFFFFFEF7, lr;
	s5 =	simm.s32 $0xFFFFFFFF;
	p2 =	slt.u32 s8, $0xFFFFF086  }
0x1c: {  	p1 =	slt.u32 s9, $0xF7A;
	s5 =	simm.s32 @!p2 $0x0  }
0x1d: {  	s5 =	simm.s32 @p1 $0x1;
	p0 =	seq.s32 s7, s2  }
0x1e: {  	s7 =	smul.u32 @!p0 $0xF7A, s2;
	p2 =	seq.s32 @!p0 s5, $0x0  }
0x1f: {  	s9 =	smul.u32 $0xF7A, s1;
	s8 =	simm.s32 @!p0 $0x1BF5;
	p2 =	por !p2, p0  }
0x20: {  	[sflag:s8] =	ssyncset.s32 @!p0 $0xFFFFF086;
	s6 =	sadd.s32 @!p0 s3, s7;
	s7 =	simm.s32 @!p0 $0x108  }
0x21: {  	s3 =	sadd.s32 s3, s9;
	s6 =	sadd.s32 @!p0 $0x88, s6;
	s7 =	simm.s32 @p2 $0x1082  }
0x22: {  	[simem:s7], [sflag:s8] =	dma.local @!p0 [hbm:s6], $0xF7A  }
0x23: {  	s9 =	sor.u32 $0xD0000000, s2;
	s6 =	simm.s32 $0x108;
	_ =	swait.ge @!p0 [sflag:s8], $0x0  }
0x24: {  	s3 =	sadd.s32 $0x88, s3;
	s6 =	simm.s32 @!p1 $0x1082;
	[sflag:s4] =	ssyncset.s32 $0xFFFFF086  }
0x25: {  	[simem:s6], [sflag:s4] =	dma.local [hbm:s3], $0xF7A  }
0x26: {  	[smem:$0x3F9A] =	sst s1;
	(tag) =	ssettag s2;
	_ =	strace s9  }
0x27: {  	s1 =	sld [smem:$0x3FAA]  }
0x28: {  	s2 =	sld [smem:$0x3FAB]  }
0x29: {  	s4 =	sld [smem:$0x3FAD]  }
0x2a: {  	p0 =	seq.s32 s5, $0x0;
	s5 =	sld [smem:$0x3FAE]  }
0x2b: {  	s6 =	sld [smem:$0x3FAF]  }
0x2c: {  	s7 =	sld [smem:$0x3FB0]  }
0x2d: {  	s3 =	simm.s32 $0x108;
	s8 =	sld [smem:$0x3FB1]  }
0x2e: {  	s3 =	simm.s32 @!p0 $0x1082;
	s9 =	sld [smem:$0x3FB2]  }
0x2f: {  	lr =	sadd.s32 s0, s3;
	s0 =	sld [smem:$0x3FA9]  }
0x30: {  	s3 =	sld [smem:$0x3FAC]  }
0x31: {  	[smem:$0x3FB5] =	sst s10  }
0x32: {  	s10 =	sld [smem:$0x3FB3];
	_ =	sdelay $0x3  }
0x33: {  	p0 =	seq.s32 s10, $0x1;
	s10 =	sld [smem:$0x3FB5];
	_ =	sdelay $0x3  }
0x34: {  	[smem:$0x3FB5] =	sst s10  }
0x35: {  	s10 =	sld [smem:$0x3FB4];
	_ =	sdelay $0x3  }
0x36: {  	p1 =	seq.s32 s10, $0x1;
	s10 =	sld [smem:$0x3FB5];
	_ =	sdelay $0x3  }
0x37: {  	[smem:$0x3FB5] =	sst s10  }
0x38: {  	s10 =	sld [smem:$0x3FB6]  }
0x39: {  	_ = 	snop;
	(pc) =	sbr.ind lr, $3  }
0x3a: {  	_ = 	snop  }
0x3b: {  	_ = 	snop  }
0x3c: {  	p2 =	seq.s32 s10, $0x1;
	s10 =	sld [smem:$0x3FB5]  }
0x3d: {  	_ =	shalt  }
0x3e: {  	_ =	shalt  }
0x3f: {  	_ =	shalt  }
0x40: {  	_ =	shalt  }
0x41: {  	_ =	shalt  }
0x42: {  	_ =	shalt  }
0x43: {  	_ =	shalt  }
0x44: {  	_ =	shalt  }
0x45: {  	_ =	shalt  }
0x46: {  	_ =	shalt  }
0x47: {  	_ =	shalt  }
0x48: {  	_ =	shalt  }
0x49: {  	_ =	shalt  }
0x4a: {  	_ =	shalt  }
0x4b: {  	_ =	shalt  }
0x4c: {  	_ =	shalt  }
0x4d: {  	_ =	shalt  }
0x4e: {  	_ =	shalt  }
0x4f: {  	_ =	shalt  }
0x50: {  	_ =	shalt  }
0x51: {  	_ =	shalt  }
0x52: {  	_ =	shalt  }
0x53: {  	_ =	shalt  }
0x54: {  	_ =	shalt  }
0x55: {  	_ =	shalt  }
0x56: {  	_ =	shalt  }
0x57: {  	_ =	shalt  }
0x58: {  	_ =	shalt  }
0x59: {  	_ =	shalt  }
0x5a: {  	_ =	shalt  }
0x5b: {  	_ =	shalt  }
0x5c: {  	_ =	shalt  }
0x5d: {  	_ =	shalt  }
0x5e: {  	_ =	shalt  }
0x5f: {  	_ =	shalt  }
0x60: {  	_ =	shalt  }
0x61: {  	_ =	shalt  }
0x62: {  	_ =	shalt  }
0x63: {  	_ =	shalt  }
0x64: {  	_ =	shalt  }
0x65: {  	_ =	shalt  }
0x66: {  	_ =	shalt  }
0x67: {  	_ =	shalt  }
0x68: {  	_ =	shalt  }
0x69: {  	_ =	shalt  }
0x6a: {  	_ =	shalt  }
0x6b: {  	_ =	shalt  }
0x6c: {  	_ =	shalt  }
0x6d: {  	_ =	shalt  }
0x6e: {  	_ =	shalt  }
0x6f: {  	_ =	shalt  }
0x70: {  	_ =	shalt  }
0x71: {  	_ =	shalt  }
0x72: {  	_ =	shalt  }
0x73: {  	_ =	shalt  }
0x74: {  	_ =	shalt  }
0x75: {  	_ =	shalt  }
0x76: {  	_ =	shalt  }
0x77: {  	_ =	shalt  }
0x78: {  	_ =	shalt  }
0x79: {  	_ =	shalt  }
0x7a: {  	_ =	shalt  }
0x7b: {  	_ =	shalt  }
0x7c: {  	_ =	shalt  }
0x7d: {  	_ =	shalt  }
0x7e: {  	_ =	shalt  }
0x7f: {  	_ =	shalt  }
0x80: {  	_ =	shalt  }
0x81: {  	_ =	shalt  }
0x82: {  	_ =	shalt  }
0x83: {  	_ =	shalt  }
0x84: {  	_ =	shalt  }
0x85: {  	_ =	shalt  }
0x86: {  	_ =	shalt  }
0x87: {  	_ =	shalt  }
.Lfunc_end0:
.L_simem_size_0:
called_computation_lowered:
.L_overlay_start_0:
0x88: {  	s2 =	sld [smem:$0x3FD9]  }
0x89: {  	s3 =	sld [smem:$0x3FFE];
	_ =	sdelay $0x1  }
0x8a: {  	s1 =	srdreg.scid  }
0x8b: {  	s0 =	sand.u32 $0x1, s1  }
0x8c: {  	s17 =	sshll.u32 s0, $0xA;
	s2 =	sadd.s32 s3, s2  }
0x8d: {  	s2 =	sadd.s32 s2, s17  }
0x8e: {  	[smem:$0x3FC1] =	sst s2  }
0x8f: {  	_ = 	snop  }
0x90: {  	s2 =	sld [smem:$0x3FD0];
	(tm) =	ssettm $0x1  }
0x91: {  	s18 =	sld [smem:$0x3FFB];
	_ =	sdelay $0x3  }
0x92: {  	_ =	strace s18  }
0x93: {  	s3 =	sld [smem:$0x3FFC];
	_ =	sdelay $0x3  }
0x94: {  	_ =	strace s3  }
0x95: {  	s3 =	sld [smem:$0x3FFD];
	_ =	sdelay $0x3  }
0x96: {  	_ =	strace s3  }
0x97: {  	_ =	strace $0x8FFFFFFF  }
0x98: {  	s19 =	sld [smem:$0x3FDB];
	_ =	sdelay $0x1  }
0x99: {  	s4 =	simm.s32 $_scs_section_size  }
0x9a: {  	s5 =	simm.s32 $_size__tile_overlayer_lowered;
	s6 =	simm.s32 $_tile_overlayer_lowered  }
0x9b: {  	s22 =	simm.s32 $0x1BFF;
	s21 =	sshll.u32 s6, $0x1;
	s3 =	sadd.s32 s4, s19  }
0x9c: {  	s7 =	simm.s32 $0x0;
	s20 =	sshll.u32 s5, $0x1;
	s5 =	sadd.s32 s21, s3  }
0x9d: {  	[timem:s7], [sflag:s22] =	dma.local [hbm:s5], s20  }
0x9e: {  	_ =	swait.ge [sflag:s22], s20  }
0x9f: {  	s4 =	ssub.s32 $0x0, s20;
	[sflag:s22] =	ssyncset.done $0x0  }
0xa0: {  	[sflag:s22] =	ssyncadd.s32 s4;
	_ =	sdelay $0x1  }
0xa1: {  	s23 =	simm.s32 $0x1B8B  }
0xa2: {  	_ =	swait.ge [sflag:s23], $0x1  }
0xa3: {  	[sflag:s23] =	ssyncset.done $0x0  }
0xa4: {  	s25 =	simm.s32 $0x1B8E;
	s24 =	sld [smem:$0x3FFE];
	[sflag:s23] =	ssyncadd.s32 $0xFFFFFFFF  }
0xa5: {  	s26 =	simm.s32 $execute0_lowered;
	[smem:$0x3FD2] =	sst s25  }
0xa6: {  	s5 =	sshll.u32 s26, $0x1;
	_ =	strace $0x80000046;
	[dreg:$0x1] =	wrdreg $0xFFFFFFFF  }
0xa7: {  	s28 =	simm.s32 $_size_execute0_lowered;
	s3 =	sadd.s32 s3, s5;
	[dreg:$0x0] =	wrdreg $0x0  }
0xa8: {  	s5 =	sshll.u32 s28, $0x1;
	[dreg:$0x2] =	wrdreg s3  }
0xa9: {  	[dreg:$0x3] =	wrdreg s5  }
0xaa: {  	[dreg:$0x4] =	wrdreg $0xC0  }
0xab: {  	_ =	task [dreg:s7], $0x5FFFF  }
0xac: {  	[dreg:$0x1] =	wrdreg $0xFFFFFFFF  }
0xad: {  	[dreg:$0x0] =	wrdreg $0x60  }
0xae: {  	[dreg:$0x2] =	wrdreg s2  }
0xaf: {  	[dreg:$0x3] =	wrdreg s24  }
0xb0: {  	[dreg:$0x4] =	wrdreg $0xA0000  }
0xb1: {  	[dreg:$0x5] =	wrdreg $0x9  }
0xb2: {  	_ =	task.clear_ibuf [dreg:s7], $0x6FFFF;
	_ =	strace $0x90000046  }
0xb3: {  	s29 =	simm.s32 $0x9;
	_ =	strace $0x80000048  }
0xb4: {  	_ =	swait.ge [sflag:s29], $0x1  }
0xb5: {  	[sflag:s29] =	ssyncadd.s32 $0xFFFFFFFF  }
0xb6: {  	_ =	strace $0x90000048  }
0xb7: {  	_ =	sfence  }
0xb8: {  	s30 =	sld [smem:$0x0];
	_ =	sdelay $0x2  }
0xb9: {  	s31 =	sshll.u32 s1, $0xD;
	s1 =	sshrl.u32 s1, $0x2  }
0xba: {  	s3 =	sand.u32 $0x4000, s31;
	s1 =	sadd.s32 s1, s30  }
0xbb: {  	s0 =	sor.u32 s3, s0;
	s1 =	sshll.u32 s1, $0x11  }
0xbc: {  	s0 =	sor.u32 s1, s0  }
0xbd: {  	s0 =	sadd.s32 $0x8F2B, s0  }
0xbe: {  	[sflag:s0] =	ssyncadd.remote.s32 $0x1  }
0xbf: {  	_ =	sfence.sel $0xFFFF  }
0xc0: {  	[dreg:$0x0] =	wrdreg $0xFFFFFFFF;
	(pc) =	sbr.abs _section_cstart, $3  }
0xc1: {  	[dreg:$0x1] =	wrdreg $0xFFFFFFFF  }
0xc2: {  	_ =	task.clear_ibuf [dreg:s7], $0x2FFFF;
	_ =	strace $0x9FFFFFFF  }
0xc3: {  	(tm) =	ssettm $0x7FFFFFFF  }
tec
execute0_lowered:
.L_overlay_start_1:
0x0: {  	(tag) =	ssettag $0x1  }
0x1: {  	s1 =	rddreg [dreg:$0x0]  }
0x2: {  	s0 =	rddreg [dreg:$0x1]  }
0x3: {  	s2 =	rddreg [dreg:$0x2];
	s3 =	srdreg.scid;
	s4 =	simm.s32 $0x0  }
0x4: {  	s12 =	stileid.u32;
	s30 =	simm.s32 $0x80;
	s31 =	simm.s32 $0x6000  }
0x5: {  	s28 =	simm.s32 $0xB80;
	s3 =	sand.u32 $0x1, s3;
	[smem:$0x7FF] =	sst s4  }
0x6: {  	s6 =	smul.u32 $0x50000, s12;
	s7 =	sadd.s32 $0xBA00, s0;
	s9 =	sadd.s32 $0x1A00, s0  }
0x7: {  	s0 =	sadd.s32 $0x15A00, s0;
	s18 =	smul.u32 $0x14000, s12;
	p0 =	seq.s32 s12, $0xF  }
0x8: {  	s5 =	sshll.u32 s3, $0x4;
	_ =	strace $0x80000047;
	s8 =	ssub.s32 $0x2, s3  }
0x9: {  	s3 =	smul.u32 $0x138800, s3;
	s5 =	sor.u32 s12, s5;
	s10 =	sshrl.u32 s8, $0x1  }
0xa: {  	s6 =	sshrl.u32 s6, $0x2;
	s12 =	simm.s32 $0xA00;
	s5 =	smul.u32 $0x2800, s5  }
0xb: {  	s8 =	ssub.s32 s8, s10;
	s20 =	sadd.s32 s18, s3;
	s3 =	sshrl.u32 s3, $0x3  }
0xc: {  	s10 =	simm.s32 $0x980;
	s21 =	sshrl.u32 s20, $0x3;
	s23 =	smax.u32 s8, $0x1  }
0xd: {  	s3 =	sadd.s32 s0, s3;
	s0 =	sadd.s32 s0, s21;
	[dreg:$0x10] =	wrdreg s23  }
0xe: {  	s18 =	simm.s32 $0xB00;
	s22 =	sadd.s32 $0x25800, s3;
	[dreg:$0xe] =	wrdreg s0  }
0xf: {  	s25 =	sshrl.u32 s5, $0x3;
	s5 =	sadd.s32 s6, s2;
	[dreg:$0xf] =	wrdreg s22  }
0x10: {  	s26 =	sadd.s32 s7, s25;
	s29 =	sadd.s32 $0x100, s25;
	[dreg:$0x16] =	wrdreg s5  }
0x11: {  	s11 =	sadd.s32 s9, s25;
	s14 =	sadd.s32 $0x200, s25;
	[dreg:$0x4] =	wrdreg s26  }
0x12: {  	s17 =	sadd.s32 $0x300, s25;
	s24 =	sadd.s32 $0x4000, s5;
	[dreg:$0x5] =	wrdreg s11  }
0x13: {  	s19 =	sadd.s32 $0x400, s25;
	s25 =	sadd.s32 $0x8000, s5;
	[dreg:$0x11] =	wrdreg s24  }
0x14: {  	s8 =	simm.s32 $0x900;
	s13 =	sadd.s32 s7, s29;
	[dreg:$0x12] =	wrdreg s25  }
0x15: {  	s23 =	simm.s32 $0x2000;
	s6 =	sadd.s32 s9, s29;
	[dreg:$0x6] =	wrdreg s13  }
0x16: {  	s0 =	sadd.s32 $0x12C000, s2;
	s15 =	sadd.s32 s7, s14;
	[dreg:$0x7] =	wrdreg s6  }
0x17: {  	s16 =	sadd.s32 s9, s14;
	s26 =	sadd.s32 $0xC000, s5;
	[dreg:$0x8] =	wrdreg s15  }
0x18: {  	s29 =	sadd.s32 $0x10000, s5;
	s24 =	simm.s32 $0x5;
	[dreg:$0x9] =	wrdreg s16  }
0x19: {  	s0 =	sshrl.u32 @p0 s0, $0x3;
	s11 =	simm.s32 $0x1900;
	[dreg:$0x13] =	wrdreg s26  }
0x1a: {  	s14 =	simm.s32 $0xA80;
	s25 =	simm.s32 $0x1A80;
	[dreg:$0x14] =	wrdreg s29  }
0x1b: {  	s13 =	sadd.s32 s7, s17;
	s6 =	sadd.s32 s9, s17;
	[dreg:$0x15] =	wrdreg s0  }
0x1c: {  	s7 =	sadd.s32 s7, s19;
	s0 =	simm.s32 $0x1;
	[dreg:$0xa] =	wrdreg s13  }
0x1d: {  	s16 =	simm.s32 $0x3;
	s17 =	simm.s32 $0x4;
	[dreg:$0xb] =	wrdreg s6  }
0x1e: {  	s26 =	simm.s32 $0x880;
	s15 =	simm.s32 $0x1A00;
	[dreg:$0xc] =	wrdreg s7  }
0x1f: {  	s6 =	sadd.s32 s9, s19;
	s19 =	simm.s32 $0x0;
	s9 =	simm.s32 $0x1880  }
0x20: {  	v0 =	vimm.f32 $0.0e+00;
	s13 =	simm.s32 $0x1980;
	[dreg:$0xd] =	wrdreg s6;
	s6 =	simm.s32 $0x2  }
.LBB2_1:
0x21: {  	s20 =	simm.s32 $0x0;
	s21 =	simm.s32 $0x200  }
.LBB2_2:
0x22: {  	p1 =	sne.s32 s21, $0xFE00;
	[tilespmem:s20+$0x2070] =	vst v0  }
0x23: {  	[tilespmem:s20+$0x2000] =	vst v0  }
0x24: {  	[tilespmem:s20+$0x2010] =	vst v0  }
.Ltmp0:
0x25: {  	[tilespmem:s20+$0x2020] =	vst v0;
	(pc) =	sbr.rel @p1 .LBB2_2-.Ltmp0, $4  }
0x26: {  	[tilespmem:s20+$0x2030] =	vst v0  }
0x27: {  	[tilespmem:s20+$0x2040] =	vst v0  }
0x28: {  	[tilespmem:s20+$0x2050] =	vst v0  }
0x29: {  	[tilespmem:s20+$0x2060] =	vst v0;
	s20 =	sshra.s32 s21, $0x2;
	s21 =	sadd.s32 $0x200, s21  }
0x2a: {  	[tilespmem:s20+$0x2070] =	vst v0  }
0x2b: {  	[tilespmem:s20+$0x2000] =	vst v0  }
0x2c: {  	[tilespmem:s20+$0x2010] =	vst v0  }
0x2d: {  	[tilespmem:s20+$0x2020] =	vst v0  }
0x2e: {  	[tilespmem:s20+$0x2030] =	vst v0  }
0x2f: {  	[tilespmem:s20+$0x2040] =	vst v0  }
0x30: {  	[tilespmem:s20+$0x2050] =	vst v0  }
0x31: {  	[tilespmem:s20+$0x2060] =	vst v0;
	s3 =	rddreg [dreg:$0x16]  }
0x32: {  	[spmem:s3] =	stream.linear.scatter [tilespmem:s23], [sflag:$0x5], $0x4000, $0x38;
	[tilespmem:$0x1E000] =	vst v63  }
0x33: {  	_ =	swait.ge [sflag:s24], $0x4000  }
0x34: {  	[sflag:s24] =	ssyncset.done $0x0  }
0x35: {  	s3 =	rddreg [dreg:$0x11];
	[sflag:s24] =	ssyncadd.s32 $0xFFFFC000  }
0x36: {  	[spmem:s3] =	stream.linear.scatter [tilespmem:s23], [sflag:$0x5], $0x4000, $0x38;
	[tilespmem:$0x1E000] =	vst v63  }
0x37: {  	_ =	swait.ge [sflag:s24], $0x4000  }
0x38: {  	[sflag:s24] =	ssyncset.done $0x0  }
0x39: {  	s5 =	rddreg [dreg:$0x12];
	[sflag:s24] =	ssyncadd.s32 $0xFFFFC000  }
0x3a: {  	[spmem:s5] =	stream.linear.scatter [tilespmem:s23], [sflag:$0x5], $0x4000, $0x38;
	[tilespmem:$0x1E000] =	vst v63  }
0x3b: {  	_ =	swait.ge [sflag:s24], $0x4000  }
0x3c: {  	[sflag:s24] =	ssyncset.done $0x0  }
0x3d: {  	s7 =	rddreg [dreg:$0x13];
	[sflag:s24] =	ssyncadd.s32 $0xFFFFC000  }
0x3e: {  	[spmem:s7] =	stream.linear.scatter [tilespmem:s23], [sflag:$0x5], $0x4000, $0x38;
	[tilespmem:$0x1E000] =	vst v63  }
0x3f: {  	_ =	swait.ge [sflag:s24], $0x4000  }
0x40: {  	[sflag:s24] =	ssyncset.done $0x0  }
0x41: {  	s21 =	rddreg [dreg:$0x14];
	[sflag:s24] =	ssyncadd.s32 $0xFFFFC000  }
0x42: {  	[spmem:s21] =	stream.linear.scatter [tilespmem:s23], [sflag:$0x5], $0x4000, $0x38;
	[tilespmem:$0x1E000] =	vst v63  }
0x43: {  	_ =	swait.ge [sflag:s24], $0x4000  }
0x44: {  	[sflag:s24] =	ssyncset.done $0x0  }
0x45: {  	[sflag:s24] =	ssyncadd.s32 $0xFFFFC000  }
0x46: {  	[bflag:$0x0] =	sbarrier.arrive $0xFFFF  }
0x47: {  	s22 =	rddreg [dreg:$0x4]  }
0x48: {  	[tilespmem:s4], [sflag:$0x5] =	stream.linear.gather [hbm4b:s22+s4], $0x800, $0x38;
	[tilespmem:$0x1E000] =	vst v63  }
0x49: {  	_ =	swait.ge [sflag:s24], $0x800  }
0x4a: {  	[sflag:s24] =	ssyncset.done $0x0  }
0x4b: {  	s3 =	simm.s32 $0x1000;
	s29 =	rddreg [dreg:$0x5];
	[sflag:s24] =	ssyncadd.s32 $0xFFFFF800  }
0x4c: {  	[tilespmem:s3], [sflag:$0x5] =	stream.linear.gather [hbm4b:s29+s4], $0x800, $0x38;
	[tilespmem:$0x1E000] =	vst v63  }
0x4d: {  	_ =	swait.ge [sflag:s24], $0x800  }
0x4e: {  	[sflag:s24] =	ssyncset.done $0x0  }
0x4f: {  	s29 =	simm.s32 $0x800;
	s5 =	rddreg [dreg:$0x6];
	[sflag:s24] =	ssyncadd.s32 $0xFFFFF800  }
0x50: {  	[tilespmem:s29], [sflag:$0x3] =	stream.linear.gather [hbm4b:s5+s4], $0x800, $0x38;
	[tilespmem:$0x1E000] =	vst v63  }
0x51: {  	s7 =	rddreg [dreg:$0x7];
	s5 =	simm.s32 $0x1800  }
0x52: {  	[tilespmem:s5], [sflag:$0x4] =	stream.linear.gather [hbm4b:s7+s4], $0x800, $0x38;
	[tilespmem:$0x1E000] =	vst v63  }
0x53: {  	_ = 	snop  }
0x54: {  	[tilespmem:s23], [sflag:$0x1] =	stream.indirect.gather [hbm4b:s1+s30], $0x80, s4, s30, $0xb8;
	[tilespmem:$0x1E000] =	vst v63  }
0x55: {  	_ = 	snop  }
0x56: {  	[tilespmem:s31], [sflag:$0x2] =	stream.indirect.gather [hbm4b:s1+s30], $0x80, s30, s30, $0xb8;
	[tilespmem:$0x1E000] =	vst v63  }
0x57: {  	_ =	swait.ge [sflag:s0], $0x4000  }
0x58: {  	[sflag:s0] =	ssyncset.done $0x0  }
0x59: {  	[sflag:s0] =	ssyncadd.s32 $0xFFFFC000  }
0x5a: {  	[spmem:s2] =	stream.indirect.scatter.add.f32 [tilespmem:s23], [sflag:$0x5], $0x80, s3, s30, $0xb8;
	[tilespmem:$0x1E000] =	vst v63  }
0x5b: {  	_ =	swait.ge [sflag:s24], $0x4000  }
0x5c: {  	[sflag:s24] =	ssyncset.done $0x0  }
0x5d: {  	s7 =	simm.s32 $0x100;
	[sflag:s24] =	ssyncadd.s32 $0xFFFFC000  }
0x5e: {  	[tilespmem:s23], [sflag:$0x1] =	stream.indirect.gather [hbm4b:s1+s30], $0x80, s7, s30, $0xb8;
	[tilespmem:$0x1E000] =	vst v63  }
0x5f: {  	_ =	swait.ge [sflag:s6], $0x4000  }
0x60: {  	[sflag:s6] =	ssyncset.done $0x0  }
0x61: {  	s20 =	simm.s32 $0x1080;
	[sflag:s6] =	ssyncadd.s32 $0xFFFFC000  }
0x62: {  	[spmem:s2] =	stream.indirect.scatter.add.f32 [tilespmem:s31], [sflag:$0x5], $0x80, s20, s30, $0xb8;
	[tilespmem:$0x1E000] =	vst v63  }
0x63: {  	_ =	swait.ge [sflag:s24], $0x4000  }
0x64: {  	[sflag:s24] =	ssyncset.done $0x0  }
0x65: {  	s21 =	simm.s32 $0x180;
	[sflag:s24] =	ssyncadd.s32 $0xFFFFC000  }
0x66: {  	[tilespmem:s31], [sflag:$0x2] =	stream.indirect.gather [hbm4b:s1+s30], $0x80, s21, s30, $0xb8;
	[tilespmem:$0x1E000] =	vst v63  }
0x67: {  	_ =	swait.ge [sflag:s0], $0x4000  }
0x68: {  	[sflag:s0] =	ssyncset.done $0x0  }
0x69: {  	s22 =	simm.s32 $0x1100;
	[sflag:s0] =	ssyncadd.s32 $0xFFFFC000  }
0x6a: {  	[spmem:s2] =	stream.indirect.scatter.add.f32 [tilespmem:s23], [sflag:$0x5], $0x80, s22, s30, $0xb8;
	[tilespmem:$0x1E000] =	vst v63  }
0x6b: {  	_ =	swait.ge [sflag:s24], $0x4000  }
0x6c: {  	[sflag:s24] =	ssyncset.done $0x0  }
0x6d: {  	s20 =	simm.s32 $0x200;
	[sflag:s24] =	ssyncadd.s32 $0xFFFFC000  }
0x6e: {  	[tilespmem:s23], [sflag:$0x1] =	stream.indirect.gather [hbm4b:s1+s30], $0x80, s20, s30, $0xb8;
	[tilespmem:$0x1E000] =	vst v63  }
0x6f: {  	_ =	swait.ge [sflag:s6], $0x4000  }
0x70: {  	[sflag:s6] =	ssyncset.done $0x0  }
0x71: {  	s21 =	simm.s32 $0x1180;
	[sflag:s6] =	ssyncadd.s32 $0xFFFFC000  }
0x72: {  	[spmem:s2] =	stream.indirect.scatter.add.f32 [tilespmem:s31], [sflag:$0x5], $0x80, s21, s30, $0xb8;
	[tilespmem:$0x1E000] =	vst v63  }
0x73: {  	_ =	swait.ge [sflag:s24], $0x4000  }
0x74: {  	[sflag:s24] =	ssyncset.done $0x0  }
0x75: {  	s22 =	simm.s32 $0x280;
	[sflag:s24] =	ssyncadd.s32 $0xFFFFC000  }
0x76: {  	[tilespmem:s31], [sflag:$0x2] =	stream.indirect.gather [hbm4b:s1+s30], $0x80, s22, s30, $0xb8;
	[tilespmem:$0x1E000] =	vst v63  }
0x77: {  	_ =	swait.ge [sflag:s0], $0x4000  }
0x78: {  	[sflag:s0] =	ssyncset.done $0x0  }
0x79: {  	s20 =	simm.s32 $0x1200;
	[sflag:s0] =	ssyncadd.s32 $0xFFFFC000  }
0x7a: {  	[spmem:s2] =	stream.indirect.scatter.add.f32 [tilespmem:s23], [sflag:$0x5], $0x80, s20, s30, $0xb8;
	[tilespmem:$0x1E000] =	vst v63  }
0x7b: {  	_ =	swait.ge [sflag:s24], $0x4000  }
0x7c: {  	[sflag:s24] =	ssyncset.done $0x0  }
0x7d: {  	s21 =	simm.s32 $0x300;
	[sflag:s24] =	ssyncadd.s32 $0xFFFFC000  }
0x7e: {  	[tilespmem:s23], [sflag:$0x1] =	stream.indirect.gather [hbm4b:s1+s30], $0x80, s21, s30, $0xb8;
	[tilespmem:$0x1E000] =	vst v63  }
0x7f: {  	_ =	swait.ge [sflag:s6], $0x4000  }
0x80: {  	[sflag:s6] =	ssyncset.done $0x0  }
0x81: {  	s22 =	simm.s32 $0x1280;
	[sflag:s6] =	ssyncadd.s32 $0xFFFFC000  }
0x82: {  	[spmem:s2] =	stream.indirect.scatter.add.f32 [tilespmem:s31], [sflag:$0x5], $0x80, s22, s30, $0xb8;
	[tilespmem:$0x1E000] =	vst v63  }
0x83: {  	_ =	swait.ge [sflag:s24], $0x4000  }
0x84: {  	[sflag:s24] =	ssyncset.done $0x0  }
0x85: {  	s20 =	simm.s32 $0x380;
	[sflag:s24] =	ssyncadd.s32 $0xFFFFC000  }
0x86: {  	[tilespmem:s31], [sflag:$0x2] =	stream.indirect.gather [hbm4b:s1+s30], $0x80, s20, s30, $0xb8;
	[tilespmem:$0x1E000] =	vst v63  }
0x87: {  	_ =	swait.ge [sflag:s0], $0x4000  }
0x88: {  	[sflag:s0] =	ssyncset.done $0x0  }
0x89: {  	s21 =	simm.s32 $0x1300;
	[sflag:s0] =	ssyncadd.s32 $0xFFFFC000  }
0x8a: {  	[spmem:s2] =	stream.indirect.scatter.add.f32 [tilespmem:s23], [sflag:$0x5], $0x80, s21, s30, $0xb8;
	[tilespmem:$0x1E000] =	vst v63  }
0x8b: {  	_ =	swait.ge [sflag:s24], $0x4000  }
0x8c: {  	[sflag:s24] =	ssyncset.done $0x0  }
0x8d: {  	s22 =	simm.s32 $0x400;
	[sflag:s24] =	ssyncadd.s32 $0xFFFFC000  }
0x8e: {  	[tilespmem:s23], [sflag:$0x1] =	stream.indirect.gather [hbm4b:s1+s30], $0x80, s22, s30, $0xb8;
	[tilespmem:$0x1E000] =	vst v63  }
0x8f: {  	_ =	swait.ge [sflag:s6], $0x4000  }
0x90: {  	[sflag:s6] =	ssyncset.done $0x0  }
0x91: {  	s20 =	simm.s32 $0x1380;
	[sflag:s6] =	ssyncadd.s32 $0xFFFFC000  }
0x92: {  	[spmem:s2] =	stream.indirect.scatter.add.f32 [tilespmem:s31], [sflag:$0x5], $0x80, s20, s30, $0xb8;
	[tilespmem:$0x1E000] =	vst v63  }
0x93: {  	_ =	swait.ge [sflag:s24], $0x4000  }
0x94: {  	[sflag:s24] =	ssyncset.done $0x0  }
0x95: {  	s21 =	simm.s32 $0x480;
	[sflag:s24] =	ssyncadd.s32 $0xFFFFC000  }
0x96: {  	[tilespmem:s31], [sflag:$0x2] =	stream.indirect.gather [hbm4b:s1+s30], $0x80, s21, s30, $0xb8;
	[tilespmem:$0x1E000] =	vst v63  }
0x97: {  	_ =	swait.ge [sflag:s0], $0x4000  }
0x98: {  	[sflag:s0] =	ssyncset.done $0x0  }
0x99: {  	s22 =	simm.s32 $0x1400;
	[sflag:s0] =	ssyncadd.s32 $0xFFFFC000  }
0x9a: {  	[spmem:s2] =	stream.indirect.scatter.add.f32 [tilespmem:s23], [sflag:$0x5], $0x80, s22, s30, $0xb8;
	[tilespmem:$0x1E000] =	vst v63  }
0x9b: {  	_ =	swait.ge [sflag:s24], $0x4000  }
0x9c: {  	[sflag:s24] =	ssyncset.done $0x0  }
0x9d: {  	s20 =	simm.s32 $0x500;
	[sflag:s24] =	ssyncadd.s32 $0xFFFFC000  }
0x9e: {  	[tilespmem:s23], [sflag:$0x1] =	stream.indirect.gather [hbm4b:s1+s30], $0x80, s20, s30, $0xb8;
	[tilespmem:$0x1E000] =	vst v63  }
0x9f: {  	_ =	swait.ge [sflag:s6], $0x4000  }
0xa0: {  	[sflag:s6] =	ssyncset.done $0x0  }
0xa1: {  	s21 =	simm.s32 $0x1480;
	[sflag:s6] =	ssyncadd.s32 $0xFFFFC000  }
0xa2: {  	[spmem:s2] =	stream.indirect.scatter.add.f32 [tilespmem:s31], [sflag:$0x5], $0x80, s21, s30, $0xb8;
	[tilespmem:$0x1E000] =	vst v63  }
0xa3: {  	_ =	swait.ge [sflag:s24], $0x4000  }
0xa4: {  	[sflag:s24] =	ssyncset.done $0x0  }
0xa5: {  	s22 =	simm.s32 $0x580;
	[sflag:s24] =	ssyncadd.s32 $0xFFFFC000  }
0xa6: {  	[tilespmem:s31], [sflag:$0x2] =	stream.indirect.gather [hbm4b:s1+s30], $0x80, s22, s30, $0xb8;
	[tilespmem:$0x1E000] =	vst v63  }
0xa7: {  	_ =	swait.ge [sflag:s0], $0x4000  }
0xa8: {  	[sflag:s0] =	ssyncset.done $0x0  }
0xa9: {  	s20 =	simm.s32 $0x1500;
	[sflag:s0] =	ssyncadd.s32 $0xFFFFC000  }
0xaa: {  	[spmem:s2] =	stream.indirect.scatter.add.f32 [tilespmem:s23], [sflag:$0x5], $0x80, s20, s30, $0xb8;
	[tilespmem:$0x1E000] =	vst v63  }
0xab: {  	_ =	swait.ge [sflag:s24], $0x4000  }
0xac: {  	[sflag:s24] =	ssyncset.done $0x0  }
0xad: {  	s21 =	simm.s32 $0x600;
	[sflag:s24] =	ssyncadd.s32 $0xFFFFC000  }
0xae: {  	[tilespmem:s23], [sflag:$0x1] =	stream.indirect.gather [hbm4b:s1+s30], $0x80, s21, s30, $0xb8;
	[tilespmem:$0x1E000] =	vst v63  }
0xaf: {  	_ =	swait.ge [sflag:s6], $0x4000  }
0xb0: {  	[sflag:s6] =	ssyncset.done $0x0  }
0xb1: {  	s22 =	simm.s32 $0x1580;
	[sflag:s6] =	ssyncadd.s32 $0xFFFFC000  }
0xb2: {  	[spmem:s2] =	stream.indirect.scatter.add.f32 [tilespmem:s31], [sflag:$0x5], $0x80, s22, s30, $0xb8;
	[tilespmem:$0x1E000] =	vst v63  }
0xb3: {  	_ =	swait.ge [sflag:s24], $0x4000  }
0xb4: {  	[sflag:s24] =	ssyncset.done $0x0  }
0xb5: {  	s20 =	simm.s32 $0x680;
	[sflag:s24] =	ssyncadd.s32 $0xFFFFC000  }
0xb6: {  	[tilespmem:s31], [sflag:$0x2] =	stream.indirect.gather [hbm4b:s1+s30], $0x80, s20, s30, $0xb8;
	[tilespmem:$0x1E000] =	vst v63  }
0xb7: {  	_ =	swait.ge [sflag:s0], $0x4000  }
0xb8: {  	[sflag:s0] =	ssyncset.done $0x0  }
0xb9: {  	s21 =	simm.s32 $0x1600;
	[sflag:s0] =	ssyncadd.s32 $0xFFFFC000  }
0xba: {  	[spmem:s2] =	stream.indirect.scatter.add.f32 [tilespmem:s23], [sflag:$0x5], $0x80, s21, s30, $0xb8;
	[tilespmem:$0x1E000] =	vst v63  }
0xbb: {  	_ =	swait.ge [sflag:s24], $0x4000  }
0xbc: {  	[sflag:s24] =	ssyncset.done $0x0  }
0xbd: {  	s22 =	simm.s32 $0x700;
	[sflag:s24] =	ssyncadd.s32 $0xFFFFC000  }
0xbe: {  	[tilespmem:s23], [sflag:$0x1] =	stream.indirect.gather [hbm4b:s1+s30], $0x80, s22, s30, $0xb8;
	[tilespmem:$0x1E000] =	vst v63  }
0xbf: {  	_ =	swait.ge [sflag:s6], $0x4000  }
0xc0: {  	[sflag:s6] =	ssyncset.done $0x0  }
0xc1: {  	s20 =	simm.s32 $0x1680;
	[sflag:s6] =	ssyncadd.s32 $0xFFFFC000  }
0xc2: {  	[spmem:s2] =	stream.indirect.scatter.add.f32 [tilespmem:s31], [sflag:$0x5], $0x80, s20, s30, $0xb8;
	[tilespmem:$0x1E000] =	vst v63  }
0xc3: {  	_ =	swait.ge [sflag:s24], $0x4000  }
0xc4: {  	[sflag:s24] =	ssyncset.done $0x0  }
0xc5: {  	s21 =	simm.s32 $0x780;
	[sflag:s24] =	ssyncadd.s32 $0xFFFFC000  }
0xc6: {  	[tilespmem:s31], [sflag:$0x2] =	stream.indirect.gather [hbm4b:s1+s30], $0x80, s21, s30, $0xb8;
	[tilespmem:$0x1E000] =	vst v63  }
0xc7: {  	_ =	swait.ge [sflag:s0], $0x4000  }
0xc8: {  	[sflag:s0] =	ssyncset.done $0x0  }
0xc9: {  	s22 =	simm.s32 $0x1700;
	[sflag:s0] =	ssyncadd.s32 $0xFFFFC000  }
0xca: {  	[spmem:s2] =	stream.indirect.scatter.add.f32 [tilespmem:s23], [sflag:$0x5], $0x80, s22, s30, $0xb8;
	[tilespmem:$0x1E000] =	vst v63  }
0xcb: {  	_ =	swait.ge [sflag:s24], $0x4000  }
0xcc: {  	[sflag:s24] =	ssyncset.done $0x0  }
0xcd: {  	[sflag:s24] =	ssyncadd.s32 $0xFFFFC000  }
0xce: {  	_ =	swait.ge [sflag:s16], $0x800  }
0xcf: {  	[sflag:s16] =	ssyncset.done $0x0  }
0xd0: {  	[sflag:s16] =	ssyncadd.s32 $0xFFFFF800  }
0xd1: {  	_ =	swait.ge [sflag:s17], $0x800  }
0xd2: {  	[sflag:s17] =	ssyncset.done $0x0  }
0xd3: {  	[sflag:s17] =	ssyncadd.s32 $0xFFFFF800  }
0xd4: {  	[tilespmem:s23], [sflag:$0x1] =	stream.indirect.gather [hbm4b:s1+s30], $0x80, s29, s30, $0xb8;
	[tilespmem:$0x1E000] =	vst v63  }
0xd5: {  	_ =	swait.ge [sflag:s6], $0x4000  }
0xd6: {  	[sflag:s6] =	ssyncset.done $0x0  }
0xd7: {  	s20 =	simm.s32 $0x1780;
	[sflag:s6] =	ssyncadd.s32 $0xFFFFC000  }
0xd8: {  	[spmem:s2] =	stream.indirect.scatter.add.f32 [tilespmem:s31], [sflag:$0x5], $0x80, s20, s30, $0xb8;
	[tilespmem:$0x1E000] =	vst v63  }
0xd9: {  	_ =	swait.ge [sflag:s24], $0x4000  }
0xda: {  	[sflag:s24] =	ssyncset.done $0x0  }
0xdb: {  	s21 =	rddreg [dreg:$0x8];
	[sflag:s24] =	ssyncadd.s32 $0xFFFFC000  }
0xdc: {  	[tilespmem:s4], [sflag:$0x3] =	stream.linear.gather [hbm4b:s21+s4], $0x800, $0x38;
	[tilespmem:$0x1E000] =	vst v63  }
0xdd: {  	s22 =	rddreg [dreg:$0x9]  }
0xde: {  	[tilespmem:s3], [sflag:$0x4] =	stream.linear.gather [hbm4b:s22+s4], $0x800, $0x38;
	[tilespmem:$0x1E000] =	vst v63  }
0xdf: {  	_ = 	snop  }
0xe0: {  	[tilespmem:s31], [sflag:$0x2] =	stream.indirect.gather [hbm4b:s1+s30], $0x80, s26, s30, $0xb8;
	[tilespmem:$0x1E000] =	vst v63  }
0xe1: {  	_ =	swait.ge [sflag:s0], $0x4000  }
0xe2: {  	[sflag:s0] =	ssyncset.done $0x0  }
0xe3: {  	[sflag:s0] =	ssyncadd.s32 $0xFFFFC000  }
0xe4: {  	[spmem:s2] =	stream.indirect.scatter.add.f32 [tilespmem:s23], [sflag:$0x5], $0x80, s5, s30, $0xb8;
	[tilespmem:$0x1E000] =	vst v63  }
0xe5: {  	_ =	swait.ge [sflag:s24], $0x4000  }
0xe6: {  	[sflag:s24] =	ssyncset.done $0x0  }
0xe7: {  	[sflag:s24] =	ssyncadd.s32 $0xFFFFC000  }
0xe8: {  	[tilespmem:s23], [sflag:$0x1] =	stream.indirect.gather [hbm4b:s1+s30], $0x80, s8, s30, $0xb8;
	[tilespmem:$0x1E000] =	vst v63  }
0xe9: {  	_ =	swait.ge [sflag:s6], $0x4000  }
0xea: {  	[sflag:s6] =	ssyncset.done $0x0  }
0xeb: {  	[sflag:s6] =	ssyncadd.s32 $0xFFFFC000  }
0xec: {  	[spmem:s2] =	stream.indirect.scatter.add.f32 [tilespmem:s31], [sflag:$0x5], $0x80, s9, s30, $0xb8;
	[tilespmem:$0x1E000] =	vst v63  }
0xed: {  	_ =	swait.ge [sflag:s24], $0x4000  }
0xee: {  	[sflag:s24] =	ssyncset.done $0x0  }
0xef: {  	[sflag:s24] =	ssyncadd.s32 $0xFFFFC000  }
0xf0: {  	[tilespmem:s31], [sflag:$0x2] =	stream.indirect.gather [hbm4b:s1+s30], $0x80, s10, s30, $0xb8;
	[tilespmem:$0x1E000] =	vst v63  }
0xf1: {  	_ =	swait.ge [sflag:s0], $0x4000  }
0xf2: {  	[sflag:s0] =	ssyncset.done $0x0  }
0xf3: {  	[sflag:s0] =	ssyncadd.s32 $0xFFFFC000  }
0xf4: {  	[spmem:s2] =	stream.indirect.scatter.add.f32 [tilespmem:s23], [sflag:$0x5], $0x80, s11, s30, $0xb8;
	[tilespmem:$0x1E000] =	vst v63  }
0xf5: {  	_ =	swait.ge [sflag:s24], $0x4000  }
0xf6: {  	[sflag:s24] =	ssyncset.done $0x0  }
0xf7: {  	[sflag:s24] =	ssyncadd.s32 $0xFFFFC000  }
0xf8: {  	[tilespmem:s23], [sflag:$0x1] =	stream.indirect.gather [hbm4b:s1+s30], $0x80, s12, s30, $0xb8;
	[tilespmem:$0x1E000] =	vst v63  }
0xf9: {  	_ =	swait.ge [sflag:s6], $0x4000  }
0xfa: {  	[sflag:s6] =	ssyncset.done $0x0  }
0xfb: {  	[sflag:s6] =	ssyncadd.s32 $0xFFFFC000  }
0xfc: {  	[spmem:s2] =	stream.indirect.scatter.add.f32 [tilespmem:s31], [sflag:$0x5], $0x80, s13, s30, $0xb8;
	[tilespmem:$0x1E000] =	vst v63  }
0xfd: {  	_ =	swait.ge [sflag:s24], $0x4000  }
0xfe: {  	[sflag:s24] =	ssyncset.done $0x0  }
0xff: {  	[sflag:s24] =	ssyncadd.s32 $0xFFFFC000  }
0x100: {  	[tilespmem:s31], [sflag:$0x2] =	stream.indirect.gather [hbm4b:s1+s30], $0x80, s14, s30, $0xb8;
	[tilespmem:$0x1E000] =	vst v63  }
0x101: {  	_ =	swait.ge [sflag:s0], $0x4000  }
0x102: {  	[sflag:s0] =	ssyncset.done $0x0  }
0x103: {  	[sflag:s0] =	ssyncadd.s32 $0xFFFFC000  }
0x104: {  	[spmem:s2] =	stream.indirect.scatter.add.f32 [tilespmem:s23], [sflag:$0x5], $0x80, s15, s30, $0xb8;
	[tilespmem:$0x1E000] =	vst v63  }
0x105: {  	_ =	swait.ge [sflag:s24], $0x4000  }
0x106: {  	[sflag:s24] =	ssyncset.done $0x0  }
0x107: {  	[sflag:s24] =	ssyncadd.s32 $0xFFFFC000  }
0x108: {  	[tilespmem:s23], [sflag:$0x1] =	stream.indirect.gather [hbm4b:s1+s30], $0x80, s18, s30, $0xb8;
	[tilespmem:$0x1E000] =	vst v63  }
0x109: {  	_ =	swait.ge [sflag:s6], $0x4000  }
0x10a: {  	[sflag:s6] =	ssyncset.done $0x0  }
0x10b: {  	[sflag:s6] =	ssyncadd.s32 $0xFFFFC000  }
0x10c: {  	[spmem:s2] =	stream.indirect.scatter.add.f32 [tilespmem:s31], [sflag:$0x5], $0x80, s25, s30, $0xb8;
	[tilespmem:$0x1E000] =	vst v63  }
0x10d: {  	_ =	swait.ge [sflag:s24], $0x4000  }
0x10e: {  	[sflag:s24] =	ssyncset.done $0x0  }
0x10f: {  	[sflag:s24] =	ssyncadd.s32 $0xFFFFC000  }
0x110: {  	[tilespmem:s31], [sflag:$0x2] =	stream.indirect.gather [hbm4b:s1+s30], $0x80, s28, s30, $0xb8;
	[tilespmem:$0x1E000] =	vst v63  }
0x111: {  	_ =	swait.ge [sflag:s0], $0x4000  }
0x112: {  	[sflag:s0] =	ssyncset.done $0x0  }
0x113: {  	s7 =	simm.s32 $0x1B00;
	[sflag:s0] =	ssyncadd.s32 $0xFFFFC000  }
0x114: {  	[spmem:s2] =	stream.indirect.scatter.add.f32 [tilespmem:s23], [sflag:$0x5], $0x80, s7, s30, $0xb8;
	[tilespmem:$0x1E000] =	vst v63  }
0x115: {  	_ =	swait.ge [sflag:s24], $0x4000  }
0x116: {  	[sflag:s24] =	ssyncset.done $0x0  }
0x117: {  	s21 =	simm.s32 $0xC00;
	[sflag:s24] =	ssyncadd.s32 $0xFFFFC000  }
0x118: {  	[tilespmem:s23], [sflag:$0x1] =	stream.indirect.gather [hbm4b:s1+s30], $0x80, s21, s30, $0xb8;
	[tilespmem:$0x1E000] =	vst v63  }
0x119: {  	_ =	swait.ge [sflag:s6], $0x4000  }
0x11a: {  	[sflag:s6] =	ssyncset.done $0x0  }
0x11b: {  	s22 =	simm.s32 $0x1B80;
	[sflag:s6] =	ssyncadd.s32 $0xFFFFC000  }
0x11c: {  	[spmem:s2] =	stream.indirect.scatter.add.f32 [tilespmem:s31], [sflag:$0x5], $0x80, s22, s30, $0xb8;
	[tilespmem:$0x1E000] =	vst v63  }
0x11d: {  	_ =	swait.ge [sflag:s24], $0x4000  }
0x11e: {  	[sflag:s24] =	ssyncset.done $0x0  }
0x11f: {  	s20 =	simm.s32 $0xC80;
	[sflag:s24] =	ssyncadd.s32 $0xFFFFC000  }
0x120: {  	[tilespmem:s31], [sflag:$0x2] =	stream.indirect.gather [hbm4b:s1+s30], $0x80, s20, s30, $0xb8;
	[tilespmem:$0x1E000] =	vst v63  }
0x121: {  	_ =	swait.ge [sflag:s0], $0x4000  }
0x122: {  	[sflag:s0] =	ssyncset.done $0x0  }
0x123: {  	s20 =	simm.s32 $0x1C00;
	[sflag:s0] =	ssyncadd.s32 $0xFFFFC000  }
0x124: {  	[spmem:s2] =	stream.indirect.scatter.add.f32 [tilespmem:s23], [sflag:$0x5], $0x80, s20, s30, $0xb8;
	[tilespmem:$0x1E000] =	vst v63  }
0x125: {  	_ =	swait.ge [sflag:s24], $0x4000  }
0x126: {  	[sflag:s24] =	ssyncset.done $0x0  }
0x127: {  	s20 =	simm.s32 $0xD00;
	[sflag:s24] =	ssyncadd.s32 $0xFFFFC000  }
0x128: {  	[tilespmem:s23], [sflag:$0x1] =	stream.indirect.gather [hbm4b:s1+s30], $0x80, s20, s30, $0xb8;
	[tilespmem:$0x1E000] =	vst v63  }
0x129: {  	_ =	swait.ge [sflag:s6], $0x4000  }
0x12a: {  	[sflag:s6] =	ssyncset.done $0x0  }
0x12b: {  	s20 =	simm.s32 $0x1C80;
	[sflag:s6] =	ssyncadd.s32 $0xFFFFC000  }
0x12c: {  	[spmem:s2] =	stream.indirect.scatter.add.f32 [tilespmem:s31], [sflag:$0x5], $0x80, s20, s30, $0xb8;
	[tilespmem:$0x1E000] =	vst v63  }
0x12d: {  	_ =	swait.ge [sflag:s24], $0x4000  }
0x12e: {  	[sflag:s24] =	ssyncset.done $0x0  }
0x12f: {  	s20 =	simm.s32 $0xD80;
	[sflag:s24] =	ssyncadd.s32 $0xFFFFC000  }
0x130: {  	[tilespmem:s31], [sflag:$0x2] =	stream.indirect.gather [hbm4b:s1+s30], $0x80, s20, s30, $0xb8;
	[tilespmem:$0x1E000] =	vst v63  }
0x131: {  	_ =	swait.ge [sflag:s0], $0x4000  }
0x132: {  	[sflag:s0] =	ssyncset.done $0x0  }
0x133: {  	s20 =	simm.s32 $0x1D00;
	[sflag:s0] =	ssyncadd.s32 $0xFFFFC000  }
0x134: {  	[spmem:s2] =	stream.indirect.scatter.add.f32 [tilespmem:s23], [sflag:$0x5], $0x80, s20, s30, $0xb8;
	[tilespmem:$0x1E000] =	vst v63  }
0x135: {  	_ =	swait.ge [sflag:s24], $0x4000  }
0x136: {  	[sflag:s24] =	ssyncset.done $0x0  }
0x137: {  	s20 =	simm.s32 $0xE00;
	[sflag:s24] =	ssyncadd.s32 $0xFFFFC000  }
0x138: {  	[tilespmem:s23], [sflag:$0x1] =	stream.indirect.gather [hbm4b:s1+s30], $0x80, s20, s30, $0xb8;
	[tilespmem:$0x1E000] =	vst v63  }
0x139: {  	_ =	swait.ge [sflag:s6], $0x4000  }
0x13a: {  	[sflag:s6] =	ssyncset.done $0x0  }
0x13b: {  	s20 =	simm.s32 $0x1D80;
	[sflag:s6] =	ssyncadd.s32 $0xFFFFC000  }
0x13c: {  	[spmem:s2] =	stream.indirect.scatter.add.f32 [tilespmem:s31], [sflag:$0x5], $0x80, s20, s30, $0xb8;
	[tilespmem:$0x1E000] =	vst v63  }
0x13d: {  	_ =	swait.ge [sflag:s24], $0x4000  }
0x13e: {  	[sflag:s24] =	ssyncset.done $0x0  }
0x13f: {  	s20 =	simm.s32 $0xE80;
	[sflag:s24] =	ssyncadd.s32 $0xFFFFC000  }
0x140: {  	[tilespmem:s31], [sflag:$0x2] =	stream.indirect.gather [hbm4b:s1+s30], $0x80, s20, s30, $0xb8;
	[tilespmem:$0x1E000] =	vst v63  }
0x141: {  	_ =	swait.ge [sflag:s0], $0x4000  }
0x142: {  	[sflag:s0] =	ssyncset.done $0x0  }
0x143: {  	s20 =	simm.s32 $0x1E00;
	[sflag:s0] =	ssyncadd.s32 $0xFFFFC000  }
0x144: {  	[spmem:s2] =	stream.indirect.scatter.add.f32 [tilespmem:s23], [sflag:$0x5], $0x80, s20, s30, $0xb8;
	[tilespmem:$0x1E000] =	vst v63  }
0x145: {  	_ =	swait.ge [sflag:s24], $0x4000  }
0x146: {  	[sflag:s24] =	ssyncset.done $0x0  }
0x147: {  	s20 =	simm.s32 $0xF00;
	[sflag:s24] =	ssyncadd.s32 $0xFFFFC000  }
0x148: {  	[tilespmem:s23], [sflag:$0x1] =	stream.indirect.gather [hbm4b:s1+s30], $0x80, s20, s30, $0xb8;
	[tilespmem:$0x1E000] =	vst v63  }
0x149: {  	_ =	swait.ge [sflag:s6], $0x4000  }
0x14a: {  	[sflag:s6] =	ssyncset.done $0x0  }
0x14b: {  	s20 =	simm.s32 $0x1E80;
	[sflag:s6] =	ssyncadd.s32 $0xFFFFC000  }
0x14c: {  	[spmem:s2] =	stream.indirect.scatter.add.f32 [tilespmem:s31], [sflag:$0x5], $0x80, s20, s30, $0xb8;
	[tilespmem:$0x1E000] =	vst v63  }
0x14d: {  	_ =	swait.ge [sflag:s24], $0x4000  }
0x14e: {  	[sflag:s24] =	ssyncset.done $0x0  }
0x14f: {  	s20 =	simm.s32 $0xF80;
	[sflag:s24] =	ssyncadd.s32 $0xFFFFC000  }
0x150: {  	[tilespmem:s31], [sflag:$0x2] =	stream.indirect.gather [hbm4b:s1+s30], $0x80, s20, s30, $0xb8;
	[tilespmem:$0x1E000] =	vst v63  }
0x151: {  	_ =	swait.ge [sflag:s0], $0x4000  }
0x152: {  	[sflag:s0] =	ssyncset.done $0x0  }
0x153: {  	s20 =	simm.s32 $0x1F00;
	[sflag:s0] =	ssyncadd.s32 $0xFFFFC000  }
0x154: {  	[spmem:s2] =	stream.indirect.scatter.add.f32 [tilespmem:s23], [sflag:$0x5], $0x80, s20, s30, $0xb8;
	[tilespmem:$0x1E000] =	vst v63  }
0x155: {  	_ =	swait.ge [sflag:s24], $0x4000  }
0x156: {  	[sflag:s24] =	ssyncset.done $0x0  }
0x157: {  	[sflag:s24] =	ssyncadd.s32 $0xFFFFC000  }
0x158: {  	_ =	swait.ge [sflag:s16], $0x800  }
0x159: {  	[sflag:s16] =	ssyncset.done $0x0  }
0x15a: {  	[sflag:s16] =	ssyncadd.s32 $0xFFFFF800  }
0x15b: {  	_ =	swait.ge [sflag:s17], $0x800  }
0x15c: {  	[sflag:s17] =	ssyncset.done $0x0  }
0x15d: {  	[sflag:s17] =	ssyncadd.s32 $0xFFFFF800  }
0x15e: {  	[tilespmem:s23], [sflag:$0x1] =	stream.indirect.gather [hbm4b:s1+s30], $0x80, s4, s30, $0xb8;
	[tilespmem:$0x1E000] =	vst v63  }
0x15f: {  	_ =	swait.ge [sflag:s6], $0x4000  }
0x160: {  	[sflag:s6] =	ssyncset.done $0x0  }
0x161: {  	s20 =	simm.s32 $0x1F80;
	[sflag:s6] =	ssyncadd.s32 $0xFFFFC000  }
0x162: {  	[spmem:s2] =	stream.indirect.scatter.add.f32 [tilespmem:s31], [sflag:$0x5], $0x80, s20, s30, $0xb8;
	[tilespmem:$0x1E000] =	vst v63  }
0x163: {  	_ =	swait.ge [sflag:s24], $0x4000  }
0x164: {  	[sflag:s24] =	ssyncset.done $0x0  }
0x165: {  	s20 =	rddreg [dreg:$0xa];
	[sflag:s24] =	ssyncadd.s32 $0xFFFFC000  }
0x166: {  	[tilespmem:s29], [sflag:$0x3] =	stream.linear.gather [hbm4b:s20+s4], $0x800, $0x38;
	[tilespmem:$0x1E000] =	vst v63  }
0x167: {  	s20 =	rddreg [dreg:$0xb]  }
0x168: {  	[tilespmem:s5], [sflag:$0x4] =	stream.linear.gather [hbm4b:s20+s4], $0x800, $0x38;
	[tilespmem:$0x1E000] =	vst v63  }
0x169: {  	_ = 	snop  }
0x16a: {  	[tilespmem:s31], [sflag:$0x2] =	stream.indirect.gather [hbm4b:s1+s30], $0x80, s30, s30, $0xb8;
	[tilespmem:$0x1E000] =	vst v63  }
0x16b: {  	_ =	swait.ge [sflag:s0], $0x4000  }
0x16c: {  	[sflag:s0] =	ssyncset.done $0x0  }
0x16d: {  	[sflag:s0] =	ssyncadd.s32 $0xFFFFC000  }
0x16e: {  	[spmem:s2] =	stream.indirect.scatter.add.f32 [tilespmem:s23], [sflag:$0x5], $0x80, s3, s30, $0xb8;
	[tilespmem:$0x1E000] =	vst v63  }
0x16f: {  	_ =	swait.ge [sflag:s24], $0x4000  }
0x170: {  	[sflag:s24] =	ssyncset.done $0x0  }
0x171: {  	s20 =	simm.s32 $0x100;
	[sflag:s24] =	ssyncadd.s32 $0xFFFFC000  }
0x172: {  	[tilespmem:s23], [sflag:$0x1] =	stream.indirect.gather [hbm4b:s1+s30], $0x80, s20, s30, $0xb8;
	[tilespmem:$0x1E000] =	vst v63  }
0x173: {  	_ =	swait.ge [sflag:s6], $0x4000  }
0x174: {  	[sflag:s6] =	ssyncset.done $0x0  }
0x175: {  	s20 =	simm.s32 $0x1080;
	[sflag:s6] =	ssyncadd.s32 $0xFFFFC000  }
0x176: {  	[spmem:s2] =	stream.indirect.scatter.add.f32 [tilespmem:s31], [sflag:$0x5], $0x80, s20, s30, $0xb8;
	[tilespmem:$0x1E000] =	vst v63  }
0x177: {  	_ =	swait.ge [sflag:s24], $0x4000  }
0x178: {  	[sflag:s24] =	ssyncset.done $0x0  }
0x179: {  	s20 =	simm.s32 $0x180;
	[sflag:s24] =	ssyncadd.s32 $0xFFFFC000  }
0x17a: {  	[tilespmem:s31], [sflag:$0x2] =	stream.indirect.gather [hbm4b:s1+s30], $0x80, s20, s30, $0xb8;
	[tilespmem:$0x1E000] =	vst v63  }
0x17b: {  	_ =	swait.ge [sflag:s0], $0x4000  }
0x17c: {  	[sflag:s0] =	ssyncset.done $0x0  }
0x17d: {  	s20 =	simm.s32 $0x1100;
	[sflag:s0] =	ssyncadd.s32 $0xFFFFC000  }
0x17e: {  	[spmem:s2] =	stream.indirect.scatter.add.f32 [tilespmem:s23], [sflag:$0x5], $0x80, s20, s30, $0xb8;
	[tilespmem:$0x1E000] =	vst v63  }
0x17f: {  	_ =	swait.ge [sflag:s24], $0x4000  }
0x180: {  	[sflag:s24] =	ssyncset.done $0x0  }
0x181: {  	s20 =	simm.s32 $0x200;
	[sflag:s24] =	ssyncadd.s32 $0xFFFFC000  }
0x182: {  	[tilespmem:s23], [sflag:$0x1] =	stream.indirect.gather [hbm4b:s1+s30], $0x80, s20, s30, $0xb8;
	[tilespmem:$0x1E000] =	vst v63  }
0x183: {  	_ =	swait.ge [sflag:s6], $0x4000  }
0x184: {  	[sflag:s6] =	ssyncset.done $0x0  }
0x185: {  	s20 =	simm.s32 $0x1180;
	[sflag:s6] =	ssyncadd.s32 $0xFFFFC000  }
0x186: {  	[spmem:s2] =	stream.indirect.scatter.add.f32 [tilespmem:s31], [sflag:$0x5], $0x80, s20, s30, $0xb8;
	[tilespmem:$0x1E000] =	vst v63  }
0x187: {  	_ =	swait.ge [sflag:s24], $0x4000  }
0x188: {  	[sflag:s24] =	ssyncset.done $0x0  }
0x189: {  	s20 =	simm.s32 $0x280;
	[sflag:s24] =	ssyncadd.s32 $0xFFFFC000  }
0x18a: {  	[tilespmem:s31], [sflag:$0x2] =	stream.indirect.gather [hbm4b:s1+s30], $0x80, s20, s30, $0xb8;
	[tilespmem:$0x1E000] =	vst v63  }
0x18b: {  	_ =	swait.ge [sflag:s0], $0x4000  }
0x18c: {  	[sflag:s0] =	ssyncset.done $0x0  }
0x18d: {  	s20 =	simm.s32 $0x1200;
	[sflag:s0] =	ssyncadd.s32 $0xFFFFC000  }
0x18e: {  	[spmem:s2] =	stream.indirect.scatter.add.f32 [tilespmem:s23], [sflag:$0x5], $0x80, s20, s30, $0xb8;
	[tilespmem:$0x1E000] =	vst v63  }
0x18f: {  	_ =	swait.ge [sflag:s24], $0x4000  }
0x190: {  	[sflag:s24] =	ssyncset.done $0x0  }
0x191: {  	s20 =	simm.s32 $0x300;
	[sflag:s24] =	ssyncadd.s32 $0xFFFFC000  }
0x192: {  	[tilespmem:s23], [sflag:$0x1] =	stream.indirect.gather [hbm4b:s1+s30], $0x80, s20, s30, $0xb8;
	[tilespmem:$0x1E000] =	vst v63  }
0x193: {  	_ =	swait.ge [sflag:s6], $0x4000  }
0x194: {  	[sflag:s6] =	ssyncset.done $0x0  }
0x195: {  	s20 =	simm.s32 $0x1280;
	[sflag:s6] =	ssyncadd.s32 $0xFFFFC000  }
0x196: {  	[spmem:s2] =	stream.indirect.scatter.add.f32 [tilespmem:s31], [sflag:$0x5], $0x80, s20, s30, $0xb8;
	[tilespmem:$0x1E000] =	vst v63  }
0x197: {  	_ =	swait.ge [sflag:s24], $0x4000  }
0x198: {  	[sflag:s24] =	ssyncset.done $0x0  }
0x199: {  	s20 =	simm.s32 $0x380;
	[sflag:s24] =	ssyncadd.s32 $0xFFFFC000  }
0x19a: {  	[tilespmem:s31], [sflag:$0x2] =	stream.indirect.gather [hbm4b:s1+s30], $0x80, s20, s30, $0xb8;
	[tilespmem:$0x1E000] =	vst v63  }
0x19b: {  	_ =	swait.ge [sflag:s0], $0x4000  }
0x19c: {  	[sflag:s0] =	ssyncset.done $0x0  }
0x19d: {  	s20 =	simm.s32 $0x1300;
	[sflag:s0] =	ssyncadd.s32 $0xFFFFC000  }
0x19e: {  	[spmem:s2] =	stream.indirect.scatter.add.f32 [tilespmem:s23], [sflag:$0x5], $0x80, s20, s30, $0xb8;
	[tilespmem:$0x1E000] =	vst v63  }
0x19f: {  	_ =	swait.ge [sflag:s24], $0x4000  }
0x1a0: {  	[sflag:s24] =	ssyncset.done $0x0  }
0x1a1: {  	s20 =	simm.s32 $0x400;
	[sflag:s24] =	ssyncadd.s32 $0xFFFFC000  }
0x1a2: {  	[tilespmem:s23], [sflag:$0x1] =	stream.indirect.gather [hbm4b:s1+s30], $0x80, s20, s30, $0xb8;
	[tilespmem:$0x1E000] =	vst v63  }
0x1a3: {  	_ =	swait.ge [sflag:s6], $0x4000  }
0x1a4: {  	[sflag:s6] =	ssyncset.done $0x0  }
0x1a5: {  	s20 =	simm.s32 $0x1380;
	[sflag:s6] =	ssyncadd.s32 $0xFFFFC000  }
0x1a6: {  	[spmem:s2] =	stream.indirect.scatter.add.f32 [tilespmem:s31], [sflag:$0x5], $0x80, s20, s30, $0xb8;
	[tilespmem:$0x1E000] =	vst v63  }
0x1a7: {  	_ =	swait.ge [sflag:s24], $0x4000  }
0x1a8: {  	[sflag:s24] =	ssyncset.done $0x0  }
0x1a9: {  	s20 =	simm.s32 $0x480;
	[sflag:s24] =	ssyncadd.s32 $0xFFFFC000  }
0x1aa: {  	[tilespmem:s31], [sflag:$0x2] =	stream.indirect.gather [hbm4b:s1+s30], $0x80, s20, s30, $0xb8;
	[tilespmem:$0x1E000] =	vst v63  }
0x1ab: {  	_ =	swait.ge [sflag:s0], $0x4000  }
0x1ac: {  	[sflag:s0] =	ssyncset.done $0x0  }
0x1ad: {  	s20 =	simm.s32 $0x1400;
	[sflag:s0] =	ssyncadd.s32 $0xFFFFC000  }
0x1ae: {  	[spmem:s2] =	stream.indirect.scatter.add.f32 [tilespmem:s23], [sflag:$0x5], $0x80, s20, s30, $0xb8;
	[tilespmem:$0x1E000] =	vst v63  }
0x1af: {  	_ =	swait.ge [sflag:s24], $0x4000  }
0x1b0: {  	[sflag:s24] =	ssyncset.done $0x0  }
0x1b1: {  	s20 =	simm.s32 $0x500;
	[sflag:s24] =	ssyncadd.s32 $0xFFFFC000  }
0x1b2: {  	[tilespmem:s23], [sflag:$0x1] =	stream.indirect.gather [hbm4b:s1+s30], $0x80, s20, s30, $0xb8;
	[tilespmem:$0x1E000] =	vst v63  }
0x1b3: {  	_ =	swait.ge [sflag:s6], $0x4000  }
0x1b4: {  	[sflag:s6] =	ssyncset.done $0x0  }
0x1b5: {  	s20 =	simm.s32 $0x1480;
	[sflag:s6] =	ssyncadd.s32 $0xFFFFC000  }
0x1b6: {  	[spmem:s2] =	stream.indirect.scatter.add.f32 [tilespmem:s31], [sflag:$0x5], $0x80, s20, s30, $0xb8;
	[tilespmem:$0x1E000] =	vst v63  }
0x1b7: {  	_ =	swait.ge [sflag:s24], $0x4000  }
0x1b8: {  	[sflag:s24] =	ssyncset.done $0x0  }
0x1b9: {  	s20 =	simm.s32 $0x580;
	[sflag:s24] =	ssyncadd.s32 $0xFFFFC000  }
0x1ba: {  	[tilespmem:s31], [sflag:$0x2] =	stream.indirect.gather [hbm4b:s1+s30], $0x80, s20, s30, $0xb8;
	[tilespmem:$0x1E000] =	vst v63  }
0x1bb: {  	_ =	swait.ge [sflag:s0], $0x4000  }
0x1bc: {  	[sflag:s0] =	ssyncset.done $0x0  }
0x1bd: {  	s20 =	simm.s32 $0x1500;
	[sflag:s0] =	ssyncadd.s32 $0xFFFFC000  }
0x1be: {  	[spmem:s2] =	stream.indirect.scatter.add.f32 [tilespmem:s23], [sflag:$0x5], $0x80, s20, s30, $0xb8;
	[tilespmem:$0x1E000] =	vst v63  }
0x1bf: {  	_ =	swait.ge [sflag:s24], $0x4000  }
0x1c0: {  	[sflag:s24] =	ssyncset.done $0x0  }
0x1c1: {  	s20 =	simm.s32 $0x600;
	[sflag:s24] =	ssyncadd.s32 $0xFFFFC000  }
0x1c2: {  	[tilespmem:s23], [sflag:$0x1] =	stream.indirect.gather [hbm4b:s1+s30], $0x80, s20, s30, $0xb8;
	[tilespmem:$0x1E000] =	vst v63  }
0x1c3: {  	_ =	swait.ge [sflag:s6], $0x4000  }
0x1c4: {  	[sflag:s6] =	ssyncset.done $0x0  }
0x1c5: {  	s20 =	simm.s32 $0x1580;
	[sflag:s6] =	ssyncadd.s32 $0xFFFFC000  }
0x1c6: {  	[spmem:s2] =	stream.indirect.scatter.add.f32 [tilespmem:s31], [sflag:$0x5], $0x80, s20, s30, $0xb8;
	[tilespmem:$0x1E000] =	vst v63  }
0x1c7: {  	_ =	swait.ge [sflag:s24], $0x4000  }
0x1c8: {  	[sflag:s24] =	ssyncset.done $0x0  }
0x1c9: {  	s20 =	simm.s32 $0x680;
	[sflag:s24] =	ssyncadd.s32 $0xFFFFC000  }
0x1ca: {  	[tilespmem:s31], [sflag:$0x2] =	stream.indirect.gather [hbm4b:s1+s30], $0x80, s20, s30, $0xb8;
	[tilespmem:$0x1E000] =	vst v63  }
0x1cb: {  	_ =	swait.ge [sflag:s0], $0x4000  }
0x1cc: {  	[sflag:s0] =	ssyncset.done $0x0  }
0x1cd: {  	s20 =	simm.s32 $0x1600;
	[sflag:s0] =	ssyncadd.s32 $0xFFFFC000  }
0x1ce: {  	[spmem:s2] =	stream.indirect.scatter.add.f32 [tilespmem:s23], [sflag:$0x5], $0x80, s20, s30, $0xb8;
	[tilespmem:$0x1E000] =	vst v63  }
0x1cf: {  	_ =	swait.ge [sflag:s24], $0x4000  }
0x1d0: {  	[sflag:s24] =	ssyncset.done $0x0  }
0x1d1: {  	s20 =	simm.s32 $0x700;
	[sflag:s24] =	ssyncadd.s32 $0xFFFFC000  }
0x1d2: {  	[tilespmem:s23], [sflag:$0x1] =	stream.indirect.gather [hbm4b:s1+s30], $0x80, s20, s30, $0xb8;
	[tilespmem:$0x1E000] =	vst v63  }
0x1d3: {  	_ =	swait.ge [sflag:s6], $0x4000  }
0x1d4: {  	[sflag:s6] =	ssyncset.done $0x0  }
0x1d5: {  	s20 =	simm.s32 $0x1680;
	[sflag:s6] =	ssyncadd.s32 $0xFFFFC000  }
0x1d6: {  	[spmem:s2] =	stream.indirect.scatter.add.f32 [tilespmem:s31], [sflag:$0x5], $0x80, s20, s30, $0xb8;
	[tilespmem:$0x1E000] =	vst v63  }
0x1d7: {  	_ =	swait.ge [sflag:s24], $0x4000  }
0x1d8: {  	[sflag:s24] =	ssyncset.done $0x0  }
0x1d9: {  	s20 =	simm.s32 $0x780;
	[sflag:s24] =	ssyncadd.s32 $0xFFFFC000  }
0x1da: {  	[tilespmem:s31], [sflag:$0x2] =	stream.indirect.gather [hbm4b:s1+s30], $0x80, s20, s30, $0xb8;
	[tilespmem:$0x1E000] =	vst v63  }
0x1db: {  	_ =	swait.ge [sflag:s0], $0x4000  }
0x1dc: {  	[sflag:s0] =	ssyncset.done $0x0  }
0x1dd: {  	s20 =	simm.s32 $0x1700;
	[sflag:s0] =	ssyncadd.s32 $0xFFFFC000  }
0x1de: {  	[spmem:s2] =	stream.indirect.scatter.add.f32 [tilespmem:s23], [sflag:$0x5], $0x80, s20, s30, $0xb8;
	[tilespmem:$0x1E000] =	vst v63  }
0x1df: {  	_ =	swait.ge [sflag:s24], $0x4000  }
0x1e0: {  	[sflag:s24] =	ssyncset.done $0x0  }
0x1e1: {  	[sflag:s24] =	ssyncadd.s32 $0xFFFFC000  }
0x1e2: {  	_ =	swait.ge [sflag:s16], $0x800  }
0x1e3: {  	[sflag:s16] =	ssyncset.done $0x0  }
0x1e4: {  	[sflag:s16] =	ssyncadd.s32 $0xFFFFF800  }
0x1e5: {  	_ =	swait.ge [sflag:s17], $0x800  }
0x1e6: {  	[sflag:s17] =	ssyncset.done $0x0  }
0x1e7: {  	[sflag:s17] =	ssyncadd.s32 $0xFFFFF800  }
0x1e8: {  	[tilespmem:s23], [sflag:$0x1] =	stream.indirect.gather [hbm4b:s1+s30], $0x80, s29, s30, $0xb8;
	[tilespmem:$0x1E000] =	vst v63  }
0x1e9: {  	_ =	swait.ge [sflag:s6], $0x4000  }
0x1ea: {  	[sflag:s6] =	ssyncset.done $0x0  }
0x1eb: {  	s29 =	simm.s32 $0x1780;
	[sflag:s6] =	ssyncadd.s32 $0xFFFFC000  }
0x1ec: {  	[spmem:s2] =	stream.indirect.scatter.add.f32 [tilespmem:s31], [sflag:$0x5], $0x80, s29, s30, $0xb8;
	[tilespmem:$0x1E000] =	vst v63  }
0x1ed: {  	_ =	swait.ge [sflag:s24], $0x4000  }
0x1ee: {  	[sflag:s24] =	ssyncset.done $0x0  }
0x1ef: {  	s20 =	rddreg [dreg:$0xc];
	[sflag:s24] =	ssyncadd.s32 $0xFFFFC000  }
0x1f0: {  	[tilespmem:s4], [sflag:$0x3] =	stream.linear.gather [hbm4b:s20+s4], $0x800, $0x38;
	[tilespmem:$0x1E000] =	vst v63  }
0x1f1: {  	s20 =	rddreg [dreg:$0xd]  }
0x1f2: {  	[tilespmem:s3], [sflag:$0x4] =	stream.linear.gather [hbm4b:s20+s4], $0x800, $0x38;
	[tilespmem:$0x1E000] =	vst v63  }
0x1f3: {  	_ = 	snop  }
0x1f4: {  	[tilespmem:s31], [sflag:$0x2] =	stream.indirect.gather [hbm4b:s1+s30], $0x80, s26, s30, $0xb8;
	[tilespmem:$0x1E000] =	vst v63  }
0x1f5: {  	_ =	swait.ge [sflag:s0], $0x4000  }
0x1f6: {  	[sflag:s0] =	ssyncset.done $0x0  }
0x1f7: {  	[sflag:s0] =	ssyncadd.s32 $0xFFFFC000  }
0x1f8: {  	[spmem:s2] =	stream.indirect.scatter.add.f32 [tilespmem:s23], [sflag:$0x5], $0x80, s5, s30, $0xb8;
	[tilespmem:$0x1E000] =	vst v63  }
0x1f9: {  	_ =	swait.ge [sflag:s24], $0x4000  }
0x1fa: {  	[sflag:s24] =	ssyncset.done $0x0  }
0x1fb: {  	[sflag:s24] =	ssyncadd.s32 $0xFFFFC000  }
0x1fc: {  	[tilespmem:s23], [sflag:$0x1] =	stream.indirect.gather [hbm4b:s1+s30], $0x80, s8, s30, $0xb8;
	[tilespmem:$0x1E000] =	vst v63  }
0x1fd: {  	_ =	swait.ge [sflag:s6], $0x4000  }
0x1fe: {  	[sflag:s6] =	ssyncset.done $0x0  }
0x1ff: {  	[sflag:s6] =	ssyncadd.s32 $0xFFFFC000  }
0x200: {  	[spmem:s2] =	stream.indirect.scatter.add.f32 [tilespmem:s31], [sflag:$0x5], $0x80, s9, s30, $0xb8;
	[tilespmem:$0x1E000] =	vst v63  }
0x201: {  	_ =	swait.ge [sflag:s24], $0x4000  }
0x202: {  	[sflag:s24] =	ssyncset.done $0x0  }
0x203: {  	[sflag:s24] =	ssyncadd.s32 $0xFFFFC000  }
0x204: {  	[tilespmem:s31], [sflag:$0x2] =	stream.indirect.gather [hbm4b:s1+s30], $0x80, s10, s30, $0xb8;
	[tilespmem:$0x1E000] =	vst v63  }
0x205: {  	_ =	swait.ge [sflag:s0], $0x4000  }
0x206: {  	[sflag:s0] =	ssyncset.done $0x0  }
0x207: {  	[sflag:s0] =	ssyncadd.s32 $0xFFFFC000  }
0x208: {  	[spmem:s2] =	stream.indirect.scatter.add.f32 [tilespmem:s23], [sflag:$0x5], $0x80, s11, s30, $0xb8;
	[tilespmem:$0x1E000] =	vst v63  }
0x209: {  	_ =	swait.ge [sflag:s24], $0x4000  }
0x20a: {  	[sflag:s24] =	ssyncset.done $0x0  }
0x20b: {  	[sflag:s24] =	ssyncadd.s32 $0xFFFFC000  }
0x20c: {  	[tilespmem:s23], [sflag:$0x1] =	stream.indirect.gather [hbm4b:s1+s30], $0x80, s12, s30, $0xb8;
	[tilespmem:$0x1E000] =	vst v63  }
0x20d: {  	_ =	swait.ge [sflag:s6], $0x4000  }
0x20e: {  	[sflag:s6] =	ssyncset.done $0x0  }
0x20f: {  	[sflag:s6] =	ssyncadd.s32 $0xFFFFC000  }
0x210: {  	[spmem:s2] =	stream.indirect.scatter.add.f32 [tilespmem:s31], [sflag:$0x5], $0x80, s13, s30, $0xb8;
	[tilespmem:$0x1E000] =	vst v63  }
0x211: {  	_ =	swait.ge [sflag:s24], $0x4000  }
0x212: {  	[sflag:s24] =	ssyncset.done $0x0  }
0x213: {  	[sflag:s24] =	ssyncadd.s32 $0xFFFFC000  }
0x214: {  	[tilespmem:s31], [sflag:$0x2] =	stream.indirect.gather [hbm4b:s1+s30], $0x80, s14, s30, $0xb8;
	[tilespmem:$0x1E000] =	vst v63  }
0x215: {  	_ =	swait.ge [sflag:s0], $0x4000  }
0x216: {  	[sflag:s0] =	ssyncset.done $0x0  }
0x217: {  	[sflag:s0] =	ssyncadd.s32 $0xFFFFC000  }
0x218: {  	[spmem:s2] =	stream.indirect.scatter.add.f32 [tilespmem:s23], [sflag:$0x5], $0x80, s15, s30, $0xb8;
	[tilespmem:$0x1E000] =	vst v63  }
0x219: {  	_ =	swait.ge [sflag:s24], $0x4000  }
0x21a: {  	[sflag:s24] =	ssyncset.done $0x0  }
0x21b: {  	[sflag:s24] =	ssyncadd.s32 $0xFFFFC000  }
0x21c: {  	[tilespmem:s23], [sflag:$0x1] =	stream.indirect.gather [hbm4b:s1+s30], $0x80, s18, s30, $0xb8;
	[tilespmem:$0x1E000] =	vst v63  }
0x21d: {  	_ =	swait.ge [sflag:s6], $0x4000  }
0x21e: {  	[sflag:s6] =	ssyncset.done $0x0  }
0x21f: {  	[sflag:s6] =	ssyncadd.s32 $0xFFFFC000  }
0x220: {  	[spmem:s2] =	stream.indirect.scatter.add.f32 [tilespmem:s31], [sflag:$0x5], $0x80, s25, s30, $0xb8;
	[tilespmem:$0x1E000] =	vst v63  }
0x221: {  	_ =	swait.ge [sflag:s24], $0x4000  }
0x222: {  	[sflag:s24] =	ssyncset.done $0x0  }
0x223: {  	[sflag:s24] =	ssyncadd.s32 $0xFFFFC000  }
0x224: {  	[tilespmem:s31], [sflag:$0x2] =	stream.indirect.gather [hbm4b:s1+s30], $0x80, s28, s30, $0xb8;
	[tilespmem:$0x1E000] =	vst v63  }
0x225: {  	_ =	swait.ge [sflag:s0], $0x4000  }
0x226: {  	[sflag:s0] =	ssyncset.done $0x0  }
0x227: {  	[sflag:s0] =	ssyncadd.s32 $0xFFFFC000  }
0x228: {  	[spmem:s2] =	stream.indirect.scatter.add.f32 [tilespmem:s23], [sflag:$0x5], $0x80, s7, s30, $0xb8;
	[tilespmem:$0x1E000] =	vst v63  }
0x229: {  	_ =	swait.ge [sflag:s24], $0x4000  }
0x22a: {  	[sflag:s24] =	ssyncset.done $0x0  }
0x22b: {  	[sflag:s24] =	ssyncadd.s32 $0xFFFFC000  }
0x22c: {  	[tilespmem:s23], [sflag:$0x1] =	stream.indirect.gather [hbm4b:s1+s30], $0x80, s21, s30, $0xb8;
	[tilespmem:$0x1E000] =	vst v63  }
0x22d: {  	_ =	swait.ge [sflag:s6], $0x4000  }
0x22e: {  	[sflag:s6] =	ssyncset.done $0x0  }
0x22f: {  	[sflag:s6] =	ssyncadd.s32 $0xFFFFC000  }
0x230: {  	[spmem:s2] =	stream.indirect.scatter.add.f32 [tilespmem:s31], [sflag:$0x5], $0x80, s22, s30, $0xb8;
	[tilespmem:$0x1E000] =	vst v63  }
0x231: {  	_ =	swait.ge [sflag:s24], $0x4000  }
0x232: {  	[sflag:s24] =	ssyncset.done $0x0  }
0x233: {  	s21 =	simm.s32 $0xC80;
	[sflag:s24] =	ssyncadd.s32 $0xFFFFC000  }
0x234: {  	[tilespmem:s31], [sflag:$0x2] =	stream.indirect.gather [hbm4b:s1+s30], $0x80, s21, s30, $0xb8;
	[tilespmem:$0x1E000] =	vst v63  }
0x235: {  	_ =	swait.ge [sflag:s0], $0x4000  }
0x236: {  	[sflag:s0] =	ssyncset.done $0x0  }
0x237: {  	s22 =	simm.s32 $0x1C00;
	[sflag:s0] =	ssyncadd.s32 $0xFFFFC000  }
0x238: {  	[spmem:s2] =	stream.indirect.scatter.add.f32 [tilespmem:s23], [sflag:$0x5], $0x80, s22, s30, $0xb8;
	[tilespmem:$0x1E000] =	vst v63  }
0x239: {  	_ =	swait.ge [sflag:s24], $0x4000  }
0x23a: {  	[sflag:s24] =	ssyncset.done $0x0  }
0x23b: {  	s7 =	simm.s32 $0xD00;
	[sflag:s24] =	ssyncadd.s32 $0xFFFFC000  }
0x23c: {  	[tilespmem:s23], [sflag:$0x1] =	stream.indirect.gather [hbm4b:s1+s30], $0x80, s7, s30, $0xb8;
	[tilespmem:$0x1E000] =	vst v63  }
0x23d: {  	_ =	swait.ge [sflag:s6], $0x4000  }
0x23e: {  	[sflag:s6] =	ssyncset.done $0x0  }
0x23f: {  	s20 =	simm.s32 $0x1C80;
	[sflag:s6] =	ssyncadd.s32 $0xFFFFC000  }
0x240: {  	[spmem:s2] =	stream.indirect.scatter.add.f32 [tilespmem:s31], [sflag:$0x5], $0x80, s20, s30, $0xb8;
	[tilespmem:$0x1E000] =	vst v63  }
0x241: {  	_ =	swait.ge [sflag:s24], $0x4000  }
0x242: {  	[sflag:s24] =	ssyncset.done $0x0  }
0x243: {  	s21 =	simm.s32 $0xD80;
	[sflag:s24] =	ssyncadd.s32 $0xFFFFC000  }
0x244: {  	[tilespmem:s31], [sflag:$0x2] =	stream.indirect.gather [hbm4b:s1+s30], $0x80, s21, s30, $0xb8;
	[tilespmem:$0x1E000] =	vst v63  }
0x245: {  	_ =	swait.ge [sflag:s0], $0x4000  }
0x246: {  	[sflag:s0] =	ssyncset.done $0x0  }
0x247: {  	s22 =	simm.s32 $0x1D00;
	[sflag:s0] =	ssyncadd.s32 $0xFFFFC000  }
0x248: {  	[spmem:s2] =	stream.indirect.scatter.add.f32 [tilespmem:s23], [sflag:$0x5], $0x80, s22, s30, $0xb8;
	[tilespmem:$0x1E000] =	vst v63  }
0x249: {  	_ =	swait.ge [sflag:s24], $0x4000  }
0x24a: {  	[sflag:s24] =	ssyncset.done $0x0  }
0x24b: {  	s7 =	simm.s32 $0xE00;
	[sflag:s24] =	ssyncadd.s32 $0xFFFFC000  }
0x24c: {  	[tilespmem:s23], [sflag:$0x1] =	stream.indirect.gather [hbm4b:s1+s30], $0x80, s7, s30, $0xb8;
	[tilespmem:$0x1E000] =	vst v63  }
0x24d: {  	_ =	swait.ge [sflag:s6], $0x4000  }
0x24e: {  	[sflag:s6] =	ssyncset.done $0x0  }
0x24f: {  	s20 =	simm.s32 $0x1D80;
	[sflag:s6] =	ssyncadd.s32 $0xFFFFC000  }
0x250: {  	[spmem:s2] =	stream.indirect.scatter.add.f32 [tilespmem:s31], [sflag:$0x5], $0x80, s20, s30, $0xb8;
	[tilespmem:$0x1E000] =	vst v63  }
0x251: {  	_ =	swait.ge [sflag:s24], $0x4000  }
0x252: {  	[sflag:s24] =	ssyncset.done $0x0  }
0x253: {  	s21 =	simm.s32 $0xE80;
	[sflag:s24] =	ssyncadd.s32 $0xFFFFC000  }
0x254: {  	[tilespmem:s31], [sflag:$0x2] =	stream.indirect.gather [hbm4b:s1+s30], $0x80, s21, s30, $0xb8;
	[tilespmem:$0x1E000] =	vst v63  }
0x255: {  	_ =	swait.ge [sflag:s0], $0x4000  }
0x256: {  	[sflag:s0] =	ssyncset.done $0x0  }
0x257: {  	s22 =	simm.s32 $0x1E00;
	[sflag:s0] =	ssyncadd.s32 $0xFFFFC000  }
0x258: {  	[spmem:s2] =	stream.indirect.scatter.add.f32 [tilespmem:s23], [sflag:$0x5], $0x80, s22, s30, $0xb8;
	[tilespmem:$0x1E000] =	vst v63  }
0x259: {  	_ =	swait.ge [sflag:s24], $0x4000  }
0x25a: {  	[sflag:s24] =	ssyncset.done $0x0  }
0x25b: {  	s7 =	simm.s32 $0xF00;
	[sflag:s24] =	ssyncadd.s32 $0xFFFFC000  }
0x25c: {  	[tilespmem:s23], [sflag:$0x1] =	stream.indirect.gather [hbm4b:s1+s30], $0x80, s7, s30, $0xb8;
	[tilespmem:$0x1E000] =	vst v63  }
0x25d: {  	_ =	swait.ge [sflag:s6], $0x4000  }
0x25e: {  	[sflag:s6] =	ssyncset.done $0x0  }
0x25f: {  	s20 =	simm.s32 $0x1E80;
	[sflag:s6] =	ssyncadd.s32 $0xFFFFC000  }
0x260: {  	[spmem:s2] =	stream.indirect.scatter.add.f32 [tilespmem:s31], [sflag:$0x5], $0x80, s20, s30, $0xb8;
	[tilespmem:$0x1E000] =	vst v63  }
0x261: {  	_ =	swait.ge [sflag:s24], $0x4000  }
0x262: {  	[sflag:s24] =	ssyncset.done $0x0  }
0x263: {  	s21 =	simm.s32 $0xF80;
	[sflag:s24] =	ssyncadd.s32 $0xFFFFC000  }
0x264: {  	[tilespmem:s31], [sflag:$0x2] =	stream.indirect.gather [hbm4b:s1+s30], $0x80, s21, s30, $0xb8;
	[tilespmem:$0x1E000] =	vst v63  }
0x265: {  	_ =	swait.ge [sflag:s0], $0x4000  }
0x266: {  	[sflag:s0] =	ssyncset.done $0x0  }
0x267: {  	s22 =	simm.s32 $0x1F00;
	[sflag:s0] =	ssyncadd.s32 $0xFFFFC000  }
0x268: {  	[spmem:s2] =	stream.indirect.scatter.add.f32 [tilespmem:s23], [sflag:$0x5], $0x80, s22, s30, $0xb8;
	[tilespmem:$0x1E000] =	vst v63  }
0x269: {  	_ =	swait.ge [sflag:s24], $0x4000  }
0x26a: {  	[sflag:s24] =	ssyncset.done $0x0  }
0x26b: {  	[sflag:s24] =	ssyncadd.s32 $0xFFFFC000  }
0x26c: {  	_ =	swait.ge [sflag:s16], $0x800  }
0x26d: {  	[sflag:s16] =	ssyncset.done $0x0  }
0x26e: {  	[sflag:s16] =	ssyncadd.s32 $0xFFFFF800  }
0x26f: {  	_ =	swait.ge [sflag:s17], $0x800  }
0x270: {  	[sflag:s17] =	ssyncset.done $0x0  }
0x271: {  	[sflag:s17] =	ssyncadd.s32 $0xFFFFF800  }
0x272: {  	[tilespmem:s23], [sflag:$0x1] =	stream.indirect.gather [hbm4b:s1+s30], $0x80, s4, s30, $0xb8;
	[tilespmem:$0x1E000] =	vst v63  }
0x273: {  	_ =	swait.ge [sflag:s6], $0x4000  }
0x274: {  	[sflag:s6] =	ssyncset.done $0x0  }
0x275: {  	s7 =	simm.s32 $0x1F80;
	[sflag:s6] =	ssyncadd.s32 $0xFFFFC000  }
0x276: {  	[spmem:s2] =	stream.indirect.scatter.add.f32 [tilespmem:s31], [sflag:$0x5], $0x80, s7, s30, $0xb8;
	[tilespmem:$0x1E000] =	vst v63  }
0x277: {  	_ =	swait.ge [sflag:s24], $0x4000  }
0x278: {  	[sflag:s24] =	ssyncset.done $0x0  }
0x279: {  	[sflag:s24] =	ssyncadd.s32 $0xFFFFC000  }
0x27a: {  	[tilespmem:s31], [sflag:$0x2] =	stream.indirect.gather [hbm4b:s1+s30], $0x80, s30, s30, $0xb8;
	[tilespmem:$0x1E000] =	vst v63  }
0x27b: {  	_ =	swait.ge [sflag:s0], $0x4000  }
0x27c: {  	[sflag:s0] =	ssyncset.done $0x0  }
0x27d: {  	[sflag:s0] =	ssyncadd.s32 $0xFFFFC000  }
0x27e: {  	[spmem:s2] =	stream.indirect.scatter.add.f32 [tilespmem:s23], [sflag:$0x5], $0x80, s3, s30, $0xb8;
	[tilespmem:$0x1E000] =	vst v63  }
0x27f: {  	_ =	swait.ge [sflag:s24], $0x4000  }
0x280: {  	[sflag:s24] =	ssyncset.done $0x0  }
0x281: {  	s20 =	simm.s32 $0x100;
	[sflag:s24] =	ssyncadd.s32 $0xFFFFC000  }
0x282: {  	[tilespmem:s23], [sflag:$0x1] =	stream.indirect.gather [hbm4b:s1+s30], $0x80, s20, s30, $0xb8;
	[tilespmem:$0x1E000] =	vst v63  }
0x283: {  	_ =	swait.ge [sflag:s6], $0x4000  }
0x284: {  	[sflag:s6] =	ssyncset.done $0x0  }
0x285: {  	s21 =	simm.s32 $0x1080;
	[sflag:s6] =	ssyncadd.s32 $0xFFFFC000  }
0x286: {  	[spmem:s2] =	stream.indirect.scatter.add.f32 [tilespmem:s31], [sflag:$0x5], $0x80, s21, s30, $0xb8;
	[tilespmem:$0x1E000] =	vst v63  }
0x287: {  	_ =	swait.ge [sflag:s24], $0x4000  }
0x288: {  	[sflag:s24] =	ssyncset.done $0x0  }
0x289: {  	s22 =	simm.s32 $0x180;
	[sflag:s24] =	ssyncadd.s32 $0xFFFFC000  }
0x28a: {  	[tilespmem:s31], [sflag:$0x2] =	stream.indirect.gather [hbm4b:s1+s30], $0x80, s22, s30, $0xb8;
	[tilespmem:$0x1E000] =	vst v63  }
0x28b: {  	_ =	swait.ge [sflag:s0], $0x4000  }
0x28c: {  	[sflag:s0] =	ssyncset.done $0x0  }
0x28d: {  	s5 =	simm.s32 $0x1100;
	[sflag:s0] =	ssyncadd.s32 $0xFFFFC000  }
0x28e: {  	[spmem:s2] =	stream.indirect.scatter.add.f32 [tilespmem:s23], [sflag:$0x5], $0x80, s5, s30, $0xb8;
	[tilespmem:$0x1E000] =	vst v63  }
0x28f: {  	_ =	swait.ge [sflag:s24], $0x4000  }
0x290: {  	[sflag:s24] =	ssyncset.done $0x0  }
0x291: {  	s7 =	simm.s32 $0x200;
	[sflag:s24] =	ssyncadd.s32 $0xFFFFC000  }
0x292: {  	[tilespmem:s23], [sflag:$0x1] =	stream.indirect.gather [hbm4b:s1+s30], $0x80, s7, s30, $0xb8;
	[tilespmem:$0x1E000] =	vst v63  }
0x293: {  	_ =	swait.ge [sflag:s6], $0x4000  }
0x294: {  	[sflag:s6] =	ssyncset.done $0x0  }
0x295: {  	s20 =	simm.s32 $0x1180;
	[sflag:s6] =	ssyncadd.s32 $0xFFFFC000  }
0x296: {  	[spmem:s2] =	stream.indirect.scatter.add.f32 [tilespmem:s31], [sflag:$0x5], $0x80, s20, s30, $0xb8;
	[tilespmem:$0x1E000] =	vst v63  }
0x297: {  	_ =	swait.ge [sflag:s24], $0x4000  }
0x298: {  	[sflag:s24] =	ssyncset.done $0x0  }
0x299: {  	s21 =	simm.s32 $0x280;
	[sflag:s24] =	ssyncadd.s32 $0xFFFFC000  }
0x29a: {  	[tilespmem:s31], [sflag:$0x2] =	stream.indirect.gather [hbm4b:s1+s30], $0x80, s21, s30, $0xb8;
	[tilespmem:$0x1E000] =	vst v63  }
0x29b: {  	_ =	swait.ge [sflag:s0], $0x4000  }
0x29c: {  	[sflag:s0] =	ssyncset.done $0x0  }
0x29d: {  	s22 =	simm.s32 $0x1200;
	[sflag:s0] =	ssyncadd.s32 $0xFFFFC000  }
0x29e: {  	[spmem:s2] =	stream.indirect.scatter.add.f32 [tilespmem:s23], [sflag:$0x5], $0x80, s22, s30, $0xb8;
	[tilespmem:$0x1E000] =	vst v63  }
0x29f: {  	_ =	swait.ge [sflag:s24], $0x4000  }
0x2a0: {  	[sflag:s24] =	ssyncset.done $0x0  }
0x2a1: {  	s5 =	simm.s32 $0x300;
	[sflag:s24] =	ssyncadd.s32 $0xFFFFC000  }
0x2a2: {  	[tilespmem:s23], [sflag:$0x1] =	stream.indirect.gather [hbm4b:s1+s30], $0x80, s5, s30, $0xb8;
	[tilespmem:$0x1E000] =	vst v63  }
0x2a3: {  	_ =	swait.ge [sflag:s6], $0x4000  }
0x2a4: {  	[sflag:s6] =	ssyncset.done $0x0  }
0x2a5: {  	s7 =	simm.s32 $0x1280;
	[sflag:s6] =	ssyncadd.s32 $0xFFFFC000  }
0x2a6: {  	[spmem:s2] =	stream.indirect.scatter.add.f32 [tilespmem:s31], [sflag:$0x5], $0x80, s7, s30, $0xb8;
	[tilespmem:$0x1E000] =	vst v63  }
0x2a7: {  	_ =	swait.ge [sflag:s24], $0x4000  }
0x2a8: {  	[sflag:s24] =	ssyncset.done $0x0  }
0x2a9: {  	s20 =	simm.s32 $0x380;
	[sflag:s24] =	ssyncadd.s32 $0xFFFFC000  }
0x2aa: {  	[tilespmem:s31], [sflag:$0x2] =	stream.indirect.gather [hbm4b:s1+s30], $0x80, s20, s30, $0xb8;
	[tilespmem:$0x1E000] =	vst v63  }
0x2ab: {  	_ =	swait.ge [sflag:s0], $0x4000  }
0x2ac: {  	[sflag:s0] =	ssyncset.done $0x0  }
0x2ad: {  	s21 =	simm.s32 $0x1300;
	[sflag:s0] =	ssyncadd.s32 $0xFFFFC000  }
0x2ae: {  	[spmem:s2] =	stream.indirect.scatter.add.f32 [tilespmem:s23], [sflag:$0x5], $0x80, s21, s30, $0xb8;
	[tilespmem:$0x1E000] =	vst v63  }
0x2af: {  	_ =	swait.ge [sflag:s24], $0x4000  }
0x2b0: {  	[sflag:s24] =	ssyncset.done $0x0  }
0x2b1: {  	s22 =	simm.s32 $0x400;
	[sflag:s24] =	ssyncadd.s32 $0xFFFFC000  }
0x2b2: {  	[tilespmem:s23], [sflag:$0x1] =	stream.indirect.gather [hbm4b:s1+s30], $0x80, s22, s30, $0xb8;
	[tilespmem:$0x1E000] =	vst v63  }
0x2b3: {  	_ =	swait.ge [sflag:s6], $0x4000  }
0x2b4: {  	[sflag:s6] =	ssyncset.done $0x0  }
0x2b5: {  	s5 =	simm.s32 $0x1380;
	[sflag:s6] =	ssyncadd.s32 $0xFFFFC000  }
0x2b6: {  	[spmem:s2] =	stream.indirect.scatter.add.f32 [tilespmem:s31], [sflag:$0x5], $0x80, s5, s30, $0xb8;
	[tilespmem:$0x1E000] =	vst v63  }
0x2b7: {  	_ =	swait.ge [sflag:s24], $0x4000  }
0x2b8: {  	[sflag:s24] =	ssyncset.done $0x0  }
0x2b9: {  	s7 =	simm.s32 $0x480;
	[sflag:s24] =	ssyncadd.s32 $0xFFFFC000  }
0x2ba: {  	[tilespmem:s31], [sflag:$0x2] =	stream.indirect.gather [hbm4b:s1+s30], $0x80, s7, s30, $0xb8;
	[tilespmem:$0x1E000] =	vst v63  }
0x2bb: {  	_ =	swait.ge [sflag:s0], $0x4000  }
0x2bc: {  	[sflag:s0] =	ssyncset.done $0x0  }
0x2bd: {  	s20 =	simm.s32 $0x1400;
	[sflag:s0] =	ssyncadd.s32 $0xFFFFC000  }
0x2be: {  	[spmem:s2] =	stream.indirect.scatter.add.f32 [tilespmem:s23], [sflag:$0x5], $0x80, s20, s30, $0xb8;
	[tilespmem:$0x1E000] =	vst v63  }
0x2bf: {  	_ =	swait.ge [sflag:s24], $0x4000  }
0x2c0: {  	[sflag:s24] =	ssyncset.done $0x0  }
0x2c1: {  	s21 =	simm.s32 $0x500;
	[sflag:s24] =	ssyncadd.s32 $0xFFFFC000  }
0x2c2: {  	[tilespmem:s23], [sflag:$0x1] =	stream.indirect.gather [hbm4b:s1+s30], $0x80, s21, s30, $0xb8;
	[tilespmem:$0x1E000] =	vst v63  }
0x2c3: {  	_ =	swait.ge [sflag:s6], $0x4000  }
0x2c4: {  	[sflag:s6] =	ssyncset.done $0x0  }
0x2c5: {  	s22 =	simm.s32 $0x1480;
	[sflag:s6] =	ssyncadd.s32 $0xFFFFC000  }
0x2c6: {  	[spmem:s2] =	stream.indirect.scatter.add.f32 [tilespmem:s31], [sflag:$0x5], $0x80, s22, s30, $0xb8;
	[tilespmem:$0x1E000] =	vst v63  }
0x2c7: {  	_ =	swait.ge [sflag:s24], $0x4000  }
0x2c8: {  	[sflag:s24] =	ssyncset.done $0x0  }
0x2c9: {  	s5 =	simm.s32 $0x580;
	[sflag:s24] =	ssyncadd.s32 $0xFFFFC000  }
0x2ca: {  	[tilespmem:s31], [sflag:$0x2] =	stream.indirect.gather [hbm4b:s1+s30], $0x80, s5, s30, $0xb8;
	[tilespmem:$0x1E000] =	vst v63  }
0x2cb: {  	_ =	swait.ge [sflag:s0], $0x4000  }
0x2cc: {  	[sflag:s0] =	ssyncset.done $0x0  }
0x2cd: {  	s7 =	simm.s32 $0x1500;
	[sflag:s0] =	ssyncadd.s32 $0xFFFFC000  }
0x2ce: {  	[spmem:s2] =	stream.indirect.scatter.add.f32 [tilespmem:s23], [sflag:$0x5], $0x80, s7, s30, $0xb8;
	[tilespmem:$0x1E000] =	vst v63  }
0x2cf: {  	_ =	swait.ge [sflag:s24], $0x4000  }
0x2d0: {  	[sflag:s24] =	ssyncset.done $0x0  }
0x2d1: {  	s20 =	simm.s32 $0x600;
	[sflag:s24] =	ssyncadd.s32 $0xFFFFC000  }
0x2d2: {  	[tilespmem:s23], [sflag:$0x1] =	stream.indirect.gather [hbm4b:s1+s30], $0x80, s20, s30, $0xb8;
	[tilespmem:$0x1E000] =	vst v63  }
0x2d3: {  	_ =	swait.ge [sflag:s6], $0x4000  }
0x2d4: {  	[sflag:s6] =	ssyncset.done $0x0  }
0x2d5: {  	s21 =	simm.s32 $0x1580;
	[sflag:s6] =	ssyncadd.s32 $0xFFFFC000  }
0x2d6: {  	[spmem:s2] =	stream.indirect.scatter.add.f32 [tilespmem:s31], [sflag:$0x5], $0x80, s21, s30, $0xb8;
	[tilespmem:$0x1E000] =	vst v63  }
0x2d7: {  	_ =	swait.ge [sflag:s24], $0x4000  }
0x2d8: {  	[sflag:s24] =	ssyncset.done $0x0  }
0x2d9: {  	s22 =	simm.s32 $0x680;
	[sflag:s24] =	ssyncadd.s32 $0xFFFFC000  }
0x2da: {  	[tilespmem:s31], [sflag:$0x2] =	stream.indirect.gather [hbm4b:s1+s30], $0x80, s22, s30, $0xb8;
	[tilespmem:$0x1E000] =	vst v63  }
0x2db: {  	_ =	swait.ge [sflag:s0], $0x4000  }
0x2dc: {  	[sflag:s0] =	ssyncset.done $0x0  }
0x2dd: {  	s5 =	simm.s32 $0x1600;
	[sflag:s0] =	ssyncadd.s32 $0xFFFFC000  }
0x2de: {  	[spmem:s2] =	stream.indirect.scatter.add.f32 [tilespmem:s23], [sflag:$0x5], $0x80, s5, s30, $0xb8;
	[tilespmem:$0x1E000] =	vst v63  }
0x2df: {  	_ =	swait.ge [sflag:s24], $0x4000  }
0x2e0: {  	[sflag:s24] =	ssyncset.done $0x0  }
0x2e1: {  	s7 =	simm.s32 $0x700;
	[sflag:s24] =	ssyncadd.s32 $0xFFFFC000  }
0x2e2: {  	[tilespmem:s23], [sflag:$0x1] =	stream.indirect.gather [hbm4b:s1+s30], $0x80, s7, s30, $0xb8;
	[tilespmem:$0x1E000] =	vst v63  }
0x2e3: {  	_ =	swait.ge [sflag:s6], $0x4000  }
0x2e4: {  	[sflag:s6] =	ssyncset.done $0x0  }
0x2e5: {  	s20 =	simm.s32 $0x1680;
	[sflag:s6] =	ssyncadd.s32 $0xFFFFC000  }
0x2e6: {  	[spmem:s2] =	stream.indirect.scatter.add.f32 [tilespmem:s31], [sflag:$0x5], $0x80, s20, s30, $0xb8;
	[tilespmem:$0x1E000] =	vst v63  }
0x2e7: {  	_ =	swait.ge [sflag:s24], $0x4000  }
0x2e8: {  	[sflag:s24] =	ssyncset.done $0x0  }
0x2e9: {  	s21 =	simm.s32 $0x780;
	[sflag:s24] =	ssyncadd.s32 $0xFFFFC000  }
0x2ea: {  	[tilespmem:s31], [sflag:$0x2] =	stream.indirect.gather [hbm4b:s1+s30], $0x80, s21, s30, $0xb8;
	[tilespmem:$0x1E000] =	vst v63  }
0x2eb: {  	_ =	swait.ge [sflag:s0], $0x4000  }
0x2ec: {  	[sflag:s0] =	ssyncset.done $0x0  }
0x2ed: {  	s22 =	simm.s32 $0x1700;
	[sflag:s0] =	ssyncadd.s32 $0xFFFFC000  }
0x2ee: {  	[spmem:s2] =	stream.indirect.scatter.add.f32 [tilespmem:s23], [sflag:$0x5], $0x80, s22, s30, $0xb8;
	[tilespmem:$0x1E000] =	vst v63  }
0x2ef: {  	_ =	swait.ge [sflag:s24], $0x4000  }
0x2f0: {  	[sflag:s24] =	ssyncset.done $0x0  }
0x2f1: {  	[sflag:s24] =	ssyncadd.s32 $0xFFFFC000  }
0x2f2: {  	_ =	swait.ge [sflag:s6], $0x4000  }
0x2f3: {  	[sflag:s6] =	ssyncset.done $0x0  }
0x2f4: {  	s29 =	simm.s32 $0x1780;
	[sflag:s6] =	ssyncadd.s32 $0xFFFFC000  }
0x2f5: {  	[spmem:s2] =	stream.indirect.scatter.add.f32 [tilespmem:s31], [sflag:$0x5], $0x80, s29, s30, $0xb8;
	[tilespmem:$0x1E000] =	vst v63  }
0x2f6: {  	_ =	swait.ge [sflag:s24], $0x4000  }
0x2f7: {  	[sflag:s24] =	ssyncset.done $0x0  }
0x2f8: {  	[sflag:s24] =	ssyncadd.s32 $0xFFFFC000  }
0x2f9: {  	[bflag:$0x0] =	sbarrier.arrive $0xFFFF  }
0x2fa: {  	s21 =	rddreg [dreg:$0xf]  }
0x2fb: {  	s20 =	simm.s32 @p0 $0x1FC5;
	s22 =	rddreg [dreg:$0x15]  }
0x2fc: {  	[hbm:s21], [sflag:s20] =	dma.local @p0 [spmem:s22], $0x1900  }
0x2fd: {  	s20 =	simm.s32 @p0 $0x5  }
0x2fe: {  	_ =	swait.ge @p0 [sflag:s20], $0x1900  }
0x2ff: {  	s21 =	stileid.u32;
	s3 =	rddreg [dreg:$0x16]  }
0x300: {  	s21 =	sshll.u32 @!p0 s21, $0x6;
	[sflag:s20] =	ssyncset.done @p0 $0x0;
	s22 =	rddreg [dreg:$0xe]  }
0x301: {  	[sflag:s20] =	ssyncadd.s32 @p0 $0xFFFFE700;
	s20 =	sor.u32 @!p0 $0x1C05, s21;
	s21 =	sshrl.u32 @!p0 s3, $0x3  }
0x302: {  	[hbm:s22], [sflag:s20] =	dma.local @!p0 [spmem:s21], $0x2800  }
0x303: {  	s20 =	simm.s32 @!p0 $0x5  }
0x304: {  	_ =	swait.ge @!p0 [sflag:s20], $0x2800  }
0x305: {  	s19 =	sadd.s32 $0x1, s19;
	s29 =	rddreg [dreg:$0x10]  }
0x306: {  	p1 =	sne.s32 s19, s29  }
.Ltmp1:
0x307: {  	_ = 	snop;
	(pc) =	sbr.rel @p1 .LBB2_1-.Ltmp1, $3  }
0x308: {  	_ =	sdelay $0x1  }
0x309: {  	[sflag:s20] =	ssyncset.done @!p0 $0x0  }
0x30a: {  	[sflag:s20] =	ssyncadd.s32 @!p0 $0xFFFFD800  }
0x30b: {  	_ =	sfence.sel $0x180000  }
0x30c: {  	[bflag:$0x0] =	sbarrier.arrive $0xFFFF  }
0x30d: {  	_ =	strace $0x90000047  }
0x30e: {  	s0 =	stileid.u32;
	[bflag:$0x2] =	sbarrier.arrive $0xFFFF  }
0x30f: {  	p0 =	sne.s32 s0, $0x0;
	s0 =	rddreg [dreg:$0x3]  }
0x310: {  	s0 =	sadd.s32 @!p0 $0x100000, s0  }
0x311: {  	[sflag:s0] =	ssyncadd.tile.s32 @!p0 $0x1;
	_ =	shalt  }
.Lfunc_end2:
_tile_overlayer_lowered:
.L_overlay_start_2:
0x312: {  	(tag) =	ssettag $0x2  }
0x313: {  	s0 =	rddreg [dreg:$0x0];
	s2 =	stileid.u32  }
0x314: {  	s1 =	rddreg [dreg:$0x1];
	p0 =	sne.s32 s2, $0x0  }
0x315: {  	s3 =	rddreg [dreg:$0x2];
	[bflag:$0x3] =	sbarrier.arrive $0xFFFF;
	s2 =	simm.s32 @!p0 $0x1C05  }
0x316: {  	[timem:s3], [sflag:s2] =	dma.local @!p0 [hbm:s0], s1  }
0x317: {  	s0 =	simm.s32 @!p0 $0x5  }
0x318: {  	_ =	swait.ge @!p0 [sflag:s0], s1  }
0x319: {  	s1 =	ssub.s32 @!p0 $0x0, s1;
	[sflag:s0] =	ssyncset.done @!p0 $0x0  }
0x31a: {  	[sflag:s0] =	ssyncadd.s32 @!p0 s1  }
0x31b: {  	[bflag:$0x3] =	sbarrier.arrive $0xFFFF  }
0x31c: {  	_ =	shalt  }

</sc_bundles>
